<compile_context>
chip_gen: v7x
topology: tpu7x:2x2x1
jax: 0.10.2.dev20260603
libtpu: 0.0.44.dev20260713+nightly
codegen_flags: <defaults>
</compile_context>

<pallas_src>
import functools

import numpy as np
import jax
import jax.numpy as jnp
from jax import lax
from jax.experimental import pallas as pl
from jax.experimental.pallas import tpu as pltpu
from jax.experimental.pallas import tpu_sc as plsc

H, W = 384, 512
HW = H * W
FX, FY = 518.8579, 519.4696
U0, V0 = float(W // 2), float(H // 2)
DELTA_Z = 0.0001
G = int(HW * 0.15)
S = 232 * 128
SROWS = 232
NTAB = 8
CROWS = 176
CHUNK = CROWS * 128
OUTROWS = 4 * CROWS


def _build_points():
    rng = np.random.RandomState(0)
    n = G
    ps = []
    for _ in range(3):
        p = rng.choice(HW, n, replace=True)
        rng.shuffle(p)
        ps.append(p.astype(np.int64))
    return ps


_P1, _P2, _P3 = _build_points()

_IDX = np.zeros(3 * S, np.int32)
_XU = np.zeros((3, SROWS, 128), np.float32)
_YV = np.zeros((3, SROWS, 128), np.float32)
for _j, _p in enumerate((_P1, _P2, _P3)):
    _IDX[_j * S:_j * S + G] = _p.astype(np.int32)
    _xu = np.zeros(S, np.float32)
    _yv = np.zeros(S, np.float32)
    _xu[:G] = (((_p % W).astype(np.float64) - U0) / FX).astype(np.float32)
    _yv[:G] = (((_p // W).astype(np.float64) - V0) / FY).astype(np.float32)
    _XU[_j] = _xu.reshape(SROWS, 128)
    _YV[_j] = _yv.reshape(SROWS, 128)
EI = HW // 8
BK = 3200
NB = BK // 128

_PKD = np.zeros((4, 8, BK), np.int32)
for _c in range(4):
    _lo, _hi = _c * CHUNK, min((_c + 1) * CHUNK, 3 * S)
    _slots = _IDX[_lo:_hi]
    for _e in range(8):
        _sel = np.nonzero((_slots >= _e * EI) & (_slots < (_e + 1) * EI))[0]
        _n = len(_sel)
        assert _n <= BK
        _pix = np.zeros(BK, np.int32)
        _dst = np.zeros(BK, np.int32)
        _pix[:_n] = _slots[_sel] - _e * EI
        _dst[:_n] = _sel
        _dst[_n:] = CHUNK + (np.arange(BK - _n) % 16)
        _PKD[_c, _e] = _pix | (_dst << 15)

_NC = 2


def _sc_gather_body(gt_hbm, pred_hbm, pkd_hbm, out_hbm,
                    buf0, buf1, pk0, pk1, out_v, sem0, sem1):
    cid = lax.axis_index("c")
    sid = lax.axis_index("s")
    wid = sid * _NC + cid
    t = wid // 4
    chunk = wid - t * 4
    bufs = ((buf0, sem0), (buf1, sem1))

    def pipeline(img_hbm, b):
        def start(e):
            qb, sm = bufs[e % 2]
            ro = pl.multiple_of(e * (H // 8), 8)
            pltpu.async_copy(img_hbm.at[b, pl.ds(ro, H // 8)], qb, sm)
            po = pl.multiple_of(e * BK, 8)
            pltpu.async_copy(pkd_hbm.at[chunk, pl.ds(po, BK)],
                             (pk0, pk1)[e % 2], sm)

        start(0)
        start(1)

        def pair(e2, carry):
            for half in range(2):
                e = e2 * 2 + half
                qb, sm = bufs[half]
                pk_all = (pk0, pk1)[half]
                pltpu.make_async_copy(img_hbm.at[0, pl.ds(0, H // 8)],
                                      qb, sm).wait()
                pltpu.make_async_copy(pkd_hbm.at[0, pl.ds(0, BK)],
                                      pk_all, sm).wait()

                def inner(i, c):
                    for s in range(8):
                        v16 = pk_all[pl.ds(i * 128 + s * 16, 16)]
                        p16 = v16 & 0x7FFF
                        pr16 = lax.shift_right_logical(p16, 9)
                        pc16 = p16 & 511
                        d16 = lax.shift_right_logical(v16, 15)
                        r16 = lax.shift_right_logical(d16, 7)
                        c16 = d16 & 127
                        plsc.store_scatter(out_v, [r16, c16],
                                           plsc.load_gather(qb, [pr16, pc16]))
                    return c

                lax.fori_loop(0, NB, inner, 0)

                @pl.when(e2 < 3)
                def _():
                    en = e + 2
                    ro = pl.multiple_of(en * (H // 8), 8)
                    pltpu.async_copy(img_hbm.at[b, pl.ds(ro, H // 8)], qb, sm)
                    po = pl.multiple_of(en * BK, 8)
                    pltpu.async_copy(pkd_hbm.at[chunk, pl.ds(po, BK)],
                                     pk_all, sm)
            return carry

        lax.fori_loop(0, 4, pair, 0)

    @pl.when(t < 4)
    def _():
        pipeline(gt_hbm, t)

    @pl.when(t >= 4)
    def _():
        pipeline(pred_hbm, t - 4)

    off = pl.multiple_of(chunk * CROWS, 8)
    pltpu.sync_copy(out_v.at[pl.ds(0, CROWS)],
                    out_hbm.at[t, pl.ds(off, CROWS)])


@functools.cache
def _sc_gather():
    return functools.partial(
        pl.kernel,
        mesh=plsc.VectorSubcoreMesh(core_axis_name="c", subcore_axis_name="s"),
        out_type=jax.ShapeDtypeStruct((NTAB, OUTROWS, 128), jnp.float32),
        scratch_types=[
            pltpu.VMEM((H // 8, W), jnp.float32),
            pltpu.VMEM((H // 8, W), jnp.float32),
            pltpu.VMEM((BK,), jnp.int32),
            pltpu.VMEM((BK,), jnp.int32),
            pltpu.VMEM((CROWS + 1, 128), jnp.float32),
            pltpu.SemaphoreType.DMA,
            pltpu.SemaphoreType.DMA,
        ],
        compiler_params=pltpu.CompilerParams(needs_layout_passes=False),
    )(_sc_gather_body)


def _coords(d, xu, yv):
    ad = jnp.abs(d)
    return xu * ad, yv * ad, d


def _tc_body(g_ref, xu_ref, yv_ref, out_ref, bits_ref):
    rows = lax.broadcasted_iota(jnp.int32, (SROWS, 128), 0)
    lanes = lax.broadcasted_iota(jnp.int32, (SROWS, 128), 1)
    in_range = (rows * 128 + lanes) < G

    xu = [xu_ref[j] for j in range(3)]
    yv = [yv_ref[j] for j in range(3)]

    ksum = jnp.int32(0)
    lsum = jnp.float32(0.0)
    for b in range(4):
        gx, gy, gz = [], [], []
        for j in range(3):
            x, y, z = _coords(g_ref[b, pl.ds(j * SROWS, SROWS)], xu[j], yv[j])
            gx.append(x)
            gy.append(y)
            gz.append(z)
        pairs = ((1, 0), (2, 0), (2, 1))
        dx = [gx[a] - gx[c] for a, c in pairs]
        dy = [gy[a] - gy[c] for a, c in pairs]
        dz = [gz[a] - gz[c] for a, c in pairs]
        nrm = [jnp.sqrt(dx[i] * dx[i] + dy[i] * dy[i] + dz[i] * dz[i])
               for i in range(3)]
        cnt = jnp.zeros((SROWS, 128), jnp.int32)
        for i in range(3):
            for j in range(i, 3):
                e = dx[i] * dx[j] + dy[i] * dy[j] + dz[i] * dz[j]
                hit = jnp.abs(e) > 0.867 * (nrm[i] * nrm[j] + 1e-8)
                cnt = cnt + hit.astype(jnp.int32) * (1 if i == j else 2)
        mask_cos = cnt > 3
        mask_pad = (gz[0] > DELTA_Z) & (gz[1] > DELTA_Z) & (gz[2] > DELTA_Z)
        mask_x = ((jnp.abs(dx[0]) < 0.005) | (jnp.abs(dx[1]) < 0.005)
                  | (jnp.abs(dx[2]) < 0.005))
        mask_y = ((jnp.abs(dy[0]) < 0.005) | (jnp.abs(dy[1]) < 0.005)
                  | (jnp.abs(dy[2]) < 0.005))
        mask_z = ((jnp.abs(dz[0]) < 0.005) | (jnp.abs(dz[1]) < 0.005)
                  | (jnp.abs(dz[2]) < 0.005))
        valid = mask_pad & ~((mask_x & mask_y & mask_z) | mask_cos) & in_range

        ex, ey, ez = [], [], []
        for j in range(3):
            x, y, z = _coords(g_ref[4 + b, pl.ds(j * SROWS, SROWS)],
                              xu[j], yv[j])
            ex.append(x)
            ey.append(y)
            ez.append(z)
        cx = ez[0] == 0.0
        cy = ez[1] == 0.0
        cz = ez[2] == 0.0
        for j in range(3):
            ex[j] = jnp.where(cx, 0.0001, ex[j])
            ey[j] = jnp.where(cy, 0.0001, ey[j])
            ez[j] = jnp.where(cz, 0.0001, ez[j])

        def cross(ax, ay, az, bx, by, bz):
            return (ay * bz - az * by, az * bx - ax * bz, ax * by - ay * bx)

        gnx, gny, gnz = cross(dx[0], dy[0], dz[0], dx[1], dy[1], dz[1])
        e12 = (ex[1] - ex[0], ey[1] - ey[0], ez[1] - ez[0])
        e13 = (ex[2] - ex[0], ey[2] - ey[0], ez[2] - ez[0])
        dnx, dny, dnz = cross(*e12, *e13)
        gn = jnp.sqrt(gnx * gnx + gny * gny + gnz * gnz)
        dn = jnp.sqrt(dnx * dnx + dny * dny + dnz * dnz)
        gn = gn + (gn == 0.0).astype(jnp.float32) * 0.01
        dn = dn + (dn == 0.0).astype(jnp.float32) * 0.01
        ig = 1.0 / gn
        idn = 1.0 / dn
        loss = (jnp.abs(gnx * ig - dnx * idn) + jnp.abs(gny * ig - dny * idn)
                + jnp.abs(gnz * ig - dnz * idn))

        bits_ref[b] = jnp.where(valid, lax.bitcast_convert_type(loss, jnp.int32),
                                jnp.int32(0x7FFFFFFF))
        ksum = ksum + jnp.sum(valid.astype(jnp.int32))
        lsum = lsum + jnp.sum(jnp.where(valid, loss, 0.0))

    q = ksum // 4

    def bis(_, lohi):
        lo, hi = lohi
        mid = lo + (hi - lo) // 2
        c = jnp.sum((bits_ref[...] <= mid).astype(jnp.int32))
        p = c >= q
        return jnp.where(p, lo, mid + 1), jnp.where(p, mid, hi)

    lo, hi = lax.fori_loop(0, 31, bis,
                           (jnp.int32(0), jnp.int32(0x7F800000)))
    v_bits = hi
    v_val = lax.bitcast_convert_type(v_bits, jnp.float32)
    allb = bits_ref[...]
    less = allb < v_bits
    c_less = jnp.sum(less.astype(jnp.int32))
    sum_less = jnp.sum(jnp.where(less, lax.bitcast_convert_type(allb, jnp.float32),
                                 0.0))
    sum_small = sum_less + (q - c_less).astype(jnp.float32) * v_val
    total = lsum - sum_small
    count = (ksum - q).astype(jnp.float32)
    out_ref[...] = jnp.full((1, 1), total / count, jnp.float32)


_tc_call = pl.pallas_call(
    _tc_body,
    out_shape=jax.ShapeDtypeStruct((1, 1), jnp.float32),
    scratch_shapes=[pltpu.VMEM((4, SROWS, 128), jnp.int32)],
)


def kernel(gt_depth, pred_depth):
    g = _sc_gather()(gt_depth.reshape(4, H, W), pred_depth.reshape(4, H, W),
                     jnp.asarray(_PKD.reshape(4, 8 * BK)))
    out = _tc_call(g, jnp.asarray(_XU), jnp.asarray(_YV))
    return out[0, 0]

# --- scband reference (transcript-rebuilt; emitter-appended) ---
"""Pipeline reference for scband-vnl-loss-60722247631097 (READ-ONLY COPY).

The authoritative reference and input builder live on the scoring server;
editing this copy changes nothing except your own understanding.
"""

import jax, jax.numpy as jnp
import numpy as np

H, W = 384, 512
FX, FY = 518.8579, 519.4696
U0, V0 = float(W // 2), float(H // 2)
DELTA_Z = 0.0001
SAMPLE_RATIO = 0.15

_xr = np.tile(np.arange(W), (H, 1)).astype(np.float32)[None]
_yr = np.tile(np.arange(H), (W, 1)).T.astype(np.float32)[None]
U_U0 = jnp.asarray(_xr - U0)
V_V0 = jnp.asarray(_yr - V0)


def _select_index():
    rng = np.random.RandomState(0)
    num = H * W
    n = int(num * SAMPLE_RATIO)
    ps = []
    for _ in range(3):
        p = rng.choice(num, n, replace=True)
        rng.shuffle(p)
        ps.append(p)
    p1, p2, p3 = ps
    return {'p1_x': p1 % W, 'p1_y': p1 // W,
            'p2_x': p2 % W, 'p2_y': p2 // W,
            'p3_x': p3 % W, 'p3_y': p3 // W}

P123 = _select_index()


def _transfer_xyz(depth):
    x = U_U0 * jnp.abs(depth) / FX
    y = V_V0 * jnp.abs(depth) / FY
    z = depth
    pw = jnp.concatenate([x, y, z], axis=1).transpose(0, 2, 3, 1)
    return pw


def _form_pw_groups(p123, pw):
    pw1 = pw[:, p123['p1_y'], p123['p1_x'], :]
    pw2 = pw[:, p123['p2_y'], p123['p2_x'], :]
    pw3 = pw[:, p123['p3_y'], p123['p3_x'], :]
    return jnp.stack([pw1, pw2, pw3], axis=3)


def _filter_mask(p123, gt_xyz, delta_cos=0.867, ddx=0.005, ddy=0.005, ddz=0.005):
    pw = _form_pw_groups(p123, gt_xyz)
    pw12 = pw[:, :, :, 1] - pw[:, :, :, 0]
    pw13 = pw[:, :, :, 2] - pw[:, :, :, 0]
    pw23 = pw[:, :, :, 2] - pw[:, :, :, 1]
    pw_diff = jnp.stack([pw12, pw13, pw23], axis=3)
    B, G, C, I = pw_diff.shape
    proj_query = pw_diff.reshape(B * G, C, I).transpose(0, 2, 1)
    proj_key = pw_diff.reshape(B * G, C, I)
    q_norm = jnp.linalg.norm(proj_query, axis=2)
    nm = jnp.matmul(q_norm[:, :, None], q_norm[:, None, :])
    energy = jnp.matmul(proj_query, proj_key)
    norm_energy = energy / (nm + 1e-8)
    norm_energy = norm_energy.reshape(B * G, -1)
    mask_cos = jnp.sum((norm_energy > delta_cos) | (norm_energy < -delta_cos), axis=1) > 3
    mask_cos = mask_cos.reshape(B, G)
    mask_pad = jnp.sum(pw[:, :, 2, :] > DELTA_Z, axis=2) == 3
    mask_x = jnp.sum(jnp.abs(pw_diff[:, :, 0, :]) < ddx, axis=2) > 0
    mask_y = jnp.sum(jnp.abs(pw_diff[:, :, 1, :]) < ddy, axis=2) > 0
    mask_z = jnp.sum(jnp.abs(pw_diff[:, :, 2, :]) < ddz, axis=2) > 0
    mask_ignore = (mask_x & mask_y & mask_z) | mask_cos
    mask = mask_pad & (~mask_ignore)
    return mask, pw


def _loss_from_groups(gt_points, dt_points, valid):
    gt_p12 = gt_points[:, :, :, 1] - gt_points[:, :, :, 0]
    gt_p13 = gt_points[:, :, :, 2] - gt_points[:, :, :, 0]
    dt_p12 = dt_points[:, :, :, 1] - dt_points[:, :, :, 0]
    dt_p13 = dt_points[:, :, :, 2] - dt_points[:, :, :, 0]
    gt_normal = jnp.cross(gt_p12, gt_p13, axis=2)
    dt_normal = jnp.cross(dt_p12, dt_p13, axis=2)
    dt_norm = jnp.linalg.norm(dt_normal, axis=2, keepdims=True)
    gt_norm = jnp.linalg.norm(gt_normal, axis=2, keepdims=True)
    dt_mask = (dt_norm == 0.0).astype(jnp.float32) * 0.01
    gt_mask = (gt_norm == 0.0).astype(jnp.float32) * 0.01
    gt_norm = gt_norm + gt_mask
    dt_norm = dt_norm + dt_mask
    gt_normal = gt_normal / gt_norm
    dt_normal = dt_normal / dt_norm
    loss = jnp.abs(gt_normal - dt_normal)
    loss = jnp.sum(jnp.sum(loss, axis=2), axis=0)
    n = loss.shape[0]
    k = jnp.sum(valid)
    loss = jnp.where(valid, loss, -jnp.inf)
    loss = jnp.sort(loss)
    start = n - k + k // 4
    keep = jnp.arange(n) >= start
    total = jnp.sum(jnp.where(keep, loss, 0.0))
    count = (k - k // 4).astype(loss.dtype)
    return total / count


def setup_inputs(seed: int = 0):
    key = jax.random.key(seed)
    k1, k2 = jax.random.split(key)
    gt = jax.random.uniform(k1, (4, 1, H, W), dtype=jnp.float32)
    pred = jax.random.uniform(k2, (4, 1, H, W), dtype=jnp.float32)
    return {"gt_depth": gt, "pred_depth": pred}


def reference(gt_depth, pred_depth):
    pw_gt = _transfer_xyz(gt_depth)
    pw_pred = _transfer_xyz(pred_depth)
    mask, pw_groups_gt = _filter_mask(P123, pw_gt)
    pw_groups_pred = _form_pw_groups(P123, pw_pred)
    cond = pw_groups_pred[:, :, 2, :] == 0
    pw_groups_pred = jnp.where(cond[:, :, :, None], 0.0001, pw_groups_pred)
    B, G = mask.shape
    valid = mask.reshape(B * G)
    gt_sel = pw_groups_gt.reshape(B * G, 3, 3)[None]
    dt_sel = pw_groups_pred.reshape(B * G, 3, 3)[None]
    return _loss_from_groups(gt_sel, dt_sel, valid)

if __name__ == "__main__":
    import jax
    _d = setup_inputs()
    print(jax.jit(kernel)(*tuple(_d.values())))

</pallas_src>

<mosaic_0001>
#map = affine_map<(d0, d1) -> (0, 0, 0)>
#map1 = affine_map<(d0, d1) -> (0, 0)>
module attributes {stable_mosaic.version = 14 : i64} {
  func.func @_sc_gather_body(%arg0: i32, %arg1: i32, %arg2: memref<4x384x512xf32, #tpu.memory_space<hbm>>, %arg3: memref<4x384x512xf32, #tpu.memory_space<hbm>>, %arg4: memref<4x25600xi32, #tpu.memory_space<hbm>>, %arg5: memref<8x704x128xf32, #tpu.memory_space<hbm>>, %arg6: memref<48x512xf32, #tpu.memory_space<vmem>>, %arg7: memref<48x512xf32, #tpu.memory_space<vmem>>, %arg8: memref<3200xi32, #tpu.memory_space<vmem>>, %arg9: memref<3200xi32, #tpu.memory_space<vmem>>, %arg10: memref<177x128xf32, #tpu.memory_space<vmem>>, %arg11: memref<!tpu.dma_semaphore, #tpu.memory_space<semaphore_mem>>, %arg12: memref<!tpu.dma_semaphore, #tpu.memory_space<semaphore_mem>>) attributes {dimension_semantics = [#tpu.dimension_semantics<core_parallel>, #tpu.dimension_semantics<subcore_parallel>], iteration_bounds = array<i64: 2, 16>, scalar_prefetch = 0 : i64, scratch_operands = 7 : i64, tpu.core_type = #tpu.core_type<sc_vector_subcore>, window_params = [{transform_indices = #map}, {transform_indices = #map}, {transform_indices = #map1}, {transform_indices = #map}]} {
    %mul3A = arith.constant 2 : i32
    %mul3A_0 = arith.muli %arg1, %mul3A : i32
    %add3A = arith.addi %mul3A_0, %arg0 : i32
    %jit3A = arith.constant 4 : i32
    %div3A = arith.divsi %add3A, %jit3A : i32
    %sign3A = arith.constant 0 : i32
    %sign3A_1 = arith.cmpi sgt, %add3A, %sign3A : i32
    %sign3A_2 = arith.extui %sign3A_1 : i1 to i32
    %sign3A_3 = arith.constant 0 : i32
    %sign3A_4 = arith.cmpi slt, %add3A, %sign3A_3 : i32
    %sign3A_5 = arith.extui %sign3A_4 : i1 to i32
    %sign3A_6 = arith.subi %sign3A_2, %sign3A_5 : i32
    %sign3A_7 = arith.constant 0 : i32
    %sign3A_8 = arith.cmpi sgt, %jit3A, %sign3A_7 : i32
    %sign3A_9 = arith.extui %sign3A_8 : i1 to i32
    %sign3A_10 = arith.constant 0 : i32
    %sign3A_11 = arith.cmpi slt, %jit3A, %sign3A_10 : i32
    %sign3A_12 = arith.extui %sign3A_11 : i1 to i32
    %sign3A_13 = arith.subi %sign3A_9, %sign3A_12 : i32
    %ne3A = arith.cmpi ne, %sign3A_6, %sign3A_13 : i32
    %rem3A = arith.remsi %add3A, %jit3A : i32
    %ne3A_14 = arith.constant 0 : i32
    %ne3A_15 = arith.cmpi ne, %rem3A, %ne3A_14 : i32
    %and3A = arith.andi %ne3A, %ne3A_15 : i1
    %sub3A = arith.constant 1 : i32
    %sub3A_16 = arith.subi %div3A, %sub3A : i32
    %select_n3A = arith.select %and3A, %sub3A_16, %div3A : i32
    %mul3A_17 = arith.constant 4 : i32
    %mul3A_18 = arith.muli %select_n3A, %mul3A_17 : i32
    %sub3A_19 = arith.subi %add3A, %mul3A_18 : i32
    %lt3A = arith.constant 4 : i32
    %lt3A_20 = arith.cmpi slt, %select_n3A, %lt3A : i32
    %convert_element_type3A = arith.extui %lt3A_20 : i1 to i32
    %cond3A = arith.constant 0 : i32
    %cond3A_21 = arith.cmpi ne, %convert_element_type3A, %cond3A : i32
    scf.if %cond3A_21 {
      %multiple_of3A_28 = arith.constant 0 : i32
      %multiple_of3A_29 = tpu.assume_multiple %multiple_of3A_28, 8 : i32
      %dma_start3A = arith.constant 0 : i32
      %dma_start3A_30 = tpu.memref_slice %arg2[%select_n3A, %multiple_of3A_29, %dma_start3A] : memref<4x384x512xf32, #tpu.memory_space<hbm>> -> memref<1x48x512xf32, #tpu.memory_space<hbm>>
      %dma_start3A_31 = tpu.memref_squeeze %dma_start3A_30 : memref<1x48x512xf32, #tpu.memory_space<hbm>> -> memref<48x512xf32, #tpu.memory_space<hbm>>
      %dma_start3A_32 = arith.constant 0 : i32
      %dma_start3A_33 = tpu.memref_slice %arg2[%select_n3A, %multiple_of3A_29, %dma_start3A_32] : memref<4x384x512xf32, #tpu.memory_space<hbm>> -> memref<1x48x512xf32, #tpu.memory_space<hbm>>
      %dma_start3A_34 = tpu.memref_squeeze %dma_start3A_33 : memref<1x48x512xf32, #tpu.memory_space<hbm>> -> memref<48x512xf32, #tpu.memory_space<hbm>>
      tpu.enqueue_dma source(%dma_start3A_34 : memref<48x512xf32, #tpu.memory_space<hbm>>) target(%arg6 : memref<48x512xf32, #tpu.memory_space<vmem>>) target_semaphore(%arg11 : memref<!tpu.dma_semaphore, #tpu.memory_space<semaphore_mem>>)
      %multiple_of3A_35 = arith.constant 0 : i32
      %multiple_of3A_36 = tpu.assume_multiple %multiple_of3A_35, 8 : i32
      %dma_start3A_37 = tpu.memref_slice %arg4[%sub3A_19, %multiple_of3A_36] : memref<4x25600xi32, #tpu.memory_space<hbm>> -> memref<1x3200xi32, #tpu.memory_space<hbm>>
      %dma_start3A_38 = tpu.memref_squeeze %dma_start3A_37 : memref<1x3200xi32, #tpu.memory_space<hbm>> -> memref<3200xi32, #tpu.memory_space<hbm>>
      %dma_start3A_39 = tpu.memref_slice %arg4[%sub3A_19, %multiple_of3A_36] : memref<4x25600xi32, #tpu.memory_space<hbm>> -> memref<1x3200xi32, #tpu.memory_space<hbm>>
      %dma_start3A_40 = tpu.memref_squeeze %dma_start3A_39 : memref<1x3200xi32, #tpu.memory_space<hbm>> -> memref<3200xi32, #tpu.memory_space<hbm>>
      tpu.enqueue_dma source(%dma_start3A_40 : memref<3200xi32, #tpu.memory_space<hbm>>) target(%arg8 : memref<3200xi32, #tpu.memory_space<vmem>>) target_semaphore(%arg11 : memref<!tpu.dma_semaphore, #tpu.memory_space<semaphore_mem>>)
      %multiple_of3A_41 = arith.constant 48 : i32
      %multiple_of3A_42 = tpu.assume_multiple %multiple_of3A_41, 8 : i32
      %dma_start3A_43 = arith.constant 0 : i32
      %dma_start3A_44 = tpu.memref_slice %arg2[%select_n3A, %multiple_of3A_42, %dma_start3A_43] : memref<4x384x512xf32, #tpu.memory_space<hbm>> -> memref<1x48x512xf32, #tpu.memory_space<hbm>>
      %dma_start3A_45 = tpu.memref_squeeze %dma_start3A_44 : memref<1x48x512xf32, #tpu.memory_space<hbm>> -> memref<48x512xf32, #tpu.memory_space<hbm>>
      %dma_start3A_46 = arith.constant 0 : i32
      %dma_start3A_47 = tpu.memref_slice %arg2[%select_n3A, %multiple_of3A_42, %dma_start3A_46] : memref<4x384x512xf32, #tpu.memory_space<hbm>> -> memref<1x48x512xf32, #tpu.memory_space<hbm>>
      %dma_start3A_48 = tpu.memref_squeeze %dma_start3A_47 : memref<1x48x512xf32, #tpu.memory_space<hbm>> -> memref<48x512xf32, #tpu.memory_space<hbm>>
      tpu.enqueue_dma source(%dma_start3A_48 : memref<48x512xf32, #tpu.memory_space<hbm>>) target(%arg7 : memref<48x512xf32, #tpu.memory_space<vmem>>) target_semaphore(%arg12 : memref<!tpu.dma_semaphore, #tpu.memory_space<semaphore_mem>>)
      %multiple_of3A_49 = arith.constant 3200 : i32
      %multiple_of3A_50 = tpu.assume_multiple %multiple_of3A_49, 8 : i32
      %dma_start3A_51 = tpu.memref_slice %arg4[%sub3A_19, %multiple_of3A_50] : memref<4x25600xi32, #tpu.memory_space<hbm>> -> memref<1x3200xi32, #tpu.memory_space<hbm>>
      %dma_start3A_52 = tpu.memref_squeeze %dma_start3A_51 : memref<1x3200xi32, #tpu.memory_space<hbm>> -> memref<3200xi32, #tpu.memory_space<hbm>>
      %dma_start3A_53 = tpu.memref_slice %arg4[%sub3A_19, %multiple_of3A_50] : memref<4x25600xi32, #tpu.memory_space<hbm>> -> memref<1x3200xi32, #tpu.memory_space<hbm>>
      %dma_start3A_54 = tpu.memref_squeeze %dma_start3A_53 : memref<1x3200xi32, #tpu.memory_space<hbm>> -> memref<3200xi32, #tpu.memory_space<hbm>>
      tpu.enqueue_dma source(%dma_start3A_54 : memref<3200xi32, #tpu.memory_space<hbm>>) target(%arg9 : memref<3200xi32, #tpu.memory_space<vmem>>) target_semaphore(%arg12 : memref<!tpu.dma_semaphore, #tpu.memory_space<semaphore_mem>>)
      %scan3A = arith.constant 0 : i32
      %scan3A_55 = arith.constant 0 : i32
      %scan3A_56 = arith.constant 4 : i32
      %scan3A_57 = arith.addi %scan3A_55, %scan3A_56 : i32
      %scan3A_58 = arith.constant 1 : i32
      scf.for %scan3A_60 = %scan3A_55 to %scan3A_57 step %scan3A_58  : i32 {
        %mul3A_61 = arith.constant 2 : i32
        %mul3A_62 = arith.muli %scan3A_60, %mul3A_61 : i32
        %add3A_63 = arith.constant 0 : i32
        %add3A_64 = arith.addi %mul3A_62, %add3A_63 : i32
        %dma_wait3A = arith.constant 0 : i32
        %dma_wait3A_65 = arith.constant 0 : i32
        %dma_wait3A_66 = arith.constant 0 : i32
        %dma_wait3A_67 = tpu.memref_slice %arg2[%dma_wait3A, %dma_wait3A_65, %dma_wait3A_66] : memref<4x384x512xf32, #tpu.memory_space<hbm>> -> memref<1x48x512xf32, #tpu.memory_space<hbm>>
        %dma_wait3A_68 = tpu.memref_squeeze %dma_wait3A_67 : memref<1x48x512xf32, #tpu.memory_space<hbm>> -> memref<48x512xf32, #tpu.memory_space<hbm>>
        %dma_wait3A_69 = arith.constant 0 : i32
        %dma_wait3A_70 = arith.constant 0 : i32
        %dma_wait3A_71 = tpu.memref_slice %arg2[%dma_wait3A, %dma_wait3A_69, %dma_wait3A_70] : memref<4x384x512xf32, #tpu.memory_space<hbm>> -> memref<1x48x512xf32, #tpu.memory_space<hbm>>
        %dma_wait3A_72 = tpu.memref_squeeze %dma_wait3A_71 : memref<1x48x512xf32, #tpu.memory_space<hbm>> -> memref<48x512xf32, #tpu.memory_space<hbm>>
        tpu.wait_dma2 semaphore(%arg11 : memref<!tpu.dma_semaphore, #tpu.memory_space<semaphore_mem>>) src(%dma_wait3A_72 : memref<48x512xf32, #tpu.memory_space<hbm>>) dst(%arg6 : memref<48x512xf32, #tpu.memory_space<vmem>>)
        %dma_wait3A_73 = arith.constant 0 : i32
        %dma_wait3A_74 = arith.constant 0 : i32
        %dma_wait3A_75 = tpu.memref_slice %arg4[%dma_wait3A_73, %dma_wait3A_74] : memref<4x25600xi32, #tpu.memory_space<hbm>> -> memref<1x3200xi32, #tpu.memory_space<hbm>>
        %dma_wait3A_76 = tpu.memref_squeeze %dma_wait3A_75 : memref<1x3200xi32, #tpu.memory_space<hbm>> -> memref<3200xi32, #tpu.memory_space<hbm>>
        %dma_wait3A_77 = arith.constant 0 : i32
        %dma_wait3A_78 = tpu.memref_slice %arg4[%dma_wait3A_73, %dma_wait3A_77] : memref<4x25600xi32, #tpu.memory_space<hbm>> -> memref<1x3200xi32, #tpu.memory_space<hbm>>
        %dma_wait3A_79 = tpu.memref_squeeze %dma_wait3A_78 : memref<1x3200xi32, #tpu.memory_space<hbm>> -> memref<3200xi32, #tpu.memory_space<hbm>>
        tpu.wait_dma2 semaphore(%arg11 : memref<!tpu.dma_semaphore, #tpu.memory_space<semaphore_mem>>) src(%dma_wait3A_79 : memref<3200xi32, #tpu.memory_space<hbm>>) dst(%arg8 : memref<3200xi32, #tpu.memory_space<vmem>>)
        %scan3A_80 = arith.constant 0 : i32
        %scan3A_81 = arith.constant 0 : i32
        %scan3A_82 = arith.constant 25 : i32
        %scan3A_83 = arith.addi %scan3A_81, %scan3A_82 : i32
        %scan3A_84 = arith.constant 1 : i32
        scf.for %scan3A_122 = %scan3A_81 to %scan3A_83 step %scan3A_84  : i32 {
          %mul3A_123 = arith.constant 128 : i32
          %mul3A_124 = arith.muli %scan3A_122, %mul3A_123 : i32
          %add3A_125 = arith.constant 0 : i32
          %add3A_126 = arith.addi %mul3A_124, %add3A_125 : i32
          %get3A = arith.index_cast %add3A_126 : i32 to index
          %get3A_127 = tpu.vector_load %arg8[%get3A] {strides = array<i32>} : memref<3200xi32, #tpu.memory_space<vmem>>, vector<16xi32>,
          %and3A_128 = arith.constant 32767 : i32
          %and3A_129 = vector.broadcast %and3A_128 : i32 to vector<16xi32>
          %and3A_130 = arith.andi %get3A_127, %and3A_129 : vector<16xi32>
          %shift_right_logical3A = arith.constant 9 : i32
          %shift_right_logical3A_131 = vector.broadcast %shift_right_logical3A : i32 to vector<16xi32>
          %shift_right_logical3A_132 = arith.shrui %and3A_130, %shift_right_logical3A_131 : vector<16xi32>
          %and3A_133 = arith.constant 511 : i32
          %and3A_134 = vector.broadcast %and3A_133 : i32 to vector<16xi32>
          %and3A_135 = arith.andi %and3A_130, %and3A_134 : vector<16xi32>
          %shift_right_logical3A_136 = arith.constant 15 : i32
          %shift_right_logical3A_137 = vector.broadcast %shift_right_logical3A_136 : i32 to vector<16xi32>
          %shift_right_logical3A_138 = arith.shrui %get3A_127, %shift_right_logical3A_137 : vector<16xi32>
          %shift_right_logical3A_139 = arith.constant 7 : i32
          %shift_right_logical3A_140 = vector.broadcast %shift_right_logical3A_139 : i32 to vector<16xi32>
          %shift_right_logical3A_141 = arith.shrui %shift_right_logical3A_138, %shift_right_logical3A_140 : vector<16xi32>
          %and3A_142 = arith.constant 127 : i32
          %and3A_143 = vector.broadcast %and3A_142 : i32 to vector<16xi32>
          %and3A_144 = arith.andi %shift_right_logical3A_138, %and3A_143 : vector<16xi32>
          %gather3A = tpu.vector_load_idx %arg6[%shift_right_logical3A_132, %and3A_135] : memref<48x512xf32, #tpu.memory_space<vmem>>[vector<16xi32>, vector<16xi32>], vector<16xf32>,
          tpu.vector_store_idx %arg10[%shift_right_logical3A_141, %and3A_144], %gather3A : memref<177x128xf32, #tpu.memory_space<vmem>>[vector<16xi32>, vector<16xi32>], vector<16xf32>,
          %mul3A_145 = arith.constant 128 : i32
          %mul3A_146 = arith.muli %scan3A_122, %mul3A_145 : i32
          %add3A_147 = arith.constant 16 : i32
          %add3A_148 = arith.addi %mul3A_146, %add3A_147 : i32
          %get3A_149 = arith.index_cast %add3A_148 : i32 to index
          %get3A_150 = tpu.vector_load %arg8[%get3A_149] {strides = array<i32>} : memref<3200xi32, #tpu.memory_space<vmem>>, vector<16xi32>,
          %and3A_151 = arith.constant 32767 : i32
          %and3A_152 = vector.broadcast %and3A_151 : i32 to vector<16xi32>
          %and3A_153 = arith.andi %get3A_150, %and3A_152 : vector<16xi32>
          %shift_right_logical3A_154 = arith.constant 9 : i32
          %shift_right_logical3A_155 = vector.broadcast %shift_right_logical3A_154 : i32 to vector<16xi32>
          %shift_right_logical3A_156 = arith.shrui %and3A_153, %shift_right_logical3A_155 : vector<16xi32>
          %and3A_157 = arith.constant 511 : i32
          %and3A_158 = vector.broadcast %and3A_157 : i32 to vector<16xi32>
          %and3A_159 = arith.andi %and3A_153, %and3A_158 : vector<16xi32>
          %shift_right_logical3A_160 = arith.constant 15 : i32
          %shift_right_logical3A_161 = vector.broadcast %shift_right_logical3A_160 : i32 to vector<16xi32>
          %shift_right_logical3A_162 = arith.shrui %get3A_150, %shift_right_logical3A_161 : vector<16xi32>
          %shift_right_logical3A_163 = arith.constant 7 : i32
          %shift_right_logical3A_164 = vector.broadcast %shift_right_logical3A_163 : i32 to vector<16xi32>
          %shift_right_logical3A_165 = arith.shrui %shift_right_logical3A_162, %shift_right_logical3A_164 : vector<16xi32>
          %and3A_166 = arith.constant 127 : i32
          %and3A_167 = vector.broadcast %and3A_166 : i32 to vector<16xi32>
          %and3A_168 = arith.andi %shift_right_logical3A_162, %and3A_167 : vector<16xi32>
          %gather3A_169 = tpu.vector_load_idx %arg6[%shift_right_logical3A_156, %and3A_159] : memref<48x512xf32, #tpu.memory_space<vmem>>[vector<16xi32>, vector<16xi32>], vector<16xf32>,
          tpu.vector_store_idx %arg10[%shift_right_logical3A_165, %and3A_168], %gather3A_169 : memref<177x128xf32, #tpu.memory_space<vmem>>[vector<16xi32>, vector<16xi32>], vector<16xf32>,
          %mul3A_170 = arith.constant 128 : i32
          %mul3A_171 = arith.muli %scan3A_122, %mul3A_170 : i32
          %add3A_172 = arith.constant 32 : i32
          %add3A_173 = arith.addi %mul3A_171, %add3A_172 : i32
          %get3A_174 = arith.index_cast %add3A_173 : i32 to index
          %get3A_175 = tpu.vector_load %arg8[%get3A_174] {strides = array<i32>} : memref<3200xi32, #tpu.memory_space<vmem>>, vector<16xi32>,
          %and3A_176 = arith.constant 32767 : i32
          %and3A_177 = vector.broadcast %and3A_176 : i32 to vector<16xi32>
          %and3A_178 = arith.andi %get3A_175, %and3A_177 : vector<16xi32>
          %shift_right_logical3A_179 = arith.constant 9 : i32
          %shift_right_logical3A_180 = vector.broadcast %shift_right_logical3A_179 : i32 to vector<16xi32>
          %shift_right_logical3A_181 = arith.shrui %and3A_178, %shift_right_logical3A_180 : vector<16xi32>
          %and3A_182 = arith.constant 511 : i32
          %and3A_183 = vector.broadcast %and3A_182 : i32 to vector<16xi32>
          %and3A_184 = arith.andi %and3A_178, %and3A_183 : vector<16xi32>
          %shift_right_logical3A_185 = arith.constant 15 : i32
          %shift_right_logical3A_186 = vector.broadcast %shift_right_logical3A_185 : i32 to vector<16xi32>
          %shift_right_logical3A_187 = arith.shrui %get3A_175, %shift_right_logical3A_186 : vector<16xi32>
          %shift_right_logical3A_188 = arith.constant 7 : i32
          %shift_right_logical3A_189 = vector.broadcast %shift_right_logical3A_188 : i32 to vector<16xi32>
          %shift_right_logical3A_190 = arith.shrui %shift_right_logical3A_187, %shift_right_logical3A_189 : vector<16xi32>
          %and3A_191 = arith.constant 127 : i32
          %and3A_192 = vector.broadcast %and3A_191 : i32 to vector<16xi32>
          %and3A_193 = arith.andi %shift_right_logical3A_187, %and3A_192 : vector<16xi32>
          %gather3A_194 = tpu.vector_load_idx %arg6[%shift_right_logical3A_181, %and3A_184] : memref<48x512xf32, #tpu.memory_space<vmem>>[vector<16xi32>, vector<16xi32>], vector<16xf32>,
          tpu.vector_store_idx %arg10[%shift_right_logical3A_190, %and3A_193], %gather3A_194 : memref<177x128xf32, #tpu.memory_space<vmem>>[vector<16xi32>, vector<16xi32>], vector<16xf32>,
          %mul3A_195 = arith.constant 128 : i32
          %mul3A_196 = arith.muli %scan3A_122, %mul3A_195 : i32
          %add3A_197 = arith.constant 48 : i32
          %add3A_198 = arith.addi %mul3A_196, %add3A_197 : i32
          %get3A_199 = arith.index_cast %add3A_198 : i32 to index
          %get3A_200 = tpu.vector_load %arg8[%get3A_199] {strides = array<i32>} : memref<3200xi32, #tpu.memory_space<vmem>>, vector<16xi32>,
          %and3A_201 = arith.constant 32767 : i32
          %and3A_202 = vector.broadcast %and3A_201 : i32 to vector<16xi32>
          %and3A_203 = arith.andi %get3A_200, %and3A_202 : vector<16xi32>
          %shift_right_logical3A_204 = arith.constant 9 : i32
          %shift_right_logical3A_205 = vector.broadcast %shift_right_logical3A_204 : i32 to vector<16xi32>
          %shift_right_logical3A_206 = arith.shrui %and3A_203, %shift_right_logical3A_205 : vector<16xi32>
          %and3A_207 = arith.constant 511 : i32
          %and3A_208 = vector.broadcast %and3A_207 : i32 to vector<16xi32>
          %and3A_209 = arith.andi %and3A_203, %and3A_208 : vector<16xi32>
          %shift_right_logical3A_210 = arith.constant 15 : i32
          %shift_right_logical3A_211 = vector.broadcast %shift_right_logical3A_210 : i32 to vector<16xi32>
          %shift_right_logical3A_212 = arith.shrui %get3A_200, %shift_right_logical3A_211 : vector<16xi32>
          %shift_right_logical3A_213 = arith.constant 7 : i32
          %shift_right_logical3A_214 = vector.broadcast %shift_right_logical3A_213 : i32 to vector<16xi32>
          %shift_right_logical3A_215 = arith.shrui %shift_right_logical3A_212, %shift_right_logical3A_214 : vector<16xi32>
          %and3A_216 = arith.constant 127 : i32
          %and3A_217 = vector.broadcast %and3A_216 : i32 to vector<16xi32>
          %and3A_218 = arith.andi %shift_right_logical3A_212, %and3A_217 : vector<16xi32>
          %gather3A_219 = tpu.vector_load_idx %arg6[%shift_right_logical3A_206, %and3A_209] : memref<48x512xf32, #tpu.memory_space<vmem>>[vector<16xi32>, vector<16xi32>], vector<16xf32>,
          tpu.vector_store_idx %arg10[%shift_right_logical3A_215, %and3A_218], %gather3A_219 : memref<177x128xf32, #tpu.memory_space<vmem>>[vector<16xi32>, vector<16xi32>], vector<16xf32>,
          %mul3A_220 = arith.constant 128 : i32
          %mul3A_221 = arith.muli %scan3A_122, %mul3A_220 : i32
          %add3A_222 = arith.constant 64 : i32
          %add3A_223 = arith.addi %mul3A_221, %add3A_222 : i32
          %get3A_224 = arith.index_cast %add3A_223 : i32 to index
          %get3A_225 = tpu.vector_load %arg8[%get3A_224] {strides = array<i32>} : memref<3200xi32, #tpu.memory_space<vmem>>, vector<16xi32>,
          %and3A_226 = arith.constant 32767 : i32
          %and3A_227 = vector.broadcast %and3A_226 : i32 to vector<16xi32>
          %and3A_228 = arith.andi %get3A_225, %and3A_227 : vector<16xi32>
          %shift_right_logical3A_229 = arith.constant 9 : i32
          %shift_right_logical3A_230 = vector.broadcast %shift_right_logical3A_229 : i32 to vector<16xi32>
          %shift_right_logical3A_231 = arith.shrui %and3A_228, %shift_right_logical3A_230 : vector<16xi32>
          %and3A_232 = arith.constant 511 : i32
          %and3A_233 = vector.broadcast %and3A_232 : i32 to vector<16xi32>
          %and3A_234 = arith.andi %and3A_228, %and3A_233 : vector<16xi32>
          %shift_right_logical3A_235 = arith.constant 15 : i32
          %shift_right_logical3A_236 = vector.broadcast %shift_right_logical3A_235 : i32 to vector<16xi32>
          %shift_right_logical3A_237 = arith.shrui %get3A_225, %shift_right_logical3A_236 : vector<16xi32>
          %shift_right_logical3A_238 = arith.constant 7 : i32
          %shift_right_logical3A_239 = vector.broadcast %shift_right_logical3A_238 : i32 to vector<16xi32>
          %shift_right_logical3A_240 = arith.shrui %shift_right_logical3A_237, %shift_right_logical3A_239 : vector<16xi32>
          %and3A_241 = arith.constant 127 : i32
          %and3A_242 = vector.broadcast %and3A_241 : i32 to vector<16xi32>
          %and3A_243 = arith.andi %shift_right_logical3A_237, %and3A_242 : vector<16xi32>
          %gather3A_244 = tpu.vector_load_idx %arg6[%shift_right_logical3A_231, %and3A_234] : memref<48x512xf32, #tpu.memory_space<vmem>>[vector<16xi32>, vector<16xi32>], vector<16xf32>,
          tpu.vector_store_idx %arg10[%shift_right_logical3A_240, %and3A_243], %gather3A_244 : memref<177x128xf32, #tpu.memory_space<vmem>>[vector<16xi32>, vector<16xi32>], vector<16xf32>,
          %mul3A_245 = arith.constant 128 : i32
          %mul3A_246 = arith.muli %scan3A_122, %mul3A_245 : i32
          %add3A_247 = arith.constant 80 : i32
          %add3A_248 = arith.addi %mul3A_246, %add3A_247 : i32
          %get3A_249 = arith.index_cast %add3A_248 : i32 to index
          %get3A_250 = tpu.vector_load %arg8[%get3A_249] {strides = array<i32>} : memref<3200xi32, #tpu.memory_space<vmem>>, vector<16xi32>,
          %and3A_251 = arith.constant 32767 : i32
          %and3A_252 = vector.broadcast %and3A_251 : i32 to vector<16xi32>
          %and3A_253 = arith.andi %get3A_250, %and3A_252 : vector<16xi32>
          %shift_right_logical3A_254 = arith.constant 9 : i32
          %shift_right_logical3A_255 = vector.broadcast %shift_right_logical3A_254 : i32 to vector<16xi32>
          %shift_right_logical3A_256 = arith.shrui %and3A_253, %shift_right_logical3A_255 : vector<16xi32>
          %and3A_257 = arith.constant 511 : i32
          %and3A_258 = vector.broadcast %and3A_257 : i32 to vector<16xi32>
          %and3A_259 = arith.andi %and3A_253, %and3A_258 : vector<16xi32>
          %shift_right_logical3A_260 = arith.constant 15 : i32
          %shift_right_logical3A_261 = vector.broadcast %shift_right_logical3A_260 : i32 to vector<16xi32>
          %shift_right_logical3A_262 = arith.shrui %get3A_250, %shift_right_logical3A_261 : vector<16xi32>
          %shift_right_logical3A_263 = arith.constant 7 : i32
          %shift_right_logical3A_264 = vector.broadcast %shift_right_logical3A_263 : i32 to vector<16xi32>
          %shift_right_logical3A_265 = arith.shrui %shift_right_logical3A_262, %shift_right_logical3A_264 : vector<16xi32>
          %and3A_266 = arith.constant 127 : i32
          %and3A_267 = vector.broadcast %and3A_266 : i32 to vector<16xi32>
          %and3A_268 = arith.andi %shift_right_logical3A_262, %and3A_267 : vector<16xi32>
          %gather3A_269 = tpu.vector_load_idx %arg6[%shift_right_logical3A_256, %and3A_259] : memref<48x512xf32, #tpu.memory_space<vmem>>[vector<16xi32>, vector<16xi32>], vector<16xf32>,
          tpu.vector_store_idx %arg10[%shift_right_logical3A_265, %and3A_268], %gather3A_269 : memref<177x128xf32, #tpu.memory_space<vmem>>[vector<16xi32>, vector<16xi32>], vector<16xf32>,
          %mul3A_270 = arith.constant 128 : i32
          %mul3A_271 = arith.muli %scan3A_122, %mul3A_270 : i32
          %add3A_272 = arith.constant 96 : i32
          %add3A_273 = arith.addi %mul3A_271, %add3A_272 : i32
          %get3A_274 = arith.index_cast %add3A_273 : i32 to index
          %get3A_275 = tpu.vector_load %arg8[%get3A_274] {strides = array<i32>} : memref<3200xi32, #tpu.memory_space<vmem>>, vector<16xi32>,
          %and3A_276 = arith.constant 32767 : i32
          %and3A_277 = vector.broadcast %and3A_276 : i32 to vector<16xi32>
          %and3A_278 = arith.andi %get3A_275, %and3A_277 : vector<16xi32>
          %shift_right_logical3A_279 = arith.constant 9 : i32
          %shift_right_logical3A_280 = vector.broadcast %shift_right_logical3A_279 : i32 to vector<16xi32>
          %shift_right_logical3A_281 = arith.shrui %and3A_278, %shift_right_logical3A_280 : vector<16xi32>
          %and3A_282 = arith.constant 511 : i32
          %and3A_283 = vector.broadcast %and3A_282 : i32 to vector<16xi32>
          %and3A_284 = arith.andi %and3A_278, %and3A_283 : vector<16xi32>
          %shift_right_logical3A_285 = arith.constant 15 : i32
          %shift_right_logical3A_286 = vector.broadcast %shift_right_logical3A_285 : i32 to vector<16xi32>
          %shift_right_logical3A_287 = arith.shrui %get3A_275, %shift_right_logical3A_286 : vector<16xi32>
          %shift_right_logical3A_288 = arith.constant 7 : i32
          %shift_right_logical3A_289 = vector.broadcast %shift_right_logical3A_288 : i32 to vector<16xi32>
          %shift_right_logical3A_290 = arith.shrui %shift_right_logical3A_287, %shift_right_logical3A_289 : vector<16xi32>
          %and3A_291 = arith.constant 127 : i32
          %and3A_292 = vector.broadcast %and3A_291 : i32 to vector<16xi32>
          %and3A_293 = arith.andi %shift_right_logical3A_287, %and3A_292 : vector<16xi32>
          %gather3A_294 = tpu.vector_load_idx %arg6[%shift_right_logical3A_281, %and3A_284] : memref<48x512xf32, #tpu.memory_space<vmem>>[vector<16xi32>, vector<16xi32>], vector<16xf32>,
          tpu.vector_store_idx %arg10[%shift_right_logical3A_290, %and3A_293], %gather3A_294 : memref<177x128xf32, #tpu.memory_space<vmem>>[vector<16xi32>, vector<16xi32>], vector<16xf32>,
          %mul3A_295 = arith.constant 128 : i32
          %mul3A_296 = arith.muli %scan3A_122, %mul3A_295 : i32
          %add3A_297 = arith.constant 112 : i32
          %add3A_298 = arith.addi %mul3A_296, %add3A_297 : i32
          %get3A_299 = arith.index_cast %add3A_298 : i32 to index
          %get3A_300 = tpu.vector_load %arg8[%get3A_299] {strides = array<i32>} : memref<3200xi32, #tpu.memory_space<vmem>>, vector<16xi32>,
          %and3A_301 = arith.constant 32767 : i32
          %and3A_302 = vector.broadcast %and3A_301 : i32 to vector<16xi32>
          %and3A_303 = arith.andi %get3A_300, %and3A_302 : vector<16xi32>
          %shift_right_logical3A_304 = arith.constant 9 : i32
          %shift_right_logical3A_305 = vector.broadcast %shift_right_logical3A_304 : i32 to vector<16xi32>
          %shift_right_logical3A_306 = arith.shrui %and3A_303, %shift_right_logical3A_305 : vector<16xi32>
          %and3A_307 = arith.constant 511 : i32
          %and3A_308 = vector.broadcast %and3A_307 : i32 to vector<16xi32>
          %and3A_309 = arith.andi %and3A_303, %and3A_308 : vector<16xi32>
          %shift_right_logical3A_310 = arith.constant 15 : i32
          %shift_right_logical3A_311 = vector.broadcast %shift_right_logical3A_310 : i32 to vector<16xi32>
          %shift_right_logical3A_312 = arith.shrui %get3A_300, %shift_right_logical3A_311 : vector<16xi32>
          %shift_right_logical3A_313 = arith.constant 7 : i32
          %shift_right_logical3A_314 = vector.broadcast %shift_right_logical3A_313 : i32 to vector<16xi32>
          %shift_right_logical3A_315 = arith.shrui %shift_right_logical3A_312, %shift_right_logical3A_314 : vector<16xi32>
          %and3A_316 = arith.constant 127 : i32
          %and3A_317 = vector.broadcast %and3A_316 : i32 to vector<16xi32>
          %and3A_318 = arith.andi %shift_right_logical3A_312, %and3A_317 : vector<16xi32>
          %gather3A_319 = tpu.vector_load_idx %arg6[%shift_right_logical3A_306, %and3A_309] : memref<48x512xf32, #tpu.memory_space<vmem>>[vector<16xi32>, vector<16xi32>], vector<16xf32>,
          tpu.vector_store_idx %arg10[%shift_right_logical3A_315, %and3A_318], %gather3A_319 : memref<177x128xf32, #tpu.memory_space<vmem>>[vector<16xi32>, vector<16xi32>], vector<16xf32>,
        }
        %scan3A_85 = arith.constant 25 : i32
        %lt3A_86 = arith.constant 3 : i32
        %lt3A_87 = arith.cmpi slt, %scan3A_60, %lt3A_86 : i32
        %convert_element_type3A_88 = arith.extui %lt3A_87 : i1 to i32
        %cond3A_89 = arith.constant 0 : i32
        %cond3A_90 = arith.cmpi ne, %convert_element_type3A_88, %cond3A_89 : i32
        scf.if %cond3A_90 {
          %add3A_122 = arith.constant 2 : i32
          %add3A_123 = arith.addi %add3A_64, %add3A_122 : i32
          %mul3A_124 = arith.constant 48 : i32
          %mul3A_125 = arith.muli %add3A_123, %mul3A_124 : i32
          %multiple_of3A_126 = tpu.assume_multiple %mul3A_125, 8 : i32
          %dma_start3A_127 = arith.constant 0 : i32
          %dma_start3A_128 = tpu.memref_slice %arg2[%select_n3A, %multiple_of3A_126, %dma_start3A_127] : memref<4x384x512xf32, #tpu.memory_space<hbm>> -> memref<1x48x512xf32, #tpu.memory_space<hbm>>
          %dma_start3A_129 = tpu.memref_squeeze %dma_start3A_128 : memref<1x48x512xf32, #tpu.memory_space<hbm>> -> memref<48x512xf32, #tpu.memory_space<hbm>>
          %dma_start3A_130 = arith.constant 0 : i32
          %dma_start3A_131 = tpu.memref_slice %arg2[%select_n3A, %multiple_of3A_126, %dma_start3A_130] : memref<4x384x512xf32, #tpu.memory_space<hbm>> -> memref<1x48x512xf32, #tpu.memory_space<hbm>>
          %dma_start3A_132 = tpu.memref_squeeze %dma_start3A_131 : memref<1x48x512xf32, #tpu.memory_space<hbm>> -> memref<48x512xf32, #tpu.memory_space<hbm>>
          tpu.enqueue_dma source(%dma_start3A_132 : memref<48x512xf32, #tpu.memory_space<hbm>>) target(%arg6 : memref<48x512xf32, #tpu.memory_space<vmem>>) target_semaphore(%arg11 : memref<!tpu.dma_semaphore, #tpu.memory_space<semaphore_mem>>)
          %mul3A_133 = arith.constant 3200 : i32
          %mul3A_134 = arith.muli %add3A_123, %mul3A_133 : i32
          %multiple_of3A_135 = tpu.assume_multiple %mul3A_134, 8 : i32
          %dma_start3A_136 = tpu.memref_slice %arg4[%sub3A_19, %multiple_of3A_135] : memref<4x25600xi32, #tpu.memory_space<hbm>> -> memref<1x3200xi32, #tpu.memory_space<hbm>>
          %dma_start3A_137 = tpu.memref_squeeze %dma_start3A_136 : memref<1x3200xi32, #tpu.memory_space<hbm>> -> memref<3200xi32, #tpu.memory_space<hbm>>
          %dma_start3A_138 = tpu.memref_slice %arg4[%sub3A_19, %multiple_of3A_135] : memref<4x25600xi32, #tpu.memory_space<hbm>> -> memref<1x3200xi32, #tpu.memory_space<hbm>>
          %dma_start3A_139 = tpu.memref_squeeze %dma_start3A_138 : memref<1x3200xi32, #tpu.memory_space<hbm>> -> memref<3200xi32, #tpu.memory_space<hbm>>
          tpu.enqueue_dma source(%dma_start3A_139 : memref<3200xi32, #tpu.memory_space<hbm>>) target(%arg8 : memref<3200xi32, #tpu.memory_space<vmem>>) target_semaphore(%arg11 : memref<!tpu.dma_semaphore, #tpu.memory_space<semaphore_mem>>)
        } else {
        }
        %mul3A_91 = arith.constant 2 : i32
        %mul3A_92 = arith.muli %scan3A_60, %mul3A_91 : i32
        %add3A_93 = arith.constant 1 : i32
        %add3A_94 = arith.addi %mul3A_92, %add3A_93 : i32
        %dma_wait3A_95 = arith.constant 0 : i32
        %dma_wait3A_96 = arith.constant 0 : i32
        %dma_wait3A_97 = arith.constant 0 : i32
        %dma_wait3A_98 = tpu.memref_slice %arg2[%dma_wait3A_95, %dma_wait3A_96, %dma_wait3A_97] : memref<4x384x512xf32, #tpu.memory_space<hbm>> -> memref<1x48x512xf32, #tpu.memory_space<hbm>>
        %dma_wait3A_99 = tpu.memref_squeeze %dma_wait3A_98 : memref<1x48x512xf32, #tpu.memory_space<hbm>> -> memref<48x512xf32, #tpu.memory_space<hbm>>
        %dma_wait3A_100 = arith.constant 0 : i32
        %dma_wait3A_101 = arith.constant 0 : i32
        %dma_wait3A_102 = tpu.memref_slice %arg2[%dma_wait3A_95, %dma_wait3A_100, %dma_wait3A_101] : memref<4x384x512xf32, #tpu.memory_space<hbm>> -> memref<1x48x512xf32, #tpu.memory_space<hbm>>
        %dma_wait3A_103 = tpu.memref_squeeze %dma_wait3A_102 : memref<1x48x512xf32, #tpu.memory_space<hbm>> -> memref<48x512xf32, #tpu.memory_space<hbm>>
        tpu.wait_dma2 semaphore(%arg12 : memref<!tpu.dma_semaphore, #tpu.memory_space<semaphore_mem>>) src(%dma_wait3A_103 : memref<48x512xf32, #tpu.memory_space<hbm>>) dst(%arg7 : memref<48x512xf32, #tpu.memory_space<vmem>>)
        %dma_wait3A_104 = arith.constant 0 : i32
        %dma_wait3A_105 = arith.constant 0 : i32
        %dma_wait3A_106 = tpu.memref_slice %arg4[%dma_wait3A_104, %dma_wait3A_105] : memref<4x25600xi32, #tpu.memory_space<hbm>> -> memref<1x3200xi32, #tpu.memory_space<hbm>>
        %dma_wait3A_107 = tpu.memref_squeeze %dma_wait3A_106 : memref<1x3200xi32, #tpu.memory_space<hbm>> -> memref<3200xi32, #tpu.memory_space<hbm>>
        %dma_wait3A_108 = arith.constant 0 : i32
        %dma_wait3A_109 = tpu.memref_slice %arg4[%dma_wait3A_104, %dma_wait3A_108] : memref<4x25600xi32, #tpu.memory_space<hbm>> -> memref<1x3200xi32, #tpu.memory_space<hbm>>
        %dma_wait3A_110 = tpu.memref_squeeze %dma_wait3A_109 : memref<1x3200xi32, #tpu.memory_space<hbm>> -> memref<3200xi32, #tpu.memory_space<hbm>>
        tpu.wait_dma2 semaphore(%arg12 : memref<!tpu.dma_semaphore, #tpu.memory_space<semaphore_mem>>) src(%dma_wait3A_110 : memref<3200xi32, #tpu.memory_space<hbm>>) dst(%arg9 : memref<3200xi32, #tpu.memory_space<vmem>>)
        %scan3A_111 = arith.constant 0 : i32
        %scan3A_112 = arith.constant 0 : i32
        %scan3A_113 = arith.constant 25 : i32
        %scan3A_114 = arith.addi %scan3A_112, %scan3A_113 : i32
        %scan3A_115 = arith.constant 1 : i32
        scf.for %scan3A_122 = %scan3A_112 to %scan3A_114 step %scan3A_115  : i32 {
          %mul3A_123 = arith.constant 128 : i32
          %mul3A_124 = arith.muli %scan3A_122, %mul3A_123 : i32
          %add3A_125 = arith.constant 0 : i32
          %add3A_126 = arith.addi %mul3A_124, %add3A_125 : i32
          %get3A = arith.index_cast %add3A_126 : i32 to index
          %get3A_127 = tpu.vector_load %arg9[%get3A] {strides = array<i32>} : memref<3200xi32, #tpu.memory_space<vmem>>, vector<16xi32>,
          %and3A_128 = arith.constant 32767 : i32
          %and3A_129 = vector.broadcast %and3A_128 : i32 to vector<16xi32>
          %and3A_130 = arith.andi %get3A_127, %and3A_129 : vector<16xi32>
          %shift_right_logical3A = arith.constant 9 : i32
          %shift_right_logical3A_131 = vector.broadcast %shift_right_logical3A : i32 to vector<16xi32>
          %shift_right_logical3A_132 = arith.shrui %and3A_130, %shift_right_logical3A_131 : vector<16xi32>
          %and3A_133 = arith.constant 511 : i32
          %and3A_134 = vector.broadcast %and3A_133 : i32 to vector<16xi32>
          %and3A_135 = arith.andi %and3A_130, %and3A_134 : vector<16xi32>
          %shift_right_logical3A_136 = arith.constant 15 : i32
          %shift_right_logical3A_137 = vector.broadcast %shift_right_logical3A_136 : i32 to vector<16xi32>
          %shift_right_logical3A_138 = arith.shrui %get3A_127, %shift_right_logical3A_137 : vector<16xi32>
          %shift_right_logical3A_139 = arith.constant 7 : i32
          %shift_right_logical3A_140 = vector.broadcast %shift_right_logical3A_139 : i32 to vector<16xi32>
          %shift_right_logical3A_141 = arith.shrui %shift_right_logical3A_138, %shift_right_logical3A_140 : vector<16xi32>
          %and3A_142 = arith.constant 127 : i32
          %and3A_143 = vector.broadcast %and3A_142 : i32 to vector<16xi32>
          %and3A_144 = arith.andi %shift_right_logical3A_138, %and3A_143 : vector<16xi32>
          %gather3A = tpu.vector_load_idx %arg7[%shift_right_logical3A_132, %and3A_135] : memref<48x512xf32, #tpu.memory_space<vmem>>[vector<16xi32>, vector<16xi32>], vector<16xf32>,
          tpu.vector_store_idx %arg10[%shift_right_logical3A_141, %and3A_144], %gather3A : memref<177x128xf32, #tpu.memory_space<vmem>>[vector<16xi32>, vector<16xi32>], vector<16xf32>,
          %mul3A_145 = arith.constant 128 : i32
          %mul3A_146 = arith.muli %scan3A_122, %mul3A_145 : i32
          %add3A_147 = arith.constant 16 : i32
          %add3A_148 = arith.addi %mul3A_146, %add3A_147 : i32
          %get3A_149 = arith.index_cast %add3A_148 : i32 to index
          %get3A_150 = tpu.vector_load %arg9[%get3A_149] {strides = array<i32>} : memref<3200xi32, #tpu.memory_space<vmem>>, vector<16xi32>,
          %and3A_151 = arith.constant 32767 : i32
          %and3A_152 = vector.broadcast %and3A_151 : i32 to vector<16xi32>
          %and3A_153 = arith.andi %get3A_150, %and3A_152 : vector<16xi32>
          %shift_right_logical3A_154 = arith.constant 9 : i32
          %shift_right_logical3A_155 = vector.broadcast %shift_right_logical3A_154 : i32 to vector<16xi32>
          %shift_right_logical3A_156 = arith.shrui %and3A_153, %shift_right_logical3A_155 : vector<16xi32>
          %and3A_157 = arith.constant 511 : i32
          %and3A_158 = vector.broadcast %and3A_157 : i32 to vector<16xi32>
          %and3A_159 = arith.andi %and3A_153, %and3A_158 : vector<16xi32>
          %shift_right_logical3A_160 = arith.constant 15 : i32
          %shift_right_logical3A_161 = vector.broadcast %shift_right_logical3A_160 : i32 to vector<16xi32>
          %shift_right_logical3A_162 = arith.shrui %get3A_150, %shift_right_logical3A_161 : vector<16xi32>
          %shift_right_logical3A_163 = arith.constant 7 : i32
          %shift_right_logical3A_164 = vector.broadcast %shift_right_logical3A_163 : i32 to vector<16xi32>
          %shift_right_logical3A_165 = arith.shrui %shift_right_logical3A_162, %shift_right_logical3A_164 : vector<16xi32>
          %and3A_166 = arith.constant 127 : i32
          %and3A_167 = vector.broadcast %and3A_166 : i32 to vector<16xi32>
          %and3A_168 = arith.andi %shift_right_logical3A_162, %and3A_167 : vector<16xi32>
          %gather3A_169 = tpu.vector_load_idx %arg7[%shift_right_logical3A_156, %and3A_159] : memref<48x512xf32, #tpu.memory_space<vmem>>[vector<16xi32>, vector<16xi32>], vector<16xf32>,
          tpu.vector_store_idx %arg10[%shift_right_logical3A_165, %and3A_168], %gather3A_169 : memref<177x128xf32, #tpu.memory_space<vmem>>[vector<16xi32>, vector<16xi32>], vector<16xf32>,
          %mul3A_170 = arith.constant 128 : i32
          %mul3A_171 = arith.muli %scan3A_122, %mul3A_170 : i32
          %add3A_172 = arith.constant 32 : i32
          %add3A_173 = arith.addi %mul3A_171, %add3A_172 : i32
          %get3A_174 = arith.index_cast %add3A_173 : i32 to index
          %get3A_175 = tpu.vector_load %arg9[%get3A_174] {strides = array<i32>} : memref<3200xi32, #tpu.memory_space<vmem>>, vector<16xi32>,
          %and3A_176 = arith.constant 32767 : i32
          %and3A_177 = vector.broadcast %and3A_176 : i32 to vector<16xi32>
          %and3A_178 = arith.andi %get3A_175, %and3A_177 : vector<16xi32>
          %shift_right_logical3A_179 = arith.constant 9 : i32
          %shift_right_logical3A_180 = vector.broadcast %shift_right_logical3A_179 : i32 to vector<16xi32>
          %shift_right_logical3A_181 = arith.shrui %and3A_178, %shift_right_logical3A_180 : vector<16xi32>
          %and3A_182 = arith.constant 511 : i32
          %and3A_183 = vector.broadcast %and3A_182 : i32 to vector<16xi32>
          %and3A_184 = arith.andi %and3A_178, %and3A_183 : vector<16xi32>
          %shift_right_logical3A_185 = arith.constant 15 : i32
          %shift_right_logical3A_186 = vector.broadcast %shift_right_logical3A_185 : i32 to vector<16xi32>
          %shift_right_logical3A_187 = arith.shrui %get3A_175, %shift_right_logical3A_186 : vector<16xi32>
          %shift_right_logical3A_188 = arith.constant 7 : i32
          %shift_right_logical3A_189 = vector.broadcast %shift_right_logical3A_188 : i32 to vector<16xi32>
          %shift_right_logical3A_190 = arith.shrui %shift_right_logical3A_187, %shift_right_logical3A_189 : vector<16xi32>
          %and3A_191 = arith.constant 127 : i32
          %and3A_192 = vector.broadcast %and3A_191 : i32 to vector<16xi32>
          %and3A_193 = arith.andi %shift_right_logical3A_187, %and3A_192 : vector<16xi32>
          %gather3A_194 = tpu.vector_load_idx %arg7[%shift_right_logical3A_181, %and3A_184] : memref<48x512xf32, #tpu.memory_space<vmem>>[vector<16xi32>, vector<16xi32>], vector<16xf32>,
          tpu.vector_store_idx %arg10[%shift_right_logical3A_190, %and3A_193], %gather3A_194 : memref<177x128xf32, #tpu.memory_space<vmem>>[vector<16xi32>, vector<16xi32>], vector<16xf32>,
          %mul3A_195 = arith.constant 128 : i32
          %mul3A_196 = arith.muli %scan3A_122, %mul3A_195 : i32
          %add3A_197 = arith.constant 48 : i32
          %add3A_198 = arith.addi %mul3A_196, %add3A_197 : i32
          %get3A_199 = arith.index_cast %add3A_198 : i32 to index
          %get3A_200 = tpu.vector_load %arg9[%get3A_199] {strides = array<i32>} : memref<3200xi32, #tpu.memory_space<vmem>>, vector<16xi32>,
          %and3A_201 = arith.constant 32767 : i32
          %and3A_202 = vector.broadcast %and3A_201 : i32 to vector<16xi32>
          %and3A_203 = arith.andi %get3A_200, %and3A_202 : vector<16xi32>
          %shift_right_logical3A_204 = arith.constant 9 : i32
          %shift_right_logical3A_205 = vector.broadcast %shift_right_logical3A_204 : i32 to vector<16xi32>
          %shift_right_logical3A_206 = arith.shrui %and3A_203, %shift_right_logical3A_205 : vector<16xi32>
          %and3A_207 = arith.constant 511 : i32
          %and3A_208 = vector.broadcast %and3A_207 : i32 to vector<16xi32>
          %and3A_209 = arith.andi %and3A_203, %and3A_208 : vector<16xi32>
          %shift_right_logical3A_210 = arith.constant 15 : i32
          %shift_right_logical3A_211 = vector.broadcast %shift_right_logical3A_210 : i32 to vector<16xi32>
          %shift_right_logical3A_212 = arith.shrui %get3A_200, %shift_right_logical3A_211 : vector<16xi32>
          %shift_right_logical3A_213 = arith.constant 7 : i32
          %shift_right_logical3A_214 = vector.broadcast %shift_right_logical3A_213 : i32 to vector<16xi32>
          %shift_right_logical3A_215 = arith.shrui %shift_right_logical3A_212, %shift_right_logical3A_214 : vector<16xi32>
          %and3A_216 = arith.constant 127 : i32
          %and3A_217 = vector.broadcast %and3A_216 : i32 to vector<16xi32>
          %and3A_218 = arith.andi %shift_right_logical3A_212, %and3A_217 : vector<16xi32>
          %gather3A_219 = tpu.vector_load_idx %arg7[%shift_right_logical3A_206, %and3A_209] : memref<48x512xf32, #tpu.memory_space<vmem>>[vector<16xi32>, vector<16xi32>], vector<16xf32>,
          tpu.vector_store_idx %arg10[%shift_right_logical3A_215, %and3A_218], %gather3A_219 : memref<177x128xf32, #tpu.memory_space<vmem>>[vector<16xi32>, vector<16xi32>], vector<16xf32>,
          %mul3A_220 = arith.constant 128 : i32
          %mul3A_221 = arith.muli %scan3A_122, %mul3A_220 : i32
          %add3A_222 = arith.constant 64 : i32
          %add3A_223 = arith.addi %mul3A_221, %add3A_222 : i32
          %get3A_224 = arith.index_cast %add3A_223 : i32 to index
          %get3A_225 = tpu.vector_load %arg9[%get3A_224] {strides = array<i32>} : memref<3200xi32, #tpu.memory_space<vmem>>, vector<16xi32>,
          %and3A_226 = arith.constant 32767 : i32
          %and3A_227 = vector.broadcast %and3A_226 : i32 to vector<16xi32>
          %and3A_228 = arith.andi %get3A_225, %and3A_227 : vector<16xi32>
          %shift_right_logical3A_229 = arith.constant 9 : i32
          %shift_right_logical3A_230 = vector.broadcast %shift_right_logical3A_229 : i32 to vector<16xi32>
          %shift_right_logical3A_231 = arith.shrui %and3A_228, %shift_right_logical3A_230 : vector<16xi32>
          %and3A_232 = arith.constant 511 : i32
          %and3A_233 = vector.broadcast %and3A_232 : i32 to vector<16xi32>
          %and3A_234 = arith.andi %and3A_228, %and3A_233 : vector<16xi32>
          %shift_right_logical3A_235 = arith.constant 15 : i32
          %shift_right_logical3A_236 = vector.broadcast %shift_right_logical3A_235 : i32 to vector<16xi32>
          %shift_right_logical3A_237 = arith.shrui %get3A_225, %shift_right_logical3A_236 : vector<16xi32>
          %shift_right_logical3A_238 = arith.constant 7 : i32
          %shift_right_logical3A_239 = vector.broadcast %shift_right_logical3A_238 : i32 to vector<16xi32>
          %shift_right_logical3A_240 = arith.shrui %shift_right_logical3A_237, %shift_right_logical3A_239 : vector<16xi32>
          %and3A_241 = arith.constant 127 : i32
          %and3A_242 = vector.broadcast %and3A_241 : i32 to vector<16xi32>
          %and3A_243 = arith.andi %shift_right_logical3A_237, %and3A_242 : vector<16xi32>
          %gather3A_244 = tpu.vector_load_idx %arg7[%shift_right_logical3A_231, %and3A_234] : memref<48x512xf32, #tpu.memory_space<vmem>>[vector<16xi32>, vector<16xi32>], vector<16xf32>,
          tpu.vector_store_idx %arg10[%shift_right_logical3A_240, %and3A_243], %gather3A_244 : memref<177x128xf32, #tpu.memory_space<vmem>>[vector<16xi32>, vector<16xi32>], vector<16xf32>,
          %mul3A_245 = arith.constant 128 : i32
          %mul3A_246 = arith.muli %scan3A_122, %mul3A_245 : i32
          %add3A_247 = arith.constant 80 : i32
          %add3A_248 = arith.addi %mul3A_246, %add3A_247 : i32
          %get3A_249 = arith.index_cast %add3A_248 : i32 to index
          %get3A_250 = tpu.vector_load %arg9[%get3A_249] {strides = array<i32>} : memref<3200xi32, #tpu.memory_space<vmem>>, vector<16xi32>,
          %and3A_251 = arith.constant 32767 : i32
          %and3A_252 = vector.broadcast %and3A_251 : i32 to vector<16xi32>
          %and3A_253 = arith.andi %get3A_250, %and3A_252 : vector<16xi32>
          %shift_right_logical3A_254 = arith.constant 9 : i32
          %shift_right_logical3A_255 = vector.broadcast %shift_right_logical3A_254 : i32 to vector<16xi32>
          %shift_right_logical3A_256 = arith.shrui %and3A_253, %shift_right_logical3A_255 : vector<16xi32>
          %and3A_257 = arith.constant 511 : i32
          %and3A_258 = vector.broadcast %and3A_257 : i32 to vector<16xi32>
          %and3A_259 = arith.andi %and3A_253, %and3A_258 : vector<16xi32>
          %shift_right_logical3A_260 = arith.constant 15 : i32
          %shift_right_logical3A_261 = vector.broadcast %shift_right_logical3A_260 : i32 to vector<16xi32>
          %shift_right_logical3A_262 = arith.shrui %get3A_250, %shift_right_logical3A_261 : vector<16xi32>
          %shift_right_logical3A_263 = arith.constant 7 : i32
          %shift_right_logical3A_264 = vector.broadcast %shift_right_logical3A_263 : i32 to vector<16xi32>
          %shift_right_logical3A_265 = arith.shrui %shift_right_logical3A_262, %shift_right_logical3A_264 : vector<16xi32>
          %and3A_266 = arith.constant 127 : i32
          %and3A_267 = vector.broadcast %and3A_266 : i32 to vector<16xi32>
          %and3A_268 = arith.andi %shift_right_logical3A_262, %and3A_267 : vector<16xi32>
          %gather3A_269 = tpu.vector_load_idx %arg7[%shift_right_logical3A_256, %and3A_259] : memref<48x512xf32, #tpu.memory_space<vmem>>[vector<16xi32>, vector<16xi32>], vector<16xf32>,
          tpu.vector_store_idx %arg10[%shift_right_logical3A_265, %and3A_268], %gather3A_269 : memref<177x128xf32, #tpu.memory_space<vmem>>[vector<16xi32>, vector<16xi32>], vector<16xf32>,
          %mul3A_270 = arith.constant 128 : i32
          %mul3A_271 = arith.muli %scan3A_122, %mul3A_270 : i32
          %add3A_272 = arith.constant 96 : i32
          %add3A_273 = arith.addi %mul3A_271, %add3A_272 : i32
          %get3A_274 = arith.index_cast %add3A_273 : i32 to index
          %get3A_275 = tpu.vector_load %arg9[%get3A_274] {strides = array<i32>} : memref<3200xi32, #tpu.memory_space<vmem>>, vector<16xi32>,
          %and3A_276 = arith.constant 32767 : i32
          %and3A_277 = vector.broadcast %and3A_276 : i32 to vector<16xi32>
          %and3A_278 = arith.andi %get3A_275, %and3A_277 : vector<16xi32>
          %shift_right_logical3A_279 = arith.constant 9 : i32
          %shift_right_logical3A_280 = vector.broadcast %shift_right_logical3A_279 : i32 to vector<16xi32>
          %shift_right_logical3A_281 = arith.shrui %and3A_278, %shift_right_logical3A_280 : vector<16xi32>
          %and3A_282 = arith.constant 511 : i32
          %and3A_283 = vector.broadcast %and3A_282 : i32 to vector<16xi32>
          %and3A_284 = arith.andi %and3A_278, %and3A_283 : vector<16xi32>
          %shift_right_logical3A_285 = arith.constant 15 : i32
          %shift_right_logical3A_286 = vector.broadcast %shift_right_logical3A_285 : i32 to vector<16xi32>
          %shift_right_logical3A_287 = arith.shrui %get3A_275, %shift_right_logical3A_286 : vector<16xi32>
          %shift_right_logical3A_288 = arith.constant 7 : i32
          %shift_right_logical3A_289 = vector.broadcast %shift_right_logical3A_288 : i32 to vector<16xi32>
          %shift_right_logical3A_290 = arith.shrui %shift_right_logical3A_287, %shift_right_logical3A_289 : vector<16xi32>
          %and3A_291 = arith.constant 127 : i32
          %and3A_292 = vector.broadcast %and3A_291 : i32 to vector<16xi32>
          %and3A_293 = arith.andi %shift_right_logical3A_287, %and3A_292 : vector<16xi32>
          %gather3A_294 = tpu.vector_load_idx %arg7[%shift_right_logical3A_281, %and3A_284] : memref<48x512xf32, #tpu.memory_space<vmem>>[vector<16xi32>, vector<16xi32>], vector<16xf32>,
          tpu.vector_store_idx %arg10[%shift_right_logical3A_290, %and3A_293], %gather3A_294 : memref<177x128xf32, #tpu.memory_space<vmem>>[vector<16xi32>, vector<16xi32>], vector<16xf32>,
          %mul3A_295 = arith.constant 128 : i32
          %mul3A_296 = arith.muli %scan3A_122, %mul3A_295 : i32
          %add3A_297 = arith.constant 112 : i32
          %add3A_298 = arith.addi %mul3A_296, %add3A_297 : i32
          %get3A_299 = arith.index_cast %add3A_298 : i32 to index
          %get3A_300 = tpu.vector_load %arg9[%get3A_299] {strides = array<i32>} : memref<3200xi32, #tpu.memory_space<vmem>>, vector<16xi32>,
          %and3A_301 = arith.constant 32767 : i32
          %and3A_302 = vector.broadcast %and3A_301 : i32 to vector<16xi32>
          %and3A_303 = arith.andi %get3A_300, %and3A_302 : vector<16xi32>
          %shift_right_logical3A_304 = arith.constant 9 : i32
          %shift_right_logical3A_305 = vector.broadcast %shift_right_logical3A_304 : i32 to vector<16xi32>
          %shift_right_logical3A_306 = arith.shrui %and3A_303, %shift_right_logical3A_305 : vector<16xi32>
          %and3A_307 = arith.constant 511 : i32
          %and3A_308 = vector.broadcast %and3A_307 : i32 to vector<16xi32>
          %and3A_309 = arith.andi %and3A_303, %and3A_308 : vector<16xi32>
          %shift_right_logical3A_310 = arith.constant 15 : i32
          %shift_right_logical3A_311 = vector.broadcast %shift_right_logical3A_310 : i32 to vector<16xi32>
          %shift_right_logical3A_312 = arith.shrui %get3A_300, %shift_right_logical3A_311 : vector<16xi32>
          %shift_right_logical3A_313 = arith.constant 7 : i32
          %shift_right_logical3A_314 = vector.broadcast %shift_right_logical3A_313 : i32 to vector<16xi32>
          %shift_right_logical3A_315 = arith.shrui %shift_right_logical3A_312, %shift_right_logical3A_314 : vector<16xi32>
          %and3A_316 = arith.constant 127 : i32
          %and3A_317 = vector.broadcast %and3A_316 : i32 to vector<16xi32>
          %and3A_318 = arith.andi %shift_right_logical3A_312, %and3A_317 : vector<16xi32>
          %gather3A_319 = tpu.vector_load_idx %arg7[%shift_right_logical3A_306, %and3A_309] : memref<48x512xf32, #tpu.memory_space<vmem>>[vector<16xi32>, vector<16xi32>], vector<16xf32>,
          tpu.vector_store_idx %arg10[%shift_right_logical3A_315, %and3A_318], %gather3A_319 : memref<177x128xf32, #tpu.memory_space<vmem>>[vector<16xi32>, vector<16xi32>], vector<16xf32>,
        }
        %scan3A_116 = arith.constant 25 : i32
        %lt3A_117 = arith.constant 3 : i32
        %lt3A_118 = arith.cmpi slt, %scan3A_60, %lt3A_117 : i32
        %convert_element_type3A_119 = arith.extui %lt3A_118 : i1 to i32
        %cond3A_120 = arith.constant 0 : i32
        %cond3A_121 = arith.cmpi ne, %convert_element_type3A_119, %cond3A_120 : i32
        scf.if %cond3A_121 {
          %add3A_122 = arith.constant 2 : i32
          %add3A_123 = arith.addi %add3A_94, %add3A_122 : i32
          %mul3A_124 = arith.constant 48 : i32
          %mul3A_125 = arith.muli %add3A_123, %mul3A_124 : i32
          %multiple_of3A_126 = tpu.assume_multiple %mul3A_125, 8 : i32
          %dma_start3A_127 = arith.constant 0 : i32
          %dma_start3A_128 = tpu.memref_slice %arg2[%select_n3A, %multiple_of3A_126, %dma_start3A_127] : memref<4x384x512xf32, #tpu.memory_space<hbm>> -> memref<1x48x512xf32, #tpu.memory_space<hbm>>
          %dma_start3A_129 = tpu.memref_squeeze %dma_start3A_128 : memref<1x48x512xf32, #tpu.memory_space<hbm>> -> memref<48x512xf32, #tpu.memory_space<hbm>>
          %dma_start3A_130 = arith.constant 0 : i32
          %dma_start3A_131 = tpu.memref_slice %arg2[%select_n3A, %multiple_of3A_126, %dma_start3A_130] : memref<4x384x512xf32, #tpu.memory_space<hbm>> -> memref<1x48x512xf32, #tpu.memory_space<hbm>>
          %dma_start3A_132 = tpu.memref_squeeze %dma_start3A_131 : memref<1x48x512xf32, #tpu.memory_space<hbm>> -> memref<48x512xf32, #tpu.memory_space<hbm>>
          tpu.enqueue_dma source(%dma_start3A_132 : memref<48x512xf32, #tpu.memory_space<hbm>>) target(%arg7 : memref<48x512xf32, #tpu.memory_space<vmem>>) target_semaphore(%arg12 : memref<!tpu.dma_semaphore, #tpu.memory_space<semaphore_mem>>)
          %mul3A_133 = arith.constant 3200 : i32
          %mul3A_134 = arith.muli %add3A_123, %mul3A_133 : i32
          %multiple_of3A_135 = tpu.assume_multiple %mul3A_134, 8 : i32
          %dma_start3A_136 = tpu.memref_slice %arg4[%sub3A_19, %multiple_of3A_135] : memref<4x25600xi32, #tpu.memory_space<hbm>> -> memref<1x3200xi32, #tpu.memory_space<hbm>>
          %dma_start3A_137 = tpu.memref_squeeze %dma_start3A_136 : memref<1x3200xi32, #tpu.memory_space<hbm>> -> memref<3200xi32, #tpu.memory_space<hbm>>
          %dma_start3A_138 = tpu.memref_slice %arg4[%sub3A_19, %multiple_of3A_135] : memref<4x25600xi32, #tpu.memory_space<hbm>> -> memref<1x3200xi32, #tpu.memory_space<hbm>>
          %dma_start3A_139 = tpu.memref_squeeze %dma_start3A_138 : memref<1x3200xi32, #tpu.memory_space<hbm>> -> memref<3200xi32, #tpu.memory_space<hbm>>
          tpu.enqueue_dma source(%dma_start3A_139 : memref<3200xi32, #tpu.memory_space<hbm>>) target(%arg9 : memref<3200xi32, #tpu.memory_space<vmem>>) target_semaphore(%arg12 : memref<!tpu.dma_semaphore, #tpu.memory_space<semaphore_mem>>)
        } else {
        }
      }
      %scan3A_59 = arith.constant 4 : i32
    } else {
    }
    %ge3A = arith.constant 4 : i32
    %ge3A_22 = arith.cmpi sge, %select_n3A, %ge3A : i32
    %convert_element_type3A_23 = arith.extui %ge3A_22 : i1 to i32
    %cond3A_24 = arith.constant 0 : i32
    %cond3A_25 = arith.cmpi ne, %convert_element_type3A_23, %cond3A_24 : i32
    scf.if %cond3A_25 {
      %sub3A_28 = arith.constant 4 : i32
      %sub3A_29 = arith.subi %select_n3A, %sub3A_28 : i32
      %multiple_of3A_30 = arith.constant 0 : i32
      %multiple_of3A_31 = tpu.assume_multiple %multiple_of3A_30, 8 : i32
      %dma_start3A = arith.constant 0 : i32
      %dma_start3A_32 = tpu.memref_slice %arg3[%sub3A_29, %multiple_of3A_31, %dma_start3A] : memref<4x384x512xf32, #tpu.memory_space<hbm>> -> memref<1x48x512xf32, #tpu.memory_space<hbm>>
      %dma_start3A_33 = tpu.memref_squeeze %dma_start3A_32 : memref<1x48x512xf32, #tpu.memory_space<hbm>> -> memref<48x512xf32, #tpu.memory_space<hbm>>
      %dma_start3A_34 = arith.constant 0 : i32
      %dma_start3A_35 = tpu.memref_slice %arg3[%sub3A_29, %multiple_of3A_31, %dma_start3A_34] : memref<4x384x512xf32, #tpu.memory_space<hbm>> -> memref<1x48x512xf32, #tpu.memory_space<hbm>>
      %dma_start3A_36 = tpu.memref_squeeze %dma_start3A_35 : memref<1x48x512xf32, #tpu.memory_space<hbm>> -> memref<48x512xf32, #tpu.memory_space<hbm>>
      tpu.enqueue_dma source(%dma_start3A_36 : memref<48x512xf32, #tpu.memory_space<hbm>>) target(%arg6 : memref<48x512xf32, #tpu.memory_space<vmem>>) target_semaphore(%arg11 : memref<!tpu.dma_semaphore, #tpu.memory_space<semaphore_mem>>)
      %multiple_of3A_37 = arith.constant 0 : i32
      %multiple_of3A_38 = tpu.assume_multiple %multiple_of3A_37, 8 : i32
      %dma_start3A_39 = tpu.memref_slice %arg4[%sub3A_19, %multiple_of3A_38] : memref<4x25600xi32, #tpu.memory_space<hbm>> -> memref<1x3200xi32, #tpu.memory_space<hbm>>
      %dma_start3A_40 = tpu.memref_squeeze %dma_start3A_39 : memref<1x3200xi32, #tpu.memory_space<hbm>> -> memref<3200xi32, #tpu.memory_space<hbm>>
      %dma_start3A_41 = tpu.memref_slice %arg4[%sub3A_19, %multiple_of3A_38] : memref<4x25600xi32, #tpu.memory_space<hbm>> -> memref<1x3200xi32, #tpu.memory_space<hbm>>
      %dma_start3A_42 = tpu.memref_squeeze %dma_start3A_41 : memref<1x3200xi32, #tpu.memory_space<hbm>> -> memref<3200xi32, #tpu.memory_space<hbm>>
      tpu.enqueue_dma source(%dma_start3A_42 : memref<3200xi32, #tpu.memory_space<hbm>>) target(%arg8 : memref<3200xi32, #tpu.memory_space<vmem>>) target_semaphore(%arg11 : memref<!tpu.dma_semaphore, #tpu.memory_space<semaphore_mem>>)
      %multiple_of3A_43 = arith.constant 48 : i32
      %multiple_of3A_44 = tpu.assume_multiple %multiple_of3A_43, 8 : i32
      %dma_start3A_45 = arith.constant 0 : i32
      %dma_start3A_46 = tpu.memref_slice %arg3[%sub3A_29, %multiple_of3A_44, %dma_start3A_45] : memref<4x384x512xf32, #tpu.memory_space<hbm>> -> memref<1x48x512xf32, #tpu.memory_space<hbm>>
      %dma_start3A_47 = tpu.memref_squeeze %dma_start3A_46 : memref<1x48x512xf32, #tpu.memory_space<hbm>> -> memref<48x512xf32, #tpu.memory_space<hbm>>
      %dma_start3A_48 = arith.constant 0 : i32
      %dma_start3A_49 = tpu.memref_slice %arg3[%sub3A_29, %multiple_of3A_44, %dma_start3A_48] : memref<4x384x512xf32, #tpu.memory_space<hbm>> -> memref<1x48x512xf32, #tpu.memory_space<hbm>>
      %dma_start3A_50 = tpu.memref_squeeze %dma_start3A_49 : memref<1x48x512xf32, #tpu.memory_space<hbm>> -> memref<48x512xf32, #tpu.memory_space<hbm>>
      tpu.enqueue_dma source(%dma_start3A_50 : memref<48x512xf32, #tpu.memory_space<hbm>>) target(%arg7 : memref<48x512xf32, #tpu.memory_space<vmem>>) target_semaphore(%arg12 : memref<!tpu.dma_semaphore, #tpu.memory_space<semaphore_mem>>)
      %multiple_of3A_51 = arith.constant 3200 : i32
      %multiple_of3A_52 = tpu.assume_multiple %multiple_of3A_51, 8 : i32
      %dma_start3A_53 = tpu.memref_slice %arg4[%sub3A_19, %multiple_of3A_52] : memref<4x25600xi32, #tpu.memory_space<hbm>> -> memref<1x3200xi32, #tpu.memory_space<hbm>>
      %dma_start3A_54 = tpu.memref_squeeze %dma_start3A_53 : memref<1x3200xi32, #tpu.memory_space<hbm>> -> memref<3200xi32, #tpu.memory_space<hbm>>
      %dma_start3A_55 = tpu.memref_slice %arg4[%sub3A_19, %multiple_of3A_52] : memref<4x25600xi32, #tpu.memory_space<hbm>> -> memref<1x3200xi32, #tpu.memory_space<hbm>>
      %dma_start3A_56 = tpu.memref_squeeze %dma_start3A_55 : memref<1x3200xi32, #tpu.memory_space<hbm>> -> memref<3200xi32, #tpu.memory_space<hbm>>
      tpu.enqueue_dma source(%dma_start3A_56 : memref<3200xi32, #tpu.memory_space<hbm>>) target(%arg9 : memref<3200xi32, #tpu.memory_space<vmem>>) target_semaphore(%arg12 : memref<!tpu.dma_semaphore, #tpu.memory_space<semaphore_mem>>)
      %scan3A = arith.constant 0 : i32
      %scan3A_57 = arith.constant 0 : i32
      %scan3A_58 = arith.constant 4 : i32
      %scan3A_59 = arith.addi %scan3A_57, %scan3A_58 : i32
      %scan3A_60 = arith.constant 1 : i32
      scf.for %scan3A_62 = %scan3A_57 to %scan3A_59 step %scan3A_60  : i32 {
        %mul3A_63 = arith.constant 2 : i32
        %mul3A_64 = arith.muli %scan3A_62, %mul3A_63 : i32
        %add3A_65 = arith.constant 0 : i32
        %add3A_66 = arith.addi %mul3A_64, %add3A_65 : i32
        %dma_wait3A = arith.constant 0 : i32
        %dma_wait3A_67 = arith.constant 0 : i32
        %dma_wait3A_68 = arith.constant 0 : i32
        %dma_wait3A_69 = tpu.memref_slice %arg3[%dma_wait3A, %dma_wait3A_67, %dma_wait3A_68] : memref<4x384x512xf32, #tpu.memory_space<hbm>> -> memref<1x48x512xf32, #tpu.memory_space<hbm>>
        %dma_wait3A_70 = tpu.memref_squeeze %dma_wait3A_69 : memref<1x48x512xf32, #tpu.memory_space<hbm>> -> memref<48x512xf32, #tpu.memory_space<hbm>>
        %dma_wait3A_71 = arith.constant 0 : i32
        %dma_wait3A_72 = arith.constant 0 : i32
        %dma_wait3A_73 = tpu.memref_slice %arg3[%dma_wait3A, %dma_wait3A_71, %dma_wait3A_72] : memref<4x384x512xf32, #tpu.memory_space<hbm>> -> memref<1x48x512xf32, #tpu.memory_space<hbm>>
        %dma_wait3A_74 = tpu.memref_squeeze %dma_wait3A_73 : memref<1x48x512xf32, #tpu.memory_space<hbm>> -> memref<48x512xf32, #tpu.memory_space<hbm>>
        tpu.wait_dma2 semaphore(%arg11 : memref<!tpu.dma_semaphore, #tpu.memory_space<semaphore_mem>>) src(%dma_wait3A_74 : memref<48x512xf32, #tpu.memory_space<hbm>>) dst(%arg6 : memref<48x512xf32, #tpu.memory_space<vmem>>)
        %dma_wait3A_75 = arith.constant 0 : i32
        %dma_wait3A_76 = arith.constant 0 : i32
        %dma_wait3A_77 = tpu.memref_slice %arg4[%dma_wait3A_75, %dma_wait3A_76] : memref<4x25600xi32, #tpu.memory_space<hbm>> -> memref<1x3200xi32, #tpu.memory_space<hbm>>
        %dma_wait3A_78 = tpu.memref_squeeze %dma_wait3A_77 : memref<1x3200xi32, #tpu.memory_space<hbm>> -> memref<3200xi32, #tpu.memory_space<hbm>>
        %dma_wait3A_79 = arith.constant 0 : i32
        %dma_wait3A_80 = tpu.memref_slice %arg4[%dma_wait3A_75, %dma_wait3A_79] : memref<4x25600xi32, #tpu.memory_space<hbm>> -> memref<1x3200xi32, #tpu.memory_space<hbm>>
        %dma_wait3A_81 = tpu.memref_squeeze %dma_wait3A_80 : memref<1x3200xi32, #tpu.memory_space<hbm>> -> memref<3200xi32, #tpu.memory_space<hbm>>
        tpu.wait_dma2 semaphore(%arg11 : memref<!tpu.dma_semaphore, #tpu.memory_space<semaphore_mem>>) src(%dma_wait3A_81 : memref<3200xi32, #tpu.memory_space<hbm>>) dst(%arg8 : memref<3200xi32, #tpu.memory_space<vmem>>)
        %scan3A_82 = arith.constant 0 : i32
        %scan3A_83 = arith.constant 0 : i32
        %scan3A_84 = arith.constant 25 : i32
        %scan3A_85 = arith.addi %scan3A_83, %scan3A_84 : i32
        %scan3A_86 = arith.constant 1 : i32
        scf.for %scan3A_124 = %scan3A_83 to %scan3A_85 step %scan3A_86  : i32 {
          %mul3A_125 = arith.constant 128 : i32
          %mul3A_126 = arith.muli %scan3A_124, %mul3A_125 : i32
          %add3A_127 = arith.constant 0 : i32
          %add3A_128 = arith.addi %mul3A_126, %add3A_127 : i32
          %get3A = arith.index_cast %add3A_128 : i32 to index
          %get3A_129 = tpu.vector_load %arg8[%get3A] {strides = array<i32>} : memref<3200xi32, #tpu.memory_space<vmem>>, vector<16xi32>,
          %and3A_130 = arith.constant 32767 : i32
          %and3A_131 = vector.broadcast %and3A_130 : i32 to vector<16xi32>
          %and3A_132 = arith.andi %get3A_129, %and3A_131 : vector<16xi32>
          %shift_right_logical3A = arith.constant 9 : i32
          %shift_right_logical3A_133 = vector.broadcast %shift_right_logical3A : i32 to vector<16xi32>
          %shift_right_logical3A_134 = arith.shrui %and3A_132, %shift_right_logical3A_133 : vector<16xi32>
          %and3A_135 = arith.constant 511 : i32
          %and3A_136 = vector.broadcast %and3A_135 : i32 to vector<16xi32>
          %and3A_137 = arith.andi %and3A_132, %and3A_136 : vector<16xi32>
          %shift_right_logical3A_138 = arith.constant 15 : i32
          %shift_right_logical3A_139 = vector.broadcast %shift_right_logical3A_138 : i32 to vector<16xi32>
          %shift_right_logical3A_140 = arith.shrui %get3A_129, %shift_right_logical3A_139 : vector<16xi32>
          %shift_right_logical3A_141 = arith.constant 7 : i32
          %shift_right_logical3A_142 = vector.broadcast %shift_right_logical3A_141 : i32 to vector<16xi32>
          %shift_right_logical3A_143 = arith.shrui %shift_right_logical3A_140, %shift_right_logical3A_142 : vector<16xi32>
          %and3A_144 = arith.constant 127 : i32
          %and3A_145 = vector.broadcast %and3A_144 : i32 to vector<16xi32>
          %and3A_146 = arith.andi %shift_right_logical3A_140, %and3A_145 : vector<16xi32>
          %gather3A = tpu.vector_load_idx %arg6[%shift_right_logical3A_134, %and3A_137] : memref<48x512xf32, #tpu.memory_space<vmem>>[vector<16xi32>, vector<16xi32>], vector<16xf32>,
          tpu.vector_store_idx %arg10[%shift_right_logical3A_143, %and3A_146], %gather3A : memref<177x128xf32, #tpu.memory_space<vmem>>[vector<16xi32>, vector<16xi32>], vector<16xf32>,
          %mul3A_147 = arith.constant 128 : i32
          %mul3A_148 = arith.muli %scan3A_124, %mul3A_147 : i32
          %add3A_149 = arith.constant 16 : i32
          %add3A_150 = arith.addi %mul3A_148, %add3A_149 : i32
          %get3A_151 = arith.index_cast %add3A_150 : i32 to index
          %get3A_152 = tpu.vector_load %arg8[%get3A_151] {strides = array<i32>} : memref<3200xi32, #tpu.memory_space<vmem>>, vector<16xi32>,
          %and3A_153 = arith.constant 32767 : i32
          %and3A_154 = vector.broadcast %and3A_153 : i32 to vector<16xi32>
          %and3A_155 = arith.andi %get3A_152, %and3A_154 : vector<16xi32>
          %shift_right_logical3A_156 = arith.constant 9 : i32
          %shift_right_logical3A_157 = vector.broadcast %shift_right_logical3A_156 : i32 to vector<16xi32>
          %shift_right_logical3A_158 = arith.shrui %and3A_155, %shift_right_logical3A_157 : vector<16xi32>
          %and3A_159 = arith.constant 511 : i32
          %and3A_160 = vector.broadcast %and3A_159 : i32 to vector<16xi32>
          %and3A_161 = arith.andi %and3A_155, %and3A_160 : vector<16xi32>
          %shift_right_logical3A_162 = arith.constant 15 : i32
          %shift_right_logical3A_163 = vector.broadcast %shift_right_logical3A_162 : i32 to vector<16xi32>
          %shift_right_logical3A_164 = arith.shrui %get3A_152, %shift_right_logical3A_163 : vector<16xi32>
          %shift_right_logical3A_165 = arith.constant 7 : i32
          %shift_right_logical3A_166 = vector.broadcast %shift_right_logical3A_165 : i32 to vector<16xi32>
          %shift_right_logical3A_167 = arith.shrui %shift_right_logical3A_164, %shift_right_logical3A_166 : vector<16xi32>
          %and3A_168 = arith.constant 127 : i32
          %and3A_169 = vector.broadcast %and3A_168 : i32 to vector<16xi32>
          %and3A_170 = arith.andi %shift_right_logical3A_164, %and3A_169 : vector<16xi32>
          %gather3A_171 = tpu.vector_load_idx %arg6[%shift_right_logical3A_158, %and3A_161] : memref<48x512xf32, #tpu.memory_space<vmem>>[vector<16xi32>, vector<16xi32>], vector<16xf32>,
          tpu.vector_store_idx %arg10[%shift_right_logical3A_167, %and3A_170], %gather3A_171 : memref<177x128xf32, #tpu.memory_space<vmem>>[vector<16xi32>, vector<16xi32>], vector<16xf32>,
          %mul3A_172 = arith.constant 128 : i32
          %mul3A_173 = arith.muli %scan3A_124, %mul3A_172 : i32
          %add3A_174 = arith.constant 32 : i32
          %add3A_175 = arith.addi %mul3A_173, %add3A_174 : i32
          %get3A_176 = arith.index_cast %add3A_175 : i32 to index
          %get3A_177 = tpu.vector_load %arg8[%get3A_176] {strides = array<i32>} : memref<3200xi32, #tpu.memory_space<vmem>>, vector<16xi32>,
          %and3A_178 = arith.constant 32767 : i32
          %and3A_179 = vector.broadcast %and3A_178 : i32 to vector<16xi32>
          %and3A_180 = arith.andi %get3A_177, %and3A_179 : vector<16xi32>
          %shift_right_logical3A_181 = arith.constant 9 : i32
          %shift_right_logical3A_182 = vector.broadcast %shift_right_logical3A_181 : i32 to vector<16xi32>
          %shift_right_logical3A_183 = arith.shrui %and3A_180, %shift_right_logical3A_182 : vector<16xi32>
          %and3A_184 = arith.constant 511 : i32
          %and3A_185 = vector.broadcast %and3A_184 : i32 to vector<16xi32>
          %and3A_186 = arith.andi %and3A_180, %and3A_185 : vector<16xi32>
          %shift_right_logical3A_187 = arith.constant 15 : i32
          %shift_right_logical3A_188 = vector.broadcast %shift_right_logical3A_187 : i32 to vector<16xi32>
          %shift_right_logical3A_189 = arith.shrui %get3A_177, %shift_right_logical3A_188 : vector<16xi32>
          %shift_right_logical3A_190 = arith.constant 7 : i32
          %shift_right_logical3A_191 = vector.broadcast %shift_right_logical3A_190 : i32 to vector<16xi32>
          %shift_right_logical3A_192 = arith.shrui %shift_right_logical3A_189, %shift_right_logical3A_191 : vector<16xi32>
          %and3A_193 = arith.constant 127 : i32
          %and3A_194 = vector.broadcast %and3A_193 : i32 to vector<16xi32>
          %and3A_195 = arith.andi %shift_right_logical3A_189, %and3A_194 : vector<16xi32>
          %gather3A_196 = tpu.vector_load_idx %arg6[%shift_right_logical3A_183, %and3A_186] : memref<48x512xf32, #tpu.memory_space<vmem>>[vector<16xi32>, vector<16xi32>], vector<16xf32>,
          tpu.vector_store_idx %arg10[%shift_right_logical3A_192, %and3A_195], %gather3A_196 : memref<177x128xf32, #tpu.memory_space<vmem>>[vector<16xi32>, vector<16xi32>], vector<16xf32>,
          %mul3A_197 = arith.constant 128 : i32
          %mul3A_198 = arith.muli %scan3A_124, %mul3A_197 : i32
          %add3A_199 = arith.constant 48 : i32
          %add3A_200 = arith.addi %mul3A_198, %add3A_199 : i32
          %get3A_201 = arith.index_cast %add3A_200 : i32 to index
          %get3A_202 = tpu.vector_load %arg8[%get3A_201] {strides = array<i32>} : memref<3200xi32, #tpu.memory_space<vmem>>, vector<16xi32>,
          %and3A_203 = arith.constant 32767 : i32
          %and3A_204 = vector.broadcast %and3A_203 : i32 to vector<16xi32>
          %and3A_205 = arith.andi %get3A_202, %and3A_204 : vector<16xi32>
          %shift_right_logical3A_206 = arith.constant 9 : i32
          %shift_right_logical3A_207 = vector.broadcast %shift_right_logical3A_206 : i32 to vector<16xi32>
          %shift_right_logical3A_208 = arith.shrui %and3A_205, %shift_right_logical3A_207 : vector<16xi32>
          %and3A_209 = arith.constant 511 : i32
          %and3A_210 = vector.broadcast %and3A_209 : i32 to vector<16xi32>
          %and3A_211 = arith.andi %and3A_205, %and3A_210 : vector<16xi32>
          %shift_right_logical3A_212 = arith.constant 15 : i32
          %shift_right_logical3A_213 = vector.broadcast %shift_right_logical3A_212 : i32 to vector<16xi32>
          %shift_right_logical3A_214 = arith.shrui %get3A_202, %shift_right_logical3A_213 : vector<16xi32>
          %shift_right_logical3A_215 = arith.constant 7 : i32
          %shift_right_logical3A_216 = vector.broadcast %shift_right_logical3A_215 : i32 to vector<16xi32>
          %shift_right_logical3A_217 = arith.shrui %shift_right_logical3A_214, %shift_right_logical3A_216 : vector<16xi32>
          %and3A_218 = arith.constant 127 : i32
          %and3A_219 = vector.broadcast %and3A_218 : i32 to vector<16xi32>
          %and3A_220 = arith.andi %shift_right_logical3A_214, %and3A_219 : vector<16xi32>
          %gather3A_221 = tpu.vector_load_idx %arg6[%shift_right_logical3A_208, %and3A_211] : memref<48x512xf32, #tpu.memory_space<vmem>>[vector<16xi32>, vector<16xi32>], vector<16xf32>,
          tpu.vector_store_idx %arg10[%shift_right_logical3A_217, %and3A_220], %gather3A_221 : memref<177x128xf32, #tpu.memory_space<vmem>>[vector<16xi32>, vector<16xi32>], vector<16xf32>,
          %mul3A_222 = arith.constant 128 : i32
          %mul3A_223 = arith.muli %scan3A_124, %mul3A_222 : i32
          %add3A_224 = arith.constant 64 : i32
          %add3A_225 = arith.addi %mul3A_223, %add3A_224 : i32
          %get3A_226 = arith.index_cast %add3A_225 : i32 to index
          %get3A_227 = tpu.vector_load %arg8[%get3A_226] {strides = array<i32>} : memref<3200xi32, #tpu.memory_space<vmem>>, vector<16xi32>,
          %and3A_228 = arith.constant 32767 : i32
          %and3A_229 = vector.broadcast %and3A_228 : i32 to vector<16xi32>
          %and3A_230 = arith.andi %get3A_227, %and3A_229 : vector<16xi32>
          %shift_right_logical3A_231 = arith.constant 9 : i32
          %shift_right_logical3A_232 = vector.broadcast %shift_right_logical3A_231 : i32 to vector<16xi32>
          %shift_right_logical3A_233 = arith.shrui %and3A_230, %shift_right_logical3A_232 : vector<16xi32>
          %and3A_234 = arith.constant 511 : i32
          %and3A_235 = vector.broadcast %and3A_234 : i32 to vector<16xi32>
          %and3A_236 = arith.andi %and3A_230, %and3A_235 : vector<16xi32>
          %shift_right_logical3A_237 = arith.constant 15 : i32
          %shift_right_logical3A_238 = vector.broadcast %shift_right_logical3A_237 : i32 to vector<16xi32>
          %shift_right_logical3A_239 = arith.shrui %get3A_227, %shift_right_logical3A_238 : vector<16xi32>
          %shift_right_logical3A_240 = arith.constant 7 : i32
          %shift_right_logical3A_241 = vector.broadcast %shift_right_logical3A_240 : i32 to vector<16xi32>
          %shift_right_logical3A_242 = arith.shrui %shift_right_logical3A_239, %shift_right_logical3A_241 : vector<16xi32>
          %and3A_243 = arith.constant 127 : i32
          %and3A_244 = vector.broadcast %and3A_243 : i32 to vector<16xi32>
          %and3A_245 = arith.andi %shift_right_logical3A_239, %and3A_244 : vector<16xi32>
          %gather3A_246 = tpu.vector_load_idx %arg6[%shift_right_logical3A_233, %and3A_236] : memref<48x512xf32, #tpu.memory_space<vmem>>[vector<16xi32>, vector<16xi32>], vector<16xf32>,
          tpu.vector_store_idx %arg10[%shift_right_logical3A_242, %and3A_245], %gather3A_246 : memref<177x128xf32, #tpu.memory_space<vmem>>[vector<16xi32>, vector<16xi32>], vector<16xf32>,
          %mul3A_247 = arith.constant 128 : i32
          %mul3A_248 = arith.muli %scan3A_124, %mul3A_247 : i32
          %add3A_249 = arith.constant 80 : i32
          %add3A_250 = arith.addi %mul3A_248, %add3A_249 : i32
          %get3A_251 = arith.index_cast %add3A_250 : i32 to index
          %get3A_252 = tpu.vector_load %arg8[%get3A_251] {strides = array<i32>} : memref<3200xi32, #tpu.memory_space<vmem>>, vector<16xi32>,
          %and3A_253 = arith.constant 32767 : i32
          %and3A_254 = vector.broadcast %and3A_253 : i32 to vector<16xi32>
          %and3A_255 = arith.andi %get3A_252, %and3A_254 : vector<16xi32>
          %shift_right_logical3A_256 = arith.constant 9 : i32
          %shift_right_logical3A_257 = vector.broadcast %shift_right_logical3A_256 : i32 to vector<16xi32>
          %shift_right_logical3A_258 = arith.shrui %and3A_255, %shift_right_logical3A_257 : vector<16xi32>
          %and3A_259 = arith.constant 511 : i32
          %and3A_260 = vector.broadcast %and3A_259 : i32 to vector<16xi32>
          %and3A_261 = arith.andi %and3A_255, %and3A_260 : vector<16xi32>
          %shift_right_logical3A_262 = arith.constant 15 : i32
          %shift_right_logical3A_263 = vector.broadcast %shift_right_logical3A_262 : i32 to vector<16xi32>
          %shift_right_logical3A_264 = arith.shrui %get3A_252, %shift_right_logical3A_263 : vector<16xi32>
          %shift_right_logical3A_265 = arith.constant 7 : i32
          %shift_right_logical3A_266 = vector.broadcast %shift_right_logical3A_265 : i32 to vector<16xi32>
          %shift_right_logical3A_267 = arith.shrui %shift_right_logical3A_264, %shift_right_logical3A_266 : vector<16xi32>
          %and3A_268 = arith.constant 127 : i32
          %and3A_269 = vector.broadcast %and3A_268 : i32 to vector<16xi32>
          %and3A_270 = arith.andi %shift_right_logical3A_264, %and3A_269 : vector<16xi32>
          %gather3A_271 = tpu.vector_load_idx %arg6[%shift_right_logical3A_258, %and3A_261] : memref<48x512xf32, #tpu.memory_space<vmem>>[vector<16xi32>, vector<16xi32>], vector<16xf32>,
          tpu.vector_store_idx %arg10[%shift_right_logical3A_267, %and3A_270], %gather3A_271 : memref<177x128xf32, #tpu.memory_space<vmem>>[vector<16xi32>, vector<16xi32>], vector<16xf32>,
          %mul3A_272 = arith.constant 128 : i32
          %mul3A_273 = arith.muli %scan3A_124, %mul3A_272 : i32
          %add3A_274 = arith.constant 96 : i32
          %add3A_275 = arith.addi %mul3A_273, %add3A_274 : i32
          %get3A_276 = arith.index_cast %add3A_275 : i32 to index
          %get3A_277 = tpu.vector_load %arg8[%get3A_276] {strides = array<i32>} : memref<3200xi32, #tpu.memory_space<vmem>>, vector<16xi32>,
          %and3A_278 = arith.constant 32767 : i32
          %and3A_279 = vector.broadcast %and3A_278 : i32 to vector<16xi32>
          %and3A_280 = arith.andi %get3A_277, %and3A_279 : vector<16xi32>
          %shift_right_logical3A_281 = arith.constant 9 : i32
          %shift_right_logical3A_282 = vector.broadcast %shift_right_logical3A_281 : i32 to vector<16xi32>
          %shift_right_logical3A_283 = arith.shrui %and3A_280, %shift_right_logical3A_282 : vector<16xi32>
          %and3A_284 = arith.constant 511 : i32
          %and3A_285 = vector.broadcast %and3A_284 : i32 to vector<16xi32>
          %and3A_286 = arith.andi %and3A_280, %and3A_285 : vector<16xi32>
          %shift_right_logical3A_287 = arith.constant 15 : i32
          %shift_right_logical3A_288 = vector.broadcast %shift_right_logical3A_287 : i32 to vector<16xi32>
          %shift_right_logical3A_289 = arith.shrui %get3A_277, %shift_right_logical3A_288 : vector<16xi32>
          %shift_right_logical3A_290 = arith.constant 7 : i32
          %shift_right_logical3A_291 = vector.broadcast %shift_right_logical3A_290 : i32 to vector<16xi32>
          %shift_right_logical3A_292 = arith.shrui %shift_right_logical3A_289, %shift_right_logical3A_291 : vector<16xi32>
          %and3A_293 = arith.constant 127 : i32
          %and3A_294 = vector.broadcast %and3A_293 : i32 to vector<16xi32>
          %and3A_295 = arith.andi %shift_right_logical3A_289, %and3A_294 : vector<16xi32>
          %gather3A_296 = tpu.vector_load_idx %arg6[%shift_right_logical3A_283, %and3A_286] : memref<48x512xf32, #tpu.memory_space<vmem>>[vector<16xi32>, vector<16xi32>], vector<16xf32>,
          tpu.vector_store_idx %arg10[%shift_right_logical3A_292, %and3A_295], %gather3A_296 : memref<177x128xf32, #tpu.memory_space<vmem>>[vector<16xi32>, vector<16xi32>], vector<16xf32>,
          %mul3A_297 = arith.constant 128 : i32
          %mul3A_298 = arith.muli %scan3A_124, %mul3A_297 : i32
          %add3A_299 = arith.constant 112 : i32
          %add3A_300 = arith.addi %mul3A_298, %add3A_299 : i32
          %get3A_301 = arith.index_cast %add3A_300 : i32 to index
          %get3A_302 = tpu.vector_load %arg8[%get3A_301] {strides = array<i32>} : memref<3200xi32, #tpu.memory_space<vmem>>, vector<16xi32>,
          %and3A_303 = arith.constant 32767 : i32
          %and3A_304 = vector.broadcast %and3A_303 : i32 to vector<16xi32>
          %and3A_305 = arith.andi %get3A_302, %and3A_304 : vector<16xi32>
          %shift_right_logical3A_306 = arith.constant 9 : i32
          %shift_right_logical3A_307 = vector.broadcast %shift_right_logical3A_306 : i32 to vector<16xi32>
          %shift_right_logical3A_308 = arith.shrui %and3A_305, %shift_right_logical3A_307 : vector<16xi32>
          %and3A_309 = arith.constant 511 : i32
          %and3A_310 = vector.broadcast %and3A_309 : i32 to vector<16xi32>
          %and3A_311 = arith.andi %and3A_305, %and3A_310 : vector<16xi32>
          %shift_right_logical3A_312 = arith.constant 15 : i32
          %shift_right_logical3A_313 = vector.broadcast %shift_right_logical3A_312 : i32 to vector<16xi32>
          %shift_right_logical3A_314 = arith.shrui %get3A_302, %shift_right_logical3A_313 : vector<16xi32>
          %shift_right_logical3A_315 = arith.constant 7 : i32
          %shift_right_logical3A_316 = vector.broadcast %shift_right_logical3A_315 : i32 to vector<16xi32>
          %shift_right_logical3A_317 = arith.shrui %shift_right_logical3A_314, %shift_right_logical3A_316 : vector<16xi32>
          %and3A_318 = arith.constant 127 : i32
          %and3A_319 = vector.broadcast %and3A_318 : i32 to vector<16xi32>
          %and3A_320 = arith.andi %shift_right_logical3A_314, %and3A_319 : vector<16xi32>
          %gather3A_321 = tpu.vector_load_idx %arg6[%shift_right_logical3A_308, %and3A_311] : memref<48x512xf32, #tpu.memory_space<vmem>>[vector<16xi32>, vector<16xi32>], vector<16xf32>,
          tpu.vector_store_idx %arg10[%shift_right_logical3A_317, %and3A_320], %gather3A_321 : memref<177x128xf32, #tpu.memory_space<vmem>>[vector<16xi32>, vector<16xi32>], vector<16xf32>,
        }
        %scan3A_87 = arith.constant 25 : i32
        %lt3A_88 = arith.constant 3 : i32
        %lt3A_89 = arith.cmpi slt, %scan3A_62, %lt3A_88 : i32
        %convert_element_type3A_90 = arith.extui %lt3A_89 : i1 to i32
        %cond3A_91 = arith.constant 0 : i32
        %cond3A_92 = arith.cmpi ne, %convert_element_type3A_90, %cond3A_91 : i32
        scf.if %cond3A_92 {
          %add3A_124 = arith.constant 2 : i32
          %add3A_125 = arith.addi %add3A_66, %add3A_124 : i32
          %mul3A_126 = arith.constant 48 : i32
          %mul3A_127 = arith.muli %add3A_125, %mul3A_126 : i32
          %multiple_of3A_128 = tpu.assume_multiple %mul3A_127, 8 : i32
          %dma_start3A_129 = arith.constant 0 : i32
          %dma_start3A_130 = tpu.memref_slice %arg3[%sub3A_29, %multiple_of3A_128, %dma_start3A_129] : memref<4x384x512xf32, #tpu.memory_space<hbm>> -> memref<1x48x512xf32, #tpu.memory_space<hbm>>
          %dma_start3A_131 = tpu.memref_squeeze %dma_start3A_130 : memref<1x48x512xf32, #tpu.memory_space<hbm>> -> memref<48x512xf32, #tpu.memory_space<hbm>>
          %dma_start3A_132 = arith.constant 0 : i32
          %dma_start3A_133 = tpu.memref_slice %arg3[%sub3A_29, %multiple_of3A_128, %dma_start3A_132] : memref<4x384x512xf32, #tpu.memory_space<hbm>> -> memref<1x48x512xf32, #tpu.memory_space<hbm>>
          %dma_start3A_134 = tpu.memref_squeeze %dma_start3A_133 : memref<1x48x512xf32, #tpu.memory_space<hbm>> -> memref<48x512xf32, #tpu.memory_space<hbm>>
          tpu.enqueue_dma source(%dma_start3A_134 : memref<48x512xf32, #tpu.memory_space<hbm>>) target(%arg6 : memref<48x512xf32, #tpu.memory_space<vmem>>) target_semaphore(%arg11 : memref<!tpu.dma_semaphore, #tpu.memory_space<semaphore_mem>>)
          %mul3A_135 = arith.constant 3200 : i32
          %mul3A_136 = arith.muli %add3A_125, %mul3A_135 : i32
          %multiple_of3A_137 = tpu.assume_multiple %mul3A_136, 8 : i32
          %dma_start3A_138 = tpu.memref_slice %arg4[%sub3A_19, %multiple_of3A_137] : memref<4x25600xi32, #tpu.memory_space<hbm>> -> memref<1x3200xi32, #tpu.memory_space<hbm>>
          %dma_start3A_139 = tpu.memref_squeeze %dma_start3A_138 : memref<1x3200xi32, #tpu.memory_space<hbm>> -> memref<3200xi32, #tpu.memory_space<hbm>>
          %dma_start3A_140 = tpu.memref_slice %arg4[%sub3A_19, %multiple_of3A_137] : memref<4x25600xi32, #tpu.memory_space<hbm>> -> memref<1x3200xi32, #tpu.memory_space<hbm>>
          %dma_start3A_141 = tpu.memref_squeeze %dma_start3A_140 : memref<1x3200xi32, #tpu.memory_space<hbm>> -> memref<3200xi32, #tpu.memory_space<hbm>>
          tpu.enqueue_dma source(%dma_start3A_141 : memref<3200xi32, #tpu.memory_space<hbm>>) target(%arg8 : memref<3200xi32, #tpu.memory_space<vmem>>) target_semaphore(%arg11 : memref<!tpu.dma_semaphore, #tpu.memory_space<semaphore_mem>>)
        } else {
        }
        %mul3A_93 = arith.constant 2 : i32
        %mul3A_94 = arith.muli %scan3A_62, %mul3A_93 : i32
        %add3A_95 = arith.constant 1 : i32
        %add3A_96 = arith.addi %mul3A_94, %add3A_95 : i32
        %dma_wait3A_97 = arith.constant 0 : i32
        %dma_wait3A_98 = arith.constant 0 : i32
        %dma_wait3A_99 = arith.constant 0 : i32
        %dma_wait3A_100 = tpu.memref_slice %arg3[%dma_wait3A_97, %dma_wait3A_98, %dma_wait3A_99] : memref<4x384x512xf32, #tpu.memory_space<hbm>> -> memref<1x48x512xf32, #tpu.memory_space<hbm>>
        %dma_wait3A_101 = tpu.memref_squeeze %dma_wait3A_100 : memref<1x48x512xf32, #tpu.memory_space<hbm>> -> memref<48x512xf32, #tpu.memory_space<hbm>>
        %dma_wait3A_102 = arith.constant 0 : i32
        %dma_wait3A_103 = arith.constant 0 : i32
        %dma_wait3A_104 = tpu.memref_slice %arg3[%dma_wait3A_97, %dma_wait3A_102, %dma_wait3A_103] : memref<4x384x512xf32, #tpu.memory_space<hbm>> -> memref<1x48x512xf32, #tpu.memory_space<hbm>>
        %dma_wait3A_105 = tpu.memref_squeeze %dma_wait3A_104 : memref<1x48x512xf32, #tpu.memory_space<hbm>> -> memref<48x512xf32, #tpu.memory_space<hbm>>
        tpu.wait_dma2 semaphore(%arg12 : memref<!tpu.dma_semaphore, #tpu.memory_space<semaphore_mem>>) src(%dma_wait3A_105 : memref<48x512xf32, #tpu.memory_space<hbm>>) dst(%arg7 : memref<48x512xf32, #tpu.memory_space<vmem>>)
        %dma_wait3A_106 = arith.constant 0 : i32
        %dma_wait3A_107 = arith.constant 0 : i32
        %dma_wait3A_108 = tpu.memref_slice %arg4[%dma_wait3A_106, %dma_wait3A_107] : memref<4x25600xi32, #tpu.memory_space<hbm>> -> memref<1x3200xi32, #tpu.memory_space<hbm>>
        %dma_wait3A_109 = tpu.memref_squeeze %dma_wait3A_108 : memref<1x3200xi32, #tpu.memory_space<hbm>> -> memref<3200xi32, #tpu.memory_space<hbm>>
        %dma_wait3A_110 = arith.constant 0 : i32
        %dma_wait3A_111 = tpu.memref_slice %arg4[%dma_wait3A_106, %dma_wait3A_110] : memref<4x25600xi32, #tpu.memory_space<hbm>> -> memref<1x3200xi32, #tpu.memory_space<hbm>>
        %dma_wait3A_112 = tpu.memref_squeeze %dma_wait3A_111 : memref<1x3200xi32, #tpu.memory_space<hbm>> -> memref<3200xi32, #tpu.memory_space<hbm>>
        tpu.wait_dma2 semaphore(%arg12 : memref<!tpu.dma_semaphore, #tpu.memory_space<semaphore_mem>>) src(%dma_wait3A_112 : memref<3200xi32, #tpu.memory_space<hbm>>) dst(%arg9 : memref<3200xi32, #tpu.memory_space<vmem>>)
        %scan3A_113 = arith.constant 0 : i32
        %scan3A_114 = arith.constant 0 : i32
        %scan3A_115 = arith.constant 25 : i32
        %scan3A_116 = arith.addi %scan3A_114, %scan3A_115 : i32
        %scan3A_117 = arith.constant 1 : i32
        scf.for %scan3A_124 = %scan3A_114 to %scan3A_116 step %scan3A_117  : i32 {
          %mul3A_125 = arith.constant 128 : i32
          %mul3A_126 = arith.muli %scan3A_124, %mul3A_125 : i32
          %add3A_127 = arith.constant 0 : i32
          %add3A_128 = arith.addi %mul3A_126, %add3A_127 : i32
          %get3A = arith.index_cast %add3A_128 : i32 to index
          %get3A_129 = tpu.vector_load %arg9[%get3A] {strides = array<i32>} : memref<3200xi32, #tpu.memory_space<vmem>>, vector<16xi32>,
          %and3A_130 = arith.constant 32767 : i32
          %and3A_131 = vector.broadcast %and3A_130 : i32 to vector<16xi32>
          %and3A_132 = arith.andi %get3A_129, %and3A_131 : vector<16xi32>
          %shift_right_logical3A = arith.constant 9 : i32
          %shift_right_logical3A_133 = vector.broadcast %shift_right_logical3A : i32 to vector<16xi32>
          %shift_right_logical3A_134 = arith.shrui %and3A_132, %shift_right_logical3A_133 : vector<16xi32>
          %and3A_135 = arith.constant 511 : i32
          %and3A_136 = vector.broadcast %and3A_135 : i32 to vector<16xi32>
          %and3A_137 = arith.andi %and3A_132, %and3A_136 : vector<16xi32>
          %shift_right_logical3A_138 = arith.constant 15 : i32
          %shift_right_logical3A_139 = vector.broadcast %shift_right_logical3A_138 : i32 to vector<16xi32>
          %shift_right_logical3A_140 = arith.shrui %get3A_129, %shift_right_logical3A_139 : vector<16xi32>
          %shift_right_logical3A_141 = arith.constant 7 : i32
          %shift_right_logical3A_142 = vector.broadcast %shift_right_logical3A_141 : i32 to vector<16xi32>
          %shift_right_logical3A_143 = arith.shrui %shift_right_logical3A_140, %shift_right_logical3A_142 : vector<16xi32>
          %and3A_144 = arith.constant 127 : i32
          %and3A_145 = vector.broadcast %and3A_144 : i32 to vector<16xi32>
          %and3A_146 = arith.andi %shift_right_logical3A_140, %and3A_145 : vector<16xi32>
          %gather3A = tpu.vector_load_idx %arg7[%shift_right_logical3A_134, %and3A_137] : memref<48x512xf32, #tpu.memory_space<vmem>>[vector<16xi32>, vector<16xi32>], vector<16xf32>,
          tpu.vector_store_idx %arg10[%shift_right_logical3A_143, %and3A_146], %gather3A : memref<177x128xf32, #tpu.memory_space<vmem>>[vector<16xi32>, vector<16xi32>], vector<16xf32>,
          %mul3A_147 = arith.constant 128 : i32
          %mul3A_148 = arith.muli %scan3A_124, %mul3A_147 : i32
          %add3A_149 = arith.constant 16 : i32
          %add3A_150 = arith.addi %mul3A_148, %add3A_149 : i32
          %get3A_151 = arith.index_cast %add3A_150 : i32 to index
          %get3A_152 = tpu.vector_load %arg9[%get3A_151] {strides = array<i32>} : memref<3200xi32, #tpu.memory_space<vmem>>, vector<16xi32>,
          %and3A_153 = arith.constant 32767 : i32
          %and3A_154 = vector.broadcast %and3A_153 : i32 to vector<16xi32>
          %and3A_155 = arith.andi %get3A_152, %and3A_154 : vector<16xi32>
          %shift_right_logical3A_156 = arith.constant 9 : i32
          %shift_right_logical3A_157 = vector.broadcast %shift_right_logical3A_156 : i32 to vector<16xi32>
          %shift_right_logical3A_158 = arith.shrui %and3A_155, %shift_right_logical3A_157 : vector<16xi32>
          %and3A_159 = arith.constant 511 : i32
          %and3A_160 = vector.broadcast %and3A_159 : i32 to vector<16xi32>
          %and3A_161 = arith.andi %and3A_155, %and3A_160 : vector<16xi32>
          %shift_right_logical3A_162 = arith.constant 15 : i32
          %shift_right_logical3A_163 = vector.broadcast %shift_right_logical3A_162 : i32 to vector<16xi32>
          %shift_right_logical3A_164 = arith.shrui %get3A_152, %shift_right_logical3A_163 : vector<16xi32>
          %shift_right_logical3A_165 = arith.constant 7 : i32
          %shift_right_logical3A_166 = vector.broadcast %shift_right_logical3A_165 : i32 to vector<16xi32>
          %shift_right_logical3A_167 = arith.shrui %shift_right_logical3A_164, %shift_right_logical3A_166 : vector<16xi32>
          %and3A_168 = arith.constant 127 : i32
          %and3A_169 = vector.broadcast %and3A_168 : i32 to vector<16xi32>
          %and3A_170 = arith.andi %shift_right_logical3A_164, %and3A_169 : vector<16xi32>
          %gather3A_171 = tpu.vector_load_idx %arg7[%shift_right_logical3A_158, %and3A_161] : memref<48x512xf32, #tpu.memory_space<vmem>>[vector<16xi32>, vector<16xi32>], vector<16xf32>,
          tpu.vector_store_idx %arg10[%shift_right_logical3A_167, %and3A_170], %gather3A_171 : memref<177x128xf32, #tpu.memory_space<vmem>>[vector<16xi32>, vector<16xi32>], vector<16xf32>,
          %mul3A_172 = arith.constant 128 : i32
          %mul3A_173 = arith.muli %scan3A_124, %mul3A_172 : i32
          %add3A_174 = arith.constant 32 : i32
          %add3A_175 = arith.addi %mul3A_173, %add3A_174 : i32
          %get3A_176 = arith.index_cast %add3A_175 : i32 to index
          %get3A_177 = tpu.vector_load %arg9[%get3A_176] {strides = array<i32>} : memref<3200xi32, #tpu.memory_space<vmem>>, vector<16xi32>,
          %and3A_178 = arith.constant 32767 : i32
          %and3A_179 = vector.broadcast %and3A_178 : i32 to vector<16xi32>
          %and3A_180 = arith.andi %get3A_177, %and3A_179 : vector<16xi32>
          %shift_right_logical3A_181 = arith.constant 9 : i32
          %shift_right_logical3A_182 = vector.broadcast %shift_right_logical3A_181 : i32 to vector<16xi32>
          %shift_right_logical3A_183 = arith.shrui %and3A_180, %shift_right_logical3A_182 : vector<16xi32>
          %and3A_184 = arith.constant 511 : i32
          %and3A_185 = vector.broadcast %and3A_184 : i32 to vector<16xi32>
          %and3A_186 = arith.andi %and3A_180, %and3A_185 : vector<16xi32>
          %shift_right_logical3A_187 = arith.constant 15 : i32
          %shift_right_logical3A_188 = vector.broadcast %shift_right_logical3A_187 : i32 to vector<16xi32>
          %shift_right_logical3A_189 = arith.shrui %get3A_177, %shift_right_logical3A_188 : vector<16xi32>
          %shift_right_logical3A_190 = arith.constant 7 : i32
          %shift_right_logical3A_191 = vector.broadcast %shift_right_logical3A_190 : i32 to vector<16xi32>
          %shift_right_logical3A_192 = arith.shrui %shift_right_logical3A_189, %shift_right_logical3A_191 : vector<16xi32>
          %and3A_193 = arith.constant 127 : i32
          %and3A_194 = vector.broadcast %and3A_193 : i32 to vector<16xi32>
          %and3A_195 = arith.andi %shift_right_logical3A_189, %and3A_194 : vector<16xi32>
          %gather3A_196 = tpu.vector_load_idx %arg7[%shift_right_logical3A_183, %and3A_186] : memref<48x512xf32, #tpu.memory_space<vmem>>[vector<16xi32>, vector<16xi32>], vector<16xf32>,
          tpu.vector_store_idx %arg10[%shift_right_logical3A_192, %and3A_195], %gather3A_196 : memref<177x128xf32, #tpu.memory_space<vmem>>[vector<16xi32>, vector<16xi32>], vector<16xf32>,
          %mul3A_197 = arith.constant 128 : i32
          %mul3A_198 = arith.muli %scan3A_124, %mul3A_197 : i32
          %add3A_199 = arith.constant 48 : i32
          %add3A_200 = arith.addi %mul3A_198, %add3A_199 : i32
          %get3A_201 = arith.index_cast %add3A_200 : i32 to index
          %get3A_202 = tpu.vector_load %arg9[%get3A_201] {strides = array<i32>} : memref<3200xi32, #tpu.memory_space<vmem>>, vector<16xi32>,
          %and3A_203 = arith.constant 32767 : i32
          %and3A_204 = vector.broadcast %and3A_203 : i32 to vector<16xi32>
          %and3A_205 = arith.andi %get3A_202, %and3A_204 : vector<16xi32>
          %shift_right_logical3A_206 = arith.constant 9 : i32
          %shift_right_logical3A_207 = vector.broadcast %shift_right_logical3A_206 : i32 to vector<16xi32>
          %shift_right_logical3A_208 = arith.shrui %and3A_205, %shift_right_logical3A_207 : vector<16xi32>
          %and3A_209 = arith.constant 511 : i32
          %and3A_210 = vector.broadcast %and3A_209 : i32 to vector<16xi32>
          %and3A_211 = arith.andi %and3A_205, %and3A_210 : vector<16xi32>
          %shift_right_logical3A_212 = arith.constant 15 : i32
          %shift_right_logical3A_213 = vector.broadcast %shift_right_logical3A_212 : i32 to vector<16xi32>
          %shift_right_logical3A_214 = arith.shrui %get3A_202, %shift_right_logical3A_213 : vector<16xi32>
          %shift_right_logical3A_215 = arith.constant 7 : i32
          %shift_right_logical3A_216 = vector.broadcast %shift_right_logical3A_215 : i32 to vector<16xi32>
          %shift_right_logical3A_217 = arith.shrui %shift_right_logical3A_214, %shift_right_logical3A_216 : vector<16xi32>
          %and3A_218 = arith.constant 127 : i32
          %and3A_219 = vector.broadcast %and3A_218 : i32 to vector<16xi32>
          %and3A_220 = arith.andi %shift_right_logical3A_214, %and3A_219 : vector<16xi32>
          %gather3A_221 = tpu.vector_load_idx %arg7[%shift_right_logical3A_208, %and3A_211] : memref<48x512xf32, #tpu.memory_space<vmem>>[vector<16xi32>, vector<16xi32>], vector<16xf32>,
          tpu.vector_store_idx %arg10[%shift_right_logical3A_217, %and3A_220], %gather3A_221 : memref<177x128xf32, #tpu.memory_space<vmem>>[vector<16xi32>, vector<16xi32>], vector<16xf32>,
          %mul3A_222 = arith.constant 128 : i32
          %mul3A_223 = arith.muli %scan3A_124, %mul3A_222 : i32
          %add3A_224 = arith.constant 64 : i32
          %add3A_225 = arith.addi %mul3A_223, %add3A_224 : i32
          %get3A_226 = arith.index_cast %add3A_225 : i32 to index
          %get3A_227 = tpu.vector_load %arg9[%get3A_226] {strides = array<i32>} : memref<3200xi32, #tpu.memory_space<vmem>>, vector<16xi32>,
          %and3A_228 = arith.constant 32767 : i32
          %and3A_229 = vector.broadcast %and3A_228 : i32 to vector<16xi32>
          %and3A_230 = arith.andi %get3A_227, %and3A_229 : vector<16xi32>
          %shift_right_logical3A_231 = arith.constant 9 : i32
          %shift_right_logical3A_232 = vector.broadcast %shift_right_logical3A_231 : i32 to vector<16xi32>
          %shift_right_logical3A_233 = arith.shrui %and3A_230, %shift_right_logical3A_232 : vector<16xi32>
          %and3A_234 = arith.constant 511 : i32
          %and3A_235 = vector.broadcast %and3A_234 : i32 to vector<16xi32>
          %and3A_236 = arith.andi %and3A_230, %and3A_235 : vector<16xi32>
          %shift_right_logical3A_237 = arith.constant 15 : i32
          %shift_right_logical3A_238 = vector.broadcast %shift_right_logical3A_237 : i32 to vector<16xi32>
          %shift_right_logical3A_239 = arith.shrui %get3A_227, %shift_right_logical3A_238 : vector<16xi32>
          %shift_right_logical3A_240 = arith.constant 7 : i32
          %shift_right_logical3A_241 = vector.broadcast %shift_right_logical3A_240 : i32 to vector<16xi32>
          %shift_right_logical3A_242 = arith.shrui %shift_right_logical3A_239, %shift_right_logical3A_241 : vector<16xi32>
          %and3A_243 = arith.constant 127 : i32
          %and3A_244 = vector.broadcast %and3A_243 : i32 to vector<16xi32>
          %and3A_245 = arith.andi %shift_right_logical3A_239, %and3A_244 : vector<16xi32>
          %gather3A_246 = tpu.vector_load_idx %arg7[%shift_right_logical3A_233, %and3A_236] : memref<48x512xf32, #tpu.memory_space<vmem>>[vector<16xi32>, vector<16xi32>], vector<16xf32>,
          tpu.vector_store_idx %arg10[%shift_right_logical3A_242, %and3A_245], %gather3A_246 : memref<177x128xf32, #tpu.memory_space<vmem>>[vector<16xi32>, vector<16xi32>], vector<16xf32>,
          %mul3A_247 = arith.constant 128 : i32
          %mul3A_248 = arith.muli %scan3A_124, %mul3A_247 : i32
          %add3A_249 = arith.constant 80 : i32
          %add3A_250 = arith.addi %mul3A_248, %add3A_249 : i32
          %get3A_251 = arith.index_cast %add3A_250 : i32 to index
          %get3A_252 = tpu.vector_load %arg9[%get3A_251] {strides = array<i32>} : memref<3200xi32, #tpu.memory_space<vmem>>, vector<16xi32>,
          %and3A_253 = arith.constant 32767 : i32
          %and3A_254 = vector.broadcast %and3A_253 : i32 to vector<16xi32>
          %and3A_255 = arith.andi %get3A_252, %and3A_254 : vector<16xi32>
          %shift_right_logical3A_256 = arith.constant 9 : i32
          %shift_right_logical3A_257 = vector.broadcast %shift_right_logical3A_256 : i32 to vector<16xi32>
          %shift_right_logical3A_258 = arith.shrui %and3A_255, %shift_right_logical3A_257 : vector<16xi32>
          %and3A_259 = arith.constant 511 : i32
          %and3A_260 = vector.broadcast %and3A_259 : i32 to vector<16xi32>
          %and3A_261 = arith.andi %and3A_255, %and3A_260 : vector<16xi32>
          %shift_right_logical3A_262 = arith.constant 15 : i32
          %shift_right_logical3A_263 = vector.broadcast %shift_right_logical3A_262 : i32 to vector<16xi32>
          %shift_right_logical3A_264 = arith.shrui %get3A_252, %shift_right_logical3A_263 : vector<16xi32>
          %shift_right_logical3A_265 = arith.constant 7 : i32
          %shift_right_logical3A_266 = vector.broadcast %shift_right_logical3A_265 : i32 to vector<16xi32>
          %shift_right_logical3A_267 = arith.shrui %shift_right_logical3A_264, %shift_right_logical3A_266 : vector<16xi32>
          %and3A_268 = arith.constant 127 : i32
          %and3A_269 = vector.broadcast %and3A_268 : i32 to vector<16xi32>
          %and3A_270 = arith.andi %shift_right_logical3A_264, %and3A_269 : vector<16xi32>
          %gather3A_271 = tpu.vector_load_idx %arg7[%shift_right_logical3A_258, %and3A_261] : memref<48x512xf32, #tpu.memory_space<vmem>>[vector<16xi32>, vector<16xi32>], vector<16xf32>,
          tpu.vector_store_idx %arg10[%shift_right_logical3A_267, %and3A_270], %gather3A_271 : memref<177x128xf32, #tpu.memory_space<vmem>>[vector<16xi32>, vector<16xi32>], vector<16xf32>,
          %mul3A_272 = arith.constant 128 : i32
          %mul3A_273 = arith.muli %scan3A_124, %mul3A_272 : i32
          %add3A_274 = arith.constant 96 : i32
          %add3A_275 = arith.addi %mul3A_273, %add3A_274 : i32
          %get3A_276 = arith.index_cast %add3A_275 : i32 to index
          %get3A_277 = tpu.vector_load %arg9[%get3A_276] {strides = array<i32>} : memref<3200xi32, #tpu.memory_space<vmem>>, vector<16xi32>,
          %and3A_278 = arith.constant 32767 : i32
          %and3A_279 = vector.broadcast %and3A_278 : i32 to vector<16xi32>
          %and3A_280 = arith.andi %get3A_277, %and3A_279 : vector<16xi32>
          %shift_right_logical3A_281 = arith.constant 9 : i32
          %shift_right_logical3A_282 = vector.broadcast %shift_right_logical3A_281 : i32 to vector<16xi32>
          %shift_right_logical3A_283 = arith.shrui %and3A_280, %shift_right_logical3A_282 : vector<16xi32>
          %and3A_284 = arith.constant 511 : i32
          %and3A_285 = vector.broadcast %and3A_284 : i32 to vector<16xi32>
          %and3A_286 = arith.andi %and3A_280, %and3A_285 : vector<16xi32>
          %shift_right_logical3A_287 = arith.constant 15 : i32
          %shift_right_logical3A_288 = vector.broadcast %shift_right_logical3A_287 : i32 to vector<16xi32>
          %shift_right_logical3A_289 = arith.shrui %get3A_277, %shift_right_logical3A_288 : vector<16xi32>
          %shift_right_logical3A_290 = arith.constant 7 : i32
          %shift_right_logical3A_291 = vector.broadcast %shift_right_logical3A_290 : i32 to vector<16xi32>
          %shift_right_logical3A_292 = arith.shrui %shift_right_logical3A_289, %shift_right_logical3A_291 : vector<16xi32>
          %and3A_293 = arith.constant 127 : i32
          %and3A_294 = vector.broadcast %and3A_293 : i32 to vector<16xi32>
          %and3A_295 = arith.andi %shift_right_logical3A_289, %and3A_294 : vector<16xi32>
          %gather3A_296 = tpu.vector_load_idx %arg7[%shift_right_logical3A_283, %and3A_286] : memref<48x512xf32, #tpu.memory_space<vmem>>[vector<16xi32>, vector<16xi32>], vector<16xf32>,
          tpu.vector_store_idx %arg10[%shift_right_logical3A_292, %and3A_295], %gather3A_296 : memref<177x128xf32, #tpu.memory_space<vmem>>[vector<16xi32>, vector<16xi32>], vector<16xf32>,
          %mul3A_297 = arith.constant 128 : i32
          %mul3A_298 = arith.muli %scan3A_124, %mul3A_297 : i32
          %add3A_299 = arith.constant 112 : i32
          %add3A_300 = arith.addi %mul3A_298, %add3A_299 : i32
          %get3A_301 = arith.index_cast %add3A_300 : i32 to index
          %get3A_302 = tpu.vector_load %arg9[%get3A_301] {strides = array<i32>} : memref<3200xi32, #tpu.memory_space<vmem>>, vector<16xi32>,
          %and3A_303 = arith.constant 32767 : i32
          %and3A_304 = vector.broadcast %and3A_303 : i32 to vector<16xi32>
          %and3A_305 = arith.andi %get3A_302, %and3A_304 : vector<16xi32>
          %shift_right_logical3A_306 = arith.constant 9 : i32
          %shift_right_logical3A_307 = vector.broadcast %shift_right_logical3A_306 : i32 to vector<16xi32>
          %shift_right_logical3A_308 = arith.shrui %and3A_305, %shift_right_logical3A_307 : vector<16xi32>
          %and3A_309 = arith.constant 511 : i32
          %and3A_310 = vector.broadcast %and3A_309 : i32 to vector<16xi32>
          %and3A_311 = arith.andi %and3A_305, %and3A_310 : vector<16xi32>
          %shift_right_logical3A_312 = arith.constant 15 : i32
          %shift_right_logical3A_313 = vector.broadcast %shift_right_logical3A_312 : i32 to vector<16xi32>
          %shift_right_logical3A_314 = arith.shrui %get3A_302, %shift_right_logical3A_313 : vector<16xi32>
          %shift_right_logical3A_315 = arith.constant 7 : i32
          %shift_right_logical3A_316 = vector.broadcast %shift_right_logical3A_315 : i32 to vector<16xi32>
          %shift_right_logical3A_317 = arith.shrui %shift_right_logical3A_314, %shift_right_logical3A_316 : vector<16xi32>
          %and3A_318 = arith.constant 127 : i32
          %and3A_319 = vector.broadcast %and3A_318 : i32 to vector<16xi32>
          %and3A_320 = arith.andi %shift_right_logical3A_314, %and3A_319 : vector<16xi32>
          %gather3A_321 = tpu.vector_load_idx %arg7[%shift_right_logical3A_308, %and3A_311] : memref<48x512xf32, #tpu.memory_space<vmem>>[vector<16xi32>, vector<16xi32>], vector<16xf32>,
          tpu.vector_store_idx %arg10[%shift_right_logical3A_317, %and3A_320], %gather3A_321 : memref<177x128xf32, #tpu.memory_space<vmem>>[vector<16xi32>, vector<16xi32>], vector<16xf32>,
        }
        %scan3A_118 = arith.constant 25 : i32
        %lt3A_119 = arith.constant 3 : i32
        %lt3A_120 = arith.cmpi slt, %scan3A_62, %lt3A_119 : i32
        %convert_element_type3A_121 = arith.extui %lt3A_120 : i1 to i32
        %cond3A_122 = arith.constant 0 : i32
        %cond3A_123 = arith.cmpi ne, %convert_element_type3A_121, %cond3A_122 : i32
        scf.if %cond3A_123 {
          %add3A_124 = arith.constant 2 : i32
          %add3A_125 = arith.addi %add3A_96, %add3A_124 : i32
          %mul3A_126 = arith.constant 48 : i32
          %mul3A_127 = arith.muli %add3A_125, %mul3A_126 : i32
          %multiple_of3A_128 = tpu.assume_multiple %mul3A_127, 8 : i32
          %dma_start3A_129 = arith.constant 0 : i32
          %dma_start3A_130 = tpu.memref_slice %arg3[%sub3A_29, %multiple_of3A_128, %dma_start3A_129] : memref<4x384x512xf32, #tpu.memory_space<hbm>> -> memref<1x48x512xf32, #tpu.memory_space<hbm>>
          %dma_start3A_131 = tpu.memref_squeeze %dma_start3A_130 : memref<1x48x512xf32, #tpu.memory_space<hbm>> -> memref<48x512xf32, #tpu.memory_space<hbm>>
          %dma_start3A_132 = arith.constant 0 : i32
          %dma_start3A_133 = tpu.memref_slice %arg3[%sub3A_29, %multiple_of3A_128, %dma_start3A_132] : memref<4x384x512xf32, #tpu.memory_space<hbm>> -> memref<1x48x512xf32, #tpu.memory_space<hbm>>
          %dma_start3A_134 = tpu.memref_squeeze %dma_start3A_133 : memref<1x48x512xf32, #tpu.memory_space<hbm>> -> memref<48x512xf32, #tpu.memory_space<hbm>>
          tpu.enqueue_dma source(%dma_start3A_134 : memref<48x512xf32, #tpu.memory_space<hbm>>) target(%arg7 : memref<48x512xf32, #tpu.memory_space<vmem>>) target_semaphore(%arg12 : memref<!tpu.dma_semaphore, #tpu.memory_space<semaphore_mem>>)
          %mul3A_135 = arith.constant 3200 : i32
          %mul3A_136 = arith.muli %add3A_125, %mul3A_135 : i32
          %multiple_of3A_137 = tpu.assume_multiple %mul3A_136, 8 : i32
          %dma_start3A_138 = tpu.memref_slice %arg4[%sub3A_19, %multiple_of3A_137] : memref<4x25600xi32, #tpu.memory_space<hbm>> -> memref<1x3200xi32, #tpu.memory_space<hbm>>
          %dma_start3A_139 = tpu.memref_squeeze %dma_start3A_138 : memref<1x3200xi32, #tpu.memory_space<hbm>> -> memref<3200xi32, #tpu.memory_space<hbm>>
          %dma_start3A_140 = tpu.memref_slice %arg4[%sub3A_19, %multiple_of3A_137] : memref<4x25600xi32, #tpu.memory_space<hbm>> -> memref<1x3200xi32, #tpu.memory_space<hbm>>
          %dma_start3A_141 = tpu.memref_squeeze %dma_start3A_140 : memref<1x3200xi32, #tpu.memory_space<hbm>> -> memref<3200xi32, #tpu.memory_space<hbm>>
          tpu.enqueue_dma source(%dma_start3A_141 : memref<3200xi32, #tpu.memory_space<hbm>>) target(%arg9 : memref<3200xi32, #tpu.memory_space<vmem>>) target_semaphore(%arg12 : memref<!tpu.dma_semaphore, #tpu.memory_space<semaphore_mem>>)
        } else {
        }
      }
      %scan3A_61 = arith.constant 4 : i32
    } else {
    }
    %mul3A_26 = arith.constant 176 : i32
    %mul3A_27 = arith.muli %sub3A_19, %mul3A_26 : i32
    %multiple_of3A = tpu.assume_multiple %mul3A_27, 8 : i32
    "tpu.region"() ({
      %run_scoped3A = tpu.sem_alloc : memref<!tpu.dma_semaphore, #tpu.memory_space<semaphore_mem>>
      %dma_start3A = arith.constant 0 : i32
      %dma_start3A_28 = arith.constant 0 : i32
      %dma_start3A_29 = tpu.memref_slice %arg10[%dma_start3A, %dma_start3A_28] : memref<177x128xf32, #tpu.memory_space<vmem>> -> memref<176x128xf32, #tpu.memory_space<vmem>>
      %dma_start3A_30 = arith.constant 0 : i32
      %dma_start3A_31 = tpu.memref_slice %arg5[%select_n3A, %multiple_of3A, %dma_start3A_30] : memref<8x704x128xf32, #tpu.memory_space<hbm>> -> memref<1x176x128xf32, #tpu.memory_space<hbm>>
      %dma_start3A_32 = tpu.memref_squeeze %dma_start3A_31 : memref<1x176x128xf32, #tpu.memory_space<hbm>> -> memref<176x128xf32, #tpu.memory_space<hbm>>
      %dma_start3A_33 = arith.constant 0 : i32
      %dma_start3A_34 = tpu.memref_slice %arg5[%select_n3A, %multiple_of3A, %dma_start3A_33] : memref<8x704x128xf32, #tpu.memory_space<hbm>> -> memref<1x176x128xf32, #tpu.memory_space<hbm>>
      %dma_start3A_35 = tpu.memref_squeeze %dma_start3A_34 : memref<1x176x128xf32, #tpu.memory_space<hbm>> -> memref<176x128xf32, #tpu.memory_space<hbm>>
      %dma_start3A_36 = arith.constant 0 : i32
      %dma_start3A_37 = arith.constant 0 : i32
      %dma_start3A_38 = tpu.memref_slice %arg10[%dma_start3A_36, %dma_start3A_37] : memref<177x128xf32, #tpu.memory_space<vmem>> -> memref<176x128xf32, #tpu.memory_space<vmem>>
      tpu.enqueue_dma source(%dma_start3A_38 : memref<176x128xf32, #tpu.memory_space<vmem>>) target(%dma_start3A_35 : memref<176x128xf32, #tpu.memory_space<hbm>>) target_semaphore(%run_scoped3A : memref<!tpu.dma_semaphore, #tpu.memory_space<semaphore_mem>>)
      %dma_wait3A = arith.constant 0 : i32
      %dma_wait3A_39 = arith.constant 0 : i32
      %dma_wait3A_40 = tpu.memref_slice %arg10[%dma_wait3A, %dma_wait3A_39] : memref<177x128xf32, #tpu.memory_space<vmem>> -> memref<176x128xf32, #tpu.memory_space<vmem>>
      %dma_wait3A_41 = arith.constant 0 : i32
      %dma_wait3A_42 = tpu.memref_slice %arg5[%select_n3A, %multiple_of3A, %dma_wait3A_41] : memref<8x704x128xf32, #tpu.memory_space<hbm>> -> memref<1x176x128xf32, #tpu.memory_space<hbm>>
      %dma_wait3A_43 = tpu.memref_squeeze %dma_wait3A_42 : memref<1x176x128xf32, #tpu.memory_space<hbm>> -> memref<176x128xf32, #tpu.memory_space<hbm>>
      %dma_wait3A_44 = arith.constant 0 : i32
      %dma_wait3A_45 = tpu.memref_slice %arg5[%select_n3A, %multiple_of3A, %dma_wait3A_44] : memref<8x704x128xf32, #tpu.memory_space<hbm>> -> memref<1x176x128xf32, #tpu.memory_space<hbm>>
      %dma_wait3A_46 = tpu.memref_squeeze %dma_wait3A_45 : memref<1x176x128xf32, #tpu.memory_space<hbm>> -> memref<176x128xf32, #tpu.memory_space<hbm>>
      %dma_wait3A_47 = arith.constant 0 : i32
      %dma_wait3A_48 = arith.constant 0 : i32
      %dma_wait3A_49 = tpu.memref_slice %arg10[%dma_wait3A_47, %dma_wait3A_48] : memref<177x128xf32, #tpu.memory_space<vmem>> -> memref<176x128xf32, #tpu.memory_space<vmem>>
      tpu.wait_dma2 semaphore(%run_scoped3A : memref<!tpu.dma_semaphore, #tpu.memory_space<semaphore_mem>>) src(%dma_wait3A_49 : memref<176x128xf32, #tpu.memory_space<vmem>>) dst(%dma_wait3A_46 : memref<176x128xf32, #tpu.memory_space<hbm>>)
      tpu.yield
    }) : () -> ()
    return
  }
}

module attributes {stable_mosaic.version = 14 : i64} {
  func.func @_tc_body(%arg0: memref<8x704x128xf32, #tpu.memory_space<vmem>>, %arg1: memref<3x232x128xf32, #tpu.memory_space<vmem>>, %arg2: memref<3x232x128xf32, #tpu.memory_space<vmem>>, %arg3: memref<1x1xf32, #tpu.memory_space<vmem>>, %arg4: memref<4x232x128xi32, #tpu.memory_space<vmem>>) attributes {dimension_semantics = [], scalar_prefetch = 0 : i64, scratch_operands = 1 : i64, tpu.core_type = #tpu.core_type<tc>} {
    %iota3A = tpu.iota {dimensions = array<i32: 0>} : vector<232x128xi32>
    %iota3A_0 = tpu.iota {dimensions = array<i32: 1>} : vector<232x128xi32>
    %mul3A = arith.constant 128 : i32
    %mul3A_1 = vector.broadcast %mul3A : i32 to vector<232x128xi32>
    %mul3A_2 = arith.muli %iota3A, %mul3A_1 : vector<232x128xi32>
    %add3A = arith.addi %mul3A_2, %iota3A_0 : vector<232x128xi32>
    %lt3A = arith.constant 29491 : i32
    %lt3A_3 = vector.broadcast %lt3A : i32 to vector<232x128xi32>
    %lt3A_4 = arith.cmpi slt, %add3A, %lt3A_3 : vector<232x128xi32>
    %get3A = arith.constant 0 : index
    %get3A_5 = arith.constant 0 : index
    %get3A_6 = arith.constant 0 : index
    %get3A_7 = vector.load %arg1[%get3A, %get3A_5, %get3A_6] : memref<3x232x128xf32, #tpu.memory_space<vmem>>, vector<1x232x128xf32>
    %get3A_8 = vector.shape_cast %get3A_7 : vector<1x232x128xf32> to vector<232x128xf32>
    %get3A_9 = arith.constant 1 : index
    %get3A_10 = arith.constant 0 : index
    %get3A_11 = arith.constant 0 : index
    %get3A_12 = vector.load %arg1[%get3A_9, %get3A_10, %get3A_11] : memref<3x232x128xf32, #tpu.memory_space<vmem>>, vector<1x232x128xf32>
    %get3A_13 = vector.shape_cast %get3A_12 : vector<1x232x128xf32> to vector<232x128xf32>
    %get3A_14 = arith.constant 2 : index
    %get3A_15 = arith.constant 0 : index
    %get3A_16 = arith.constant 0 : index
    %get3A_17 = vector.load %arg1[%get3A_14, %get3A_15, %get3A_16] : memref<3x232x128xf32, #tpu.memory_space<vmem>>, vector<1x232x128xf32>
    %get3A_18 = vector.shape_cast %get3A_17 : vector<1x232x128xf32> to vector<232x128xf32>
    %get3A_19 = arith.constant 0 : index
    %get3A_20 = arith.constant 0 : index
    %get3A_21 = arith.constant 0 : index
    %get3A_22 = vector.load %arg2[%get3A_19, %get3A_20, %get3A_21] : memref<3x232x128xf32, #tpu.memory_space<vmem>>, vector<1x232x128xf32>
    %get3A_23 = vector.shape_cast %get3A_22 : vector<1x232x128xf32> to vector<232x128xf32>
    %get3A_24 = arith.constant 1 : index
    %get3A_25 = arith.constant 0 : index
    %get3A_26 = arith.constant 0 : index
    %get3A_27 = vector.load %arg2[%get3A_24, %get3A_25, %get3A_26] : memref<3x232x128xf32, #tpu.memory_space<vmem>>, vector<1x232x128xf32>
    %get3A_28 = vector.shape_cast %get3A_27 : vector<1x232x128xf32> to vector<232x128xf32>
    %get3A_29 = arith.constant 2 : index
    %get3A_30 = arith.constant 0 : index
    %get3A_31 = arith.constant 0 : index
    %get3A_32 = vector.load %arg2[%get3A_29, %get3A_30, %get3A_31] : memref<3x232x128xf32, #tpu.memory_space<vmem>>, vector<1x232x128xf32>
    %get3A_33 = vector.shape_cast %get3A_32 : vector<1x232x128xf32> to vector<232x128xf32>
    %get3A_34 = arith.constant 0 : index
    %get3A_35 = arith.constant 0 : index
    %get3A_36 = arith.constant 0 : index
    %get3A_37 = vector.load %arg0[%get3A_34, %get3A_35, %get3A_36] : memref<8x704x128xf32, #tpu.memory_space<vmem>>, vector<1x232x128xf32>
    %get3A_38 = vector.shape_cast %get3A_37 : vector<1x232x128xf32> to vector<232x128xf32>
    %abs3A = math.absf %get3A_38 : vector<232x128xf32>
    %mul3A_39 = arith.mulf %get3A_8, %abs3A : vector<232x128xf32>
    %mul3A_40 = arith.mulf %get3A_23, %abs3A : vector<232x128xf32>
    %get3A_41 = arith.constant 0 : index
    %get3A_42 = arith.constant 232 : index
    %get3A_43 = arith.constant 0 : index
    %get3A_44 = vector.load %arg0[%get3A_41, %get3A_42, %get3A_43] : memref<8x704x128xf32, #tpu.memory_space<vmem>>, vector<1x232x128xf32>
    %get3A_45 = vector.shape_cast %get3A_44 : vector<1x232x128xf32> to vector<232x128xf32>
    %abs3A_46 = math.absf %get3A_45 : vector<232x128xf32>
    %mul3A_47 = arith.mulf %get3A_13, %abs3A_46 : vector<232x128xf32>
    %mul3A_48 = arith.mulf %get3A_28, %abs3A_46 : vector<232x128xf32>
    %get3A_49 = arith.constant 0 : index
    %get3A_50 = arith.constant 464 : index
    %get3A_51 = arith.constant 0 : index
    %get3A_52 = vector.load %arg0[%get3A_49, %get3A_50, %get3A_51] : memref<8x704x128xf32, #tpu.memory_space<vmem>>, vector<1x232x128xf32>
    %get3A_53 = vector.shape_cast %get3A_52 : vector<1x232x128xf32> to vector<232x128xf32>
    %abs3A_54 = math.absf %get3A_53 : vector<232x128xf32>
    %mul3A_55 = arith.mulf %get3A_18, %abs3A_54 : vector<232x128xf32>
    %mul3A_56 = arith.mulf %get3A_33, %abs3A_54 : vector<232x128xf32>
    %sub3A = arith.subf %mul3A_47, %mul3A_39 : vector<232x128xf32>
    %sub3A_57 = arith.subf %mul3A_55, %mul3A_39 : vector<232x128xf32>
    %sub3A_58 = arith.subf %mul3A_55, %mul3A_47 : vector<232x128xf32>
    %sub3A_59 = arith.subf %mul3A_48, %mul3A_40 : vector<232x128xf32>
    %sub3A_60 = arith.subf %mul3A_56, %mul3A_40 : vector<232x128xf32>
    %sub3A_61 = arith.subf %mul3A_56, %mul3A_48 : vector<232x128xf32>
    %sub3A_62 = arith.subf %get3A_45, %get3A_38 : vector<232x128xf32>
    %sub3A_63 = arith.subf %get3A_53, %get3A_38 : vector<232x128xf32>
    %sub3A_64 = arith.subf %get3A_53, %get3A_45 : vector<232x128xf32>
    %mul3A_65 = arith.mulf %sub3A, %sub3A : vector<232x128xf32>
    %mul3A_66 = arith.mulf %sub3A_59, %sub3A_59 : vector<232x128xf32>
    %add3A_67 = arith.addf %mul3A_65, %mul3A_66 : vector<232x128xf32>
    %mul3A_68 = arith.mulf %sub3A_62, %sub3A_62 : vector<232x128xf32>
    %add3A_69 = arith.addf %add3A_67, %mul3A_68 : vector<232x128xf32>
    %sqrt3A = math.sqrt %add3A_69 : vector<232x128xf32>
    %mul3A_70 = arith.mulf %sub3A_57, %sub3A_57 : vector<232x128xf32>
    %mul3A_71 = arith.mulf %sub3A_60, %sub3A_60 : vector<232x128xf32>
    %add3A_72 = arith.addf %mul3A_70, %mul3A_71 : vector<232x128xf32>
    %mul3A_73 = arith.mulf %sub3A_63, %sub3A_63 : vector<232x128xf32>
    %add3A_74 = arith.addf %add3A_72, %mul3A_73 : vector<232x128xf32>
    %sqrt3A_75 = math.sqrt %add3A_74 : vector<232x128xf32>
    %mul3A_76 = arith.mulf %sub3A_58, %sub3A_58 : vector<232x128xf32>
    %mul3A_77 = arith.mulf %sub3A_61, %sub3A_61 : vector<232x128xf32>
    %add3A_78 = arith.addf %mul3A_76, %mul3A_77 : vector<232x128xf32>
    %mul3A_79 = arith.mulf %sub3A_64, %sub3A_64 : vector<232x128xf32>
    %add3A_80 = arith.addf %add3A_78, %mul3A_79 : vector<232x128xf32>
    %sqrt3A_81 = math.sqrt %add3A_80 : vector<232x128xf32>
    %broadcast_in_dim3A = arith.constant 0 : i32
    %broadcast_in_dim3A_82 = vector.broadcast %broadcast_in_dim3A : i32 to vector<232x128xi32>
    %mul3A_83 = arith.mulf %sub3A, %sub3A : vector<232x128xf32>
    %mul3A_84 = arith.mulf %sub3A_59, %sub3A_59 : vector<232x128xf32>
    %add3A_85 = arith.addf %mul3A_83, %mul3A_84 : vector<232x128xf32>
    %mul3A_86 = arith.mulf %sub3A_62, %sub3A_62 : vector<232x128xf32>
    %add3A_87 = arith.addf %add3A_85, %mul3A_86 : vector<232x128xf32>
    %abs3A_88 = math.absf %add3A_87 : vector<232x128xf32>
    %mul3A_89 = arith.mulf %sqrt3A, %sqrt3A : vector<232x128xf32>
    %add3A_90 = arith.constant 9.99999993E-9 : f32
    %add3A_91 = vector.broadcast %add3A_90 : f32 to vector<232x128xf32>
    %add3A_92 = arith.addf %mul3A_89, %add3A_91 : vector<232x128xf32>
    %mul3A_93 = arith.constant 0.866999983 : f32
    %mul3A_94 = vector.broadcast %mul3A_93 : f32 to vector<232x128xf32>
    %mul3A_95 = arith.mulf %mul3A_94, %add3A_92 : vector<232x128xf32>
    %gt3A = arith.cmpf ogt, %abs3A_88, %mul3A_95 : vector<232x128xf32>
    %convert_element_type3A = arith.extui %gt3A : vector<232x128xi1> to vector<232x128xi32>
    %mul3A_96 = arith.constant 1 : i32
    %mul3A_97 = vector.broadcast %mul3A_96 : i32 to vector<232x128xi32>
    %mul3A_98 = arith.muli %convert_element_type3A, %mul3A_97 : vector<232x128xi32>
    %add3A_99 = arith.addi %broadcast_in_dim3A_82, %mul3A_98 : vector<232x128xi32>
    %mul3A_100 = arith.mulf %sub3A, %sub3A_57 : vector<232x128xf32>
    %mul3A_101 = arith.mulf %sub3A_59, %sub3A_60 : vector<232x128xf32>
    %add3A_102 = arith.addf %mul3A_100, %mul3A_101 : vector<232x128xf32>
    %mul3A_103 = arith.mulf %sub3A_62, %sub3A_63 : vector<232x128xf32>
    %add3A_104 = arith.addf %add3A_102, %mul3A_103 : vector<232x128xf32>
    %abs3A_105 = math.absf %add3A_104 : vector<232x128xf32>
    %mul3A_106 = arith.mulf %sqrt3A, %sqrt3A_75 : vector<232x128xf32>
    %add3A_107 = arith.constant 9.99999993E-9 : f32
    %add3A_108 = vector.broadcast %add3A_107 : f32 to vector<232x128xf32>
    %add3A_109 = arith.addf %mul3A_106, %add3A_108 : vector<232x128xf32>
    %mul3A_110 = arith.constant 0.866999983 : f32
    %mul3A_111 = vector.broadcast %mul3A_110 : f32 to vector<232x128xf32>
    %mul3A_112 = arith.mulf %mul3A_111, %add3A_109 : vector<232x128xf32>
    %gt3A_113 = arith.cmpf ogt, %abs3A_105, %mul3A_112 : vector<232x128xf32>
    %convert_element_type3A_114 = arith.extui %gt3A_113 : vector<232x128xi1> to vector<232x128xi32>
    %mul3A_115 = arith.constant 2 : i32
    %mul3A_116 = vector.broadcast %mul3A_115 : i32 to vector<232x128xi32>
    %mul3A_117 = arith.muli %convert_element_type3A_114, %mul3A_116 : vector<232x128xi32>
    %add3A_118 = arith.addi %add3A_99, %mul3A_117 : vector<232x128xi32>
    %mul3A_119 = arith.mulf %sub3A, %sub3A_58 : vector<232x128xf32>
    %mul3A_120 = arith.mulf %sub3A_59, %sub3A_61 : vector<232x128xf32>
    %add3A_121 = arith.addf %mul3A_119, %mul3A_120 : vector<232x128xf32>
    %mul3A_122 = arith.mulf %sub3A_62, %sub3A_64 : vector<232x128xf32>
    %add3A_123 = arith.addf %add3A_121, %mul3A_122 : vector<232x128xf32>
    %abs3A_124 = math.absf %add3A_123 : vector<232x128xf32>
    %mul3A_125 = arith.mulf %sqrt3A, %sqrt3A_81 : vector<232x128xf32>
    %add3A_126 = arith.constant 9.99999993E-9 : f32
    %add3A_127 = vector.broadcast %add3A_126 : f32 to vector<232x128xf32>
    %add3A_128 = arith.addf %mul3A_125, %add3A_127 : vector<232x128xf32>
    %mul3A_129 = arith.constant 0.866999983 : f32
    %mul3A_130 = vector.broadcast %mul3A_129 : f32 to vector<232x128xf32>
    %mul3A_131 = arith.mulf %mul3A_130, %add3A_128 : vector<232x128xf32>
    %gt3A_132 = arith.cmpf ogt, %abs3A_124, %mul3A_131 : vector<232x128xf32>
    %convert_element_type3A_133 = arith.extui %gt3A_132 : vector<232x128xi1> to vector<232x128xi32>
    %mul3A_134 = arith.constant 2 : i32
    %mul3A_135 = vector.broadcast %mul3A_134 : i32 to vector<232x128xi32>
    %mul3A_136 = arith.muli %convert_element_type3A_133, %mul3A_135 : vector<232x128xi32>
    %add3A_137 = arith.addi %add3A_118, %mul3A_136 : vector<232x128xi32>
    %mul3A_138 = arith.mulf %sub3A_57, %sub3A_57 : vector<232x128xf32>
    %mul3A_139 = arith.mulf %sub3A_60, %sub3A_60 : vector<232x128xf32>
    %add3A_140 = arith.addf %mul3A_138, %mul3A_139 : vector<232x128xf32>
    %mul3A_141 = arith.mulf %sub3A_63, %sub3A_63 : vector<232x128xf32>
    %add3A_142 = arith.addf %add3A_140, %mul3A_141 : vector<232x128xf32>
    %abs3A_143 = math.absf %add3A_142 : vector<232x128xf32>
    %mul3A_144 = arith.mulf %sqrt3A_75, %sqrt3A_75 : vector<232x128xf32>
    %add3A_145 = arith.constant 9.99999993E-9 : f32
    %add3A_146 = vector.broadcast %add3A_145 : f32 to vector<232x128xf32>
    %add3A_147 = arith.addf %mul3A_144, %add3A_146 : vector<232x128xf32>
    %mul3A_148 = arith.constant 0.866999983 : f32
    %mul3A_149 = vector.broadcast %mul3A_148 : f32 to vector<232x128xf32>
    %mul3A_150 = arith.mulf %mul3A_149, %add3A_147 : vector<232x128xf32>
    %gt3A_151 = arith.cmpf ogt, %abs3A_143, %mul3A_150 : vector<232x128xf32>
    %convert_element_type3A_152 = arith.extui %gt3A_151 : vector<232x128xi1> to vector<232x128xi32>
    %mul3A_153 = arith.constant 1 : i32
    %mul3A_154 = vector.broadcast %mul3A_153 : i32 to vector<232x128xi32>
    %mul3A_155 = arith.muli %convert_element_type3A_152, %mul3A_154 : vector<232x128xi32>
    %add3A_156 = arith.addi %add3A_137, %mul3A_155 : vector<232x128xi32>
    %mul3A_157 = arith.mulf %sub3A_57, %sub3A_58 : vector<232x128xf32>
    %mul3A_158 = arith.mulf %sub3A_60, %sub3A_61 : vector<232x128xf32>
    %add3A_159 = arith.addf %mul3A_157, %mul3A_158 : vector<232x128xf32>
    %mul3A_160 = arith.mulf %sub3A_63, %sub3A_64 : vector<232x128xf32>
    %add3A_161 = arith.addf %add3A_159, %mul3A_160 : vector<232x128xf32>
    %abs3A_162 = math.absf %add3A_161 : vector<232x128xf32>
    %mul3A_163 = arith.mulf %sqrt3A_75, %sqrt3A_81 : vector<232x128xf32>
    %add3A_164 = arith.constant 9.99999993E-9 : f32
    %add3A_165 = vector.broadcast %add3A_164 : f32 to vector<232x128xf32>
    %add3A_166 = arith.addf %mul3A_163, %add3A_165 : vector<232x128xf32>
    %mul3A_167 = arith.constant 0.866999983 : f32
    %mul3A_168 = vector.broadcast %mul3A_167 : f32 to vector<232x128xf32>
    %mul3A_169 = arith.mulf %mul3A_168, %add3A_166 : vector<232x128xf32>
    %gt3A_170 = arith.cmpf ogt, %abs3A_162, %mul3A_169 : vector<232x128xf32>
    %convert_element_type3A_171 = arith.extui %gt3A_170 : vector<232x128xi1> to vector<232x128xi32>
    %mul3A_172 = arith.constant 2 : i32
    %mul3A_173 = vector.broadcast %mul3A_172 : i32 to vector<232x128xi32>
    %mul3A_174 = arith.muli %convert_element_type3A_171, %mul3A_173 : vector<232x128xi32>
    %add3A_175 = arith.addi %add3A_156, %mul3A_174 : vector<232x128xi32>
    %mul3A_176 = arith.mulf %sub3A_58, %sub3A_58 : vector<232x128xf32>
    %mul3A_177 = arith.mulf %sub3A_61, %sub3A_61 : vector<232x128xf32>
    %add3A_178 = arith.addf %mul3A_176, %mul3A_177 : vector<232x128xf32>
    %mul3A_179 = arith.mulf %sub3A_64, %sub3A_64 : vector<232x128xf32>
    %add3A_180 = arith.addf %add3A_178, %mul3A_179 : vector<232x128xf32>
    %abs3A_181 = math.absf %add3A_180 : vector<232x128xf32>
    %mul3A_182 = arith.mulf %sqrt3A_81, %sqrt3A_81 : vector<232x128xf32>
    %add3A_183 = arith.constant 9.99999993E-9 : f32
    %add3A_184 = vector.broadcast %add3A_183 : f32 to vector<232x128xf32>
    %add3A_185 = arith.addf %mul3A_182, %add3A_184 : vector<232x128xf32>
    %mul3A_186 = arith.constant 0.866999983 : f32
    %mul3A_187 = vector.broadcast %mul3A_186 : f32 to vector<232x128xf32>
    %mul3A_188 = arith.mulf %mul3A_187, %add3A_185 : vector<232x128xf32>
    %gt3A_189 = arith.cmpf ogt, %abs3A_181, %mul3A_188 : vector<232x128xf32>
    %convert_element_type3A_190 = arith.extui %gt3A_189 : vector<232x128xi1> to vector<232x128xi32>
    %mul3A_191 = arith.constant 1 : i32
    %mul3A_192 = vector.broadcast %mul3A_191 : i32 to vector<232x128xi32>
    %mul3A_193 = arith.muli %convert_element_type3A_190, %mul3A_192 : vector<232x128xi32>
    %add3A_194 = arith.addi %add3A_175, %mul3A_193 : vector<232x128xi32>
    %gt3A_195 = arith.constant 3 : i32
    %gt3A_196 = vector.broadcast %gt3A_195 : i32 to vector<232x128xi32>
    %gt3A_197 = arith.cmpi sgt, %add3A_194, %gt3A_196 : vector<232x128xi32>
    %gt3A_198 = arith.constant 9.99999974E-5 : f32
    %gt3A_199 = vector.broadcast %gt3A_198 : f32 to vector<232x128xf32>
    %gt3A_200 = arith.cmpf ogt, %get3A_38, %gt3A_199 : vector<232x128xf32>
    %gt3A_201 = arith.constant 9.99999974E-5 : f32
    %gt3A_202 = vector.broadcast %gt3A_201 : f32 to vector<232x128xf32>
    %gt3A_203 = arith.cmpf ogt, %get3A_45, %gt3A_202 : vector<232x128xf32>
    %and3A = arith.andi %gt3A_200, %gt3A_203 : vector<232x128xi1>
    %gt3A_204 = arith.constant 9.99999974E-5 : f32
    %gt3A_205 = vector.broadcast %gt3A_204 : f32 to vector<232x128xf32>
    %gt3A_206 = arith.cmpf ogt, %get3A_53, %gt3A_205 : vector<232x128xf32>
    %and3A_207 = arith.andi %and3A, %gt3A_206 : vector<232x128xi1>
    %abs3A_208 = math.absf %sub3A : vector<232x128xf32>
    %lt3A_209 = arith.constant 5.000000e-03 : f32
    %lt3A_210 = vector.broadcast %lt3A_209 : f32 to vector<232x128xf32>
    %lt3A_211 = arith.cmpf olt, %abs3A_208, %lt3A_210 : vector<232x128xf32>
    %abs3A_212 = math.absf %sub3A_57 : vector<232x128xf32>
    %lt3A_213 = arith.constant 5.000000e-03 : f32
    %lt3A_214 = vector.broadcast %lt3A_213 : f32 to vector<232x128xf32>
    %lt3A_215 = arith.cmpf olt, %abs3A_212, %lt3A_214 : vector<232x128xf32>
    %or3A = arith.ori %lt3A_211, %lt3A_215 : vector<232x128xi1>
    %abs3A_216 = math.absf %sub3A_58 : vector<232x128xf32>
    %lt3A_217 = arith.constant 5.000000e-03 : f32
    %lt3A_218 = vector.broadcast %lt3A_217 : f32 to vector<232x128xf32>
    %lt3A_219 = arith.cmpf olt, %abs3A_216, %lt3A_218 : vector<232x128xf32>
    %or3A_220 = arith.ori %or3A, %lt3A_219 : vector<232x128xi1>
    %abs3A_221 = math.absf %sub3A_59 : vector<232x128xf32>
    %lt3A_222 = arith.constant 5.000000e-03 : f32
    %lt3A_223 = vector.broadcast %lt3A_222 : f32 to vector<232x128xf32>
    %lt3A_224 = arith.cmpf olt, %abs3A_221, %lt3A_223 : vector<232x128xf32>
    %abs3A_225 = math.absf %sub3A_60 : vector<232x128xf32>
    %lt3A_226 = arith.constant 5.000000e-03 : f32
    %lt3A_227 = vector.broadcast %lt3A_226 : f32 to vector<232x128xf32>
    %lt3A_228 = arith.cmpf olt, %abs3A_225, %lt3A_227 : vector<232x128xf32>
    %or3A_229 = arith.ori %lt3A_224, %lt3A_228 : vector<232x128xi1>
    %abs3A_230 = math.absf %sub3A_61 : vector<232x128xf32>
    %lt3A_231 = arith.constant 5.000000e-03 : f32
    %lt3A_232 = vector.broadcast %lt3A_231 : f32 to vector<232x128xf32>
    %lt3A_233 = arith.cmpf olt, %abs3A_230, %lt3A_232 : vector<232x128xf32>
    %or3A_234 = arith.ori %or3A_229, %lt3A_233 : vector<232x128xi1>
    %abs3A_235 = math.absf %sub3A_62 : vector<232x128xf32>
    %lt3A_236 = arith.constant 5.000000e-03 : f32
    %lt3A_237 = vector.broadcast %lt3A_236 : f32 to vector<232x128xf32>
    %lt3A_238 = arith.cmpf olt, %abs3A_235, %lt3A_237 : vector<232x128xf32>
    %abs3A_239 = math.absf %sub3A_63 : vector<232x128xf32>
    %lt3A_240 = arith.constant 5.000000e-03 : f32
    %lt3A_241 = vector.broadcast %lt3A_240 : f32 to vector<232x128xf32>
    %lt3A_242 = arith.cmpf olt, %abs3A_239, %lt3A_241 : vector<232x128xf32>
    %or3A_243 = arith.ori %lt3A_238, %lt3A_242 : vector<232x128xi1>
    %abs3A_244 = math.absf %sub3A_64 : vector<232x128xf32>
    %lt3A_245 = arith.constant 5.000000e-03 : f32
    %lt3A_246 = vector.broadcast %lt3A_245 : f32 to vector<232x128xf32>
    %lt3A_247 = arith.cmpf olt, %abs3A_244, %lt3A_246 : vector<232x128xf32>
    %or3A_248 = arith.ori %or3A_243, %lt3A_247 : vector<232x128xi1>
    %and3A_249 = arith.andi %or3A_220, %or3A_234 : vector<232x128xi1>
    %and3A_250 = arith.andi %and3A_249, %or3A_248 : vector<232x128xi1>
    %or3A_251 = arith.ori %and3A_250, %gt3A_197 : vector<232x128xi1>
    %not3A = arith.constant dense<true> : vector<232x128xi1>
    %not3A_252 = arith.xori %or3A_251, %not3A : vector<232x128xi1>
    %and3A_253 = arith.andi %and3A_207, %not3A_252 : vector<232x128xi1>
    %and3A_254 = arith.andi %and3A_253, %lt3A_4 : vector<232x128xi1>
    %get3A_255 = arith.constant 4 : index
    %get3A_256 = arith.constant 0 : index
    %get3A_257 = arith.constant 0 : index
    %get3A_258 = vector.load %arg0[%get3A_255, %get3A_256, %get3A_257] : memref<8x704x128xf32, #tpu.memory_space<vmem>>, vector<1x232x128xf32>
    %get3A_259 = vector.shape_cast %get3A_258 : vector<1x232x128xf32> to vector<232x128xf32>
    %abs3A_260 = math.absf %get3A_259 : vector<232x128xf32>
    %mul3A_261 = arith.mulf %get3A_8, %abs3A_260 : vector<232x128xf32>
    %mul3A_262 = arith.mulf %get3A_23, %abs3A_260 : vector<232x128xf32>
    %get3A_263 = arith.constant 4 : index
    %get3A_264 = arith.constant 232 : index
    %get3A_265 = arith.constant 0 : index
    %get3A_266 = vector.load %arg0[%get3A_263, %get3A_264, %get3A_265] : memref<8x704x128xf32, #tpu.memory_space<vmem>>, vector<1x232x128xf32>
    %get3A_267 = vector.shape_cast %get3A_266 : vector<1x232x128xf32> to vector<232x128xf32>
    %abs3A_268 = math.absf %get3A_267 : vector<232x128xf32>
    %mul3A_269 = arith.mulf %get3A_13, %abs3A_268 : vector<232x128xf32>
    %mul3A_270 = arith.mulf %get3A_28, %abs3A_268 : vector<232x128xf32>
    %get3A_271 = arith.constant 4 : index
    %get3A_272 = arith.constant 464 : index
    %get3A_273 = arith.constant 0 : index
    %get3A_274 = vector.load %arg0[%get3A_271, %get3A_272, %get3A_273] : memref<8x704x128xf32, #tpu.memory_space<vmem>>, vector<1x232x128xf32>
    %get3A_275 = vector.shape_cast %get3A_274 : vector<1x232x128xf32> to vector<232x128xf32>
    %abs3A_276 = math.absf %get3A_275 : vector<232x128xf32>
    %mul3A_277 = arith.mulf %get3A_18, %abs3A_276 : vector<232x128xf32>
    %mul3A_278 = arith.mulf %get3A_33, %abs3A_276 : vector<232x128xf32>
    %eq3A = arith.constant 0.000000e+00 : f32
    %eq3A_279 = vector.broadcast %eq3A : f32 to vector<232x128xf32>
    %eq3A_280 = arith.cmpf oeq, %get3A_259, %eq3A_279 : vector<232x128xf32>
    %eq3A_281 = arith.constant 0.000000e+00 : f32
    %eq3A_282 = vector.broadcast %eq3A_281 : f32 to vector<232x128xf32>
    %eq3A_283 = arith.cmpf oeq, %get3A_267, %eq3A_282 : vector<232x128xf32>
    %eq3A_284 = arith.constant 0.000000e+00 : f32
    %eq3A_285 = vector.broadcast %eq3A_284 : f32 to vector<232x128xf32>
    %eq3A_286 = arith.cmpf oeq, %get3A_275, %eq3A_285 : vector<232x128xf32>
    %jit3A = arith.constant 9.99999974E-5 : f32
    %broadcast_in_dim3A_287 = vector.broadcast %jit3A : f32 to vector<232x128xf32>
    %select_n3A = arith.select %eq3A_280, %broadcast_in_dim3A_287, %mul3A_261 : vector<232x128xi1>, vector<232x128xf32>
    %jit3A_288 = arith.constant 9.99999974E-5 : f32
    %broadcast_in_dim3A_289 = vector.broadcast %jit3A_288 : f32 to vector<232x128xf32>
    %select_n3A_290 = arith.select %eq3A_283, %broadcast_in_dim3A_289, %mul3A_262 : vector<232x128xi1>, vector<232x128xf32>
    %jit3A_291 = arith.constant 9.99999974E-5 : f32
    %broadcast_in_dim3A_292 = vector.broadcast %jit3A_291 : f32 to vector<232x128xf32>
    %select_n3A_293 = arith.select %eq3A_286, %broadcast_in_dim3A_292, %get3A_259 : vector<232x128xi1>, vector<232x128xf32>
    %jit3A_294 = arith.constant 9.99999974E-5 : f32
    %broadcast_in_dim3A_295 = vector.broadcast %jit3A_294 : f32 to vector<232x128xf32>
    %select_n3A_296 = arith.select %eq3A_280, %broadcast_in_dim3A_295, %mul3A_269 : vector<232x128xi1>, vector<232x128xf32>
    %jit3A_297 = arith.constant 9.99999974E-5 : f32
    %broadcast_in_dim3A_298 = vector.broadcast %jit3A_297 : f32 to vector<232x128xf32>
    %select_n3A_299 = arith.select %eq3A_283, %broadcast_in_dim3A_298, %mul3A_270 : vector<232x128xi1>, vector<232x128xf32>
    %jit3A_300 = arith.constant 9.99999974E-5 : f32
    %broadcast_in_dim3A_301 = vector.broadcast %jit3A_300 : f32 to vector<232x128xf32>
    %select_n3A_302 = arith.select %eq3A_286, %broadcast_in_dim3A_301, %get3A_267 : vector<232x128xi1>, vector<232x128xf32>
    %jit3A_303 = arith.constant 9.99999974E-5 : f32
    %broadcast_in_dim3A_304 = vector.broadcast %jit3A_303 : f32 to vector<232x128xf32>
    %select_n3A_305 = arith.select %eq3A_280, %broadcast_in_dim3A_304, %mul3A_277 : vector<232x128xi1>, vector<232x128xf32>
    %jit3A_306 = arith.constant 9.99999974E-5 : f32
    %broadcast_in_dim3A_307 = vector.broadcast %jit3A_306 : f32 to vector<232x128xf32>
    %select_n3A_308 = arith.select %eq3A_283, %broadcast_in_dim3A_307, %mul3A_278 : vector<232x128xi1>, vector<232x128xf32>
    %jit3A_309 = arith.constant 9.99999974E-5 : f32
    %broadcast_in_dim3A_310 = vector.broadcast %jit3A_309 : f32 to vector<232x128xf32>
    %select_n3A_311 = arith.select %eq3A_286, %broadcast_in_dim3A_310, %get3A_275 : vector<232x128xi1>, vector<232x128xf32>
    %mul3A_312 = arith.mulf %sub3A_59, %sub3A_63 : vector<232x128xf32>
    %mul3A_313 = arith.mulf %sub3A_62, %sub3A_60 : vector<232x128xf32>
    %sub3A_314 = arith.subf %mul3A_312, %mul3A_313 : vector<232x128xf32>
    %mul3A_315 = arith.mulf %sub3A_62, %sub3A_57 : vector<232x128xf32>
    %mul3A_316 = arith.mulf %sub3A, %sub3A_63 : vector<232x128xf32>
    %sub3A_317 = arith.subf %mul3A_315, %mul3A_316 : vector<232x128xf32>
    %mul3A_318 = arith.mulf %sub3A, %sub3A_60 : vector<232x128xf32>
    %mul3A_319 = arith.mulf %sub3A_59, %sub3A_57 : vector<232x128xf32>
    %sub3A_320 = arith.subf %mul3A_318, %mul3A_319 : vector<232x128xf32>
    %sub3A_321 = arith.subf %select_n3A_296, %select_n3A : vector<232x128xf32>
    %sub3A_322 = arith.subf %select_n3A_299, %select_n3A_290 : vector<232x128xf32>
    %sub3A_323 = arith.subf %select_n3A_302, %select_n3A_293 : vector<232x128xf32>
    %sub3A_324 = arith.subf %select_n3A_305, %select_n3A : vector<232x128xf32>
    %sub3A_325 = arith.subf %select_n3A_308, %select_n3A_290 : vector<232x128xf32>
    %sub3A_326 = arith.subf %select_n3A_311, %select_n3A_293 : vector<232x128xf32>
    %mul3A_327 = arith.mulf %sub3A_322, %sub3A_326 : vector<232x128xf32>
    %mul3A_328 = arith.mulf %sub3A_323, %sub3A_325 : vector<232x128xf32>
    %sub3A_329 = arith.subf %mul3A_327, %mul3A_328 : vector<232x128xf32>
    %mul3A_330 = arith.mulf %sub3A_323, %sub3A_324 : vector<232x128xf32>
    %mul3A_331 = arith.mulf %sub3A_321, %sub3A_326 : vector<232x128xf32>
    %sub3A_332 = arith.subf %mul3A_330, %mul3A_331 : vector<232x128xf32>
    %mul3A_333 = arith.mulf %sub3A_321, %sub3A_325 : vector<232x128xf32>
    %mul3A_334 = arith.mulf %sub3A_322, %sub3A_324 : vector<232x128xf32>
    %sub3A_335 = arith.subf %mul3A_333, %mul3A_334 : vector<232x128xf32>
    %mul3A_336 = arith.mulf %sub3A_314, %sub3A_314 : vector<232x128xf32>
    %mul3A_337 = arith.mulf %sub3A_317, %sub3A_317 : vector<232x128xf32>
    %add3A_338 = arith.addf %mul3A_336, %mul3A_337 : vector<232x128xf32>
    %mul3A_339 = arith.mulf %sub3A_320, %sub3A_320 : vector<232x128xf32>
    %add3A_340 = arith.addf %add3A_338, %mul3A_339 : vector<232x128xf32>
    %sqrt3A_341 = math.sqrt %add3A_340 : vector<232x128xf32>
    %mul3A_342 = arith.mulf %sub3A_329, %sub3A_329 : vector<232x128xf32>
    %mul3A_343 = arith.mulf %sub3A_332, %sub3A_332 : vector<232x128xf32>
    %add3A_344 = arith.addf %mul3A_342, %mul3A_343 : vector<232x128xf32>
    %mul3A_345 = arith.mulf %sub3A_335, %sub3A_335 : vector<232x128xf32>
    %add3A_346 = arith.addf %add3A_344, %mul3A_345 : vector<232x128xf32>
    %sqrt3A_347 = math.sqrt %add3A_346 : vector<232x128xf32>
    %eq3A_348 = arith.constant 0.000000e+00 : f32
    %eq3A_349 = vector.broadcast %eq3A_348 : f32 to vector<232x128xf32>
    %eq3A_350 = arith.cmpf oeq, %sqrt3A_341, %eq3A_349 : vector<232x128xf32>
    %convert_element_type3A_351 = arith.extui %eq3A_350 : vector<232x128xi1> to vector<232x128xi32>
    %convert_element_type3A_352 = arith.sitofp %convert_element_type3A_351 : vector<232x128xi32> to vector<232x128xf32>
    %mul3A_353 = arith.constant 0.00999999977 : f32
    %mul3A_354 = vector.broadcast %mul3A_353 : f32 to vector<232x128xf32>
    %mul3A_355 = arith.mulf %convert_element_type3A_352, %mul3A_354 : vector<232x128xf32>
    %add3A_356 = arith.addf %sqrt3A_341, %mul3A_355 : vector<232x128xf32>
    %eq3A_357 = arith.constant 0.000000e+00 : f32
    %eq3A_358 = vector.broadcast %eq3A_357 : f32 to vector<232x128xf32>
    %eq3A_359 = arith.cmpf oeq, %sqrt3A_347, %eq3A_358 : vector<232x128xf32>
    %convert_element_type3A_360 = arith.extui %eq3A_359 : vector<232x128xi1> to vector<232x128xi32>
    %convert_element_type3A_361 = arith.sitofp %convert_element_type3A_360 : vector<232x128xi32> to vector<232x128xf32>
    %mul3A_362 = arith.constant 0.00999999977 : f32
    %mul3A_363 = vector.broadcast %mul3A_362 : f32 to vector<232x128xf32>
    %mul3A_364 = arith.mulf %convert_element_type3A_361, %mul3A_363 : vector<232x128xf32>
    %add3A_365 = arith.addf %sqrt3A_347, %mul3A_364 : vector<232x128xf32>
    %div3A = arith.constant 1.000000e+00 : f32
    %div3A_366 = vector.broadcast %div3A : f32 to vector<232x128xf32>
    %div3A_367 = arith.divf %div3A_366, %add3A_356 : vector<232x128xf32>
    %div3A_368 = arith.constant 1.000000e+00 : f32
    %div3A_369 = vector.broadcast %div3A_368 : f32 to vector<232x128xf32>
    %div3A_370 = arith.divf %div3A_369, %add3A_365 : vector<232x128xf32>
    %mul3A_371 = arith.mulf %sub3A_314, %div3A_367 : vector<232x128xf32>
    %mul3A_372 = arith.mulf %sub3A_329, %div3A_370 : vector<232x128xf32>
    %sub3A_373 = arith.subf %mul3A_371, %mul3A_372 : vector<232x128xf32>
    %abs3A_374 = math.absf %sub3A_373 : vector<232x128xf32>
    %mul3A_375 = arith.mulf %sub3A_317, %div3A_367 : vector<232x128xf32>
    %mul3A_376 = arith.mulf %sub3A_332, %div3A_370 : vector<232x128xf32>
    %sub3A_377 = arith.subf %mul3A_375, %mul3A_376 : vector<232x128xf32>
    %abs3A_378 = math.absf %sub3A_377 : vector<232x128xf32>
    %add3A_379 = arith.addf %abs3A_374, %abs3A_378 : vector<232x128xf32>
    %mul3A_380 = arith.mulf %sub3A_320, %div3A_367 : vector<232x128xf32>
    %mul3A_381 = arith.mulf %sub3A_335, %div3A_370 : vector<232x128xf32>
    %sub3A_382 = arith.subf %mul3A_380, %mul3A_381 : vector<232x128xf32>
    %abs3A_383 = math.absf %sub3A_382 : vector<232x128xf32>
    %add3A_384 = arith.addf %add3A_379, %abs3A_383 : vector<232x128xf32>
    %bitcast_convert_type3A = tpu.bitcast %add3A_384 : vector<232x128xf32> -> vector<232x128xi32>
    %jit3A_385 = arith.constant 2147483647 : i32
    %broadcast_in_dim3A_386 = vector.broadcast %jit3A_385 : i32 to vector<232x128xi32>
    %select_n3A_387 = arith.select %and3A_254, %bitcast_convert_type3A, %broadcast_in_dim3A_386 : vector<232x128xi1>, vector<232x128xi32>
    %swap3A = arith.constant 0 : index
    %swap3A_388 = arith.constant 0 : index
    %swap3A_389 = arith.constant 0 : index
    %swap3A_390 = vector.load %arg4[%swap3A, %swap3A_388, %swap3A_389] : memref<4x232x128xi32, #tpu.memory_space<vmem>>, vector<1x232x128xi32>
    %swap3A_391 = vector.shape_cast %swap3A_390 : vector<1x232x128xi32> to vector<232x128xi32>
    %swap3A_392 = vector.shape_cast %select_n3A_387 : vector<232x128xi32> to vector<1x232x128xi32>
    tpu.vector_store %arg4[%swap3A, %swap3A_388, %swap3A_389], %swap3A_392 {strides = array<i32>} : memref<4x232x128xi32, #tpu.memory_space<vmem>>, vector<1x232x128xi32>,
    %convert_element_type3A_393 = arith.extui %and3A_254 : vector<232x128xi1> to vector<232x128xi32>
    %reduce_sum3A = vector.shape_cast %convert_element_type3A_393 : vector<232x128xi32> to vector<1x232x128xi32>
    %reduce_sum3A_394 = arith.constant dense<0> : vector<1xi32>
    %reduce_sum3A_395 = vector.multi_reduction <add>, %reduce_sum3A, %reduce_sum3A_394 [1, 2] : vector<1x232x128xi32> to vector<1xi32>
    %reduce_sum3A_396 = vector.shape_cast %reduce_sum3A_395 : vector<1xi32> to vector<1x1x1xi32>
    %reduce_sum3A_397 = vector.extract %reduce_sum3A_396[0, 0, 0] : i32 from vector<1x1x1xi32>
    %add3A_398 = arith.constant 0 : i32
    %add3A_399 = arith.addi %add3A_398, %reduce_sum3A_397 : i32
    %jit3A_400 = arith.constant 0.000000e+00 : f32
    %broadcast_in_dim3A_401 = vector.broadcast %jit3A_400 : f32 to vector<232x128xf32>
    %select_n3A_402 = arith.select %and3A_254, %add3A_384, %broadcast_in_dim3A_401 : vector<232x128xi1>, vector<232x128xf32>
    %reduce_sum3A_403 = vector.shape_cast %select_n3A_402 : vector<232x128xf32> to vector<1x232x128xf32>
    %reduce_sum3A_404 = arith.constant dense<0.000000e+00> : vector<1xf32>
    %reduce_sum3A_405 = vector.multi_reduction <add>, %reduce_sum3A_403, %reduce_sum3A_404 [1, 2] : vector<1x232x128xf32> to vector<1xf32>
    %reduce_sum3A_406 = vector.shape_cast %reduce_sum3A_405 : vector<1xf32> to vector<1x1x1xf32>
    %reduce_sum3A_407 = vector.extract %reduce_sum3A_406[0, 0, 0] : f32 from vector<1x1x1xf32>
    %add3A_408 = arith.constant 0.000000e+00 : f32
    %add3A_409 = arith.addf %add3A_408, %reduce_sum3A_407 : f32
    %get3A_410 = arith.constant 1 : index
    %get3A_411 = arith.constant 0 : index
    %get3A_412 = arith.constant 0 : index
    %get3A_413 = vector.load %arg0[%get3A_410, %get3A_411, %get3A_412] : memref<8x704x128xf32, #tpu.memory_space<vmem>>, vector<1x232x128xf32>
    %get3A_414 = vector.shape_cast %get3A_413 : vector<1x232x128xf32> to vector<232x128xf32>
    %abs3A_415 = math.absf %get3A_414 : vector<232x128xf32>
    %mul3A_416 = arith.mulf %get3A_8, %abs3A_415 : vector<232x128xf32>
    %mul3A_417 = arith.mulf %get3A_23, %abs3A_415 : vector<232x128xf32>
    %get3A_418 = arith.constant 1 : index
    %get3A_419 = arith.constant 232 : index
    %get3A_420 = arith.constant 0 : index
    %get3A_421 = vector.load %arg0[%get3A_418, %get3A_419, %get3A_420] : memref<8x704x128xf32, #tpu.memory_space<vmem>>, vector<1x232x128xf32>
    %get3A_422 = vector.shape_cast %get3A_421 : vector<1x232x128xf32> to vector<232x128xf32>
    %abs3A_423 = math.absf %get3A_422 : vector<232x128xf32>
    %mul3A_424 = arith.mulf %get3A_13, %abs3A_423 : vector<232x128xf32>
    %mul3A_425 = arith.mulf %get3A_28, %abs3A_423 : vector<232x128xf32>
    %get3A_426 = arith.constant 1 : index
    %get3A_427 = arith.constant 464 : index
    %get3A_428 = arith.constant 0 : index
    %get3A_429 = vector.load %arg0[%get3A_426, %get3A_427, %get3A_428] : memref<8x704x128xf32, #tpu.memory_space<vmem>>, vector<1x232x128xf32>
    %get3A_430 = vector.shape_cast %get3A_429 : vector<1x232x128xf32> to vector<232x128xf32>
    %abs3A_431 = math.absf %get3A_430 : vector<232x128xf32>
    %mul3A_432 = arith.mulf %get3A_18, %abs3A_431 : vector<232x128xf32>
    %mul3A_433 = arith.mulf %get3A_33, %abs3A_431 : vector<232x128xf32>
    %sub3A_434 = arith.subf %mul3A_424, %mul3A_416 : vector<232x128xf32>
    %sub3A_435 = arith.subf %mul3A_432, %mul3A_416 : vector<232x128xf32>
    %sub3A_436 = arith.subf %mul3A_432, %mul3A_424 : vector<232x128xf32>
    %sub3A_437 = arith.subf %mul3A_425, %mul3A_417 : vector<232x128xf32>
    %sub3A_438 = arith.subf %mul3A_433, %mul3A_417 : vector<232x128xf32>
    %sub3A_439 = arith.subf %mul3A_433, %mul3A_425 : vector<232x128xf32>
    %sub3A_440 = arith.subf %get3A_422, %get3A_414 : vector<232x128xf32>
    %sub3A_441 = arith.subf %get3A_430, %get3A_414 : vector<232x128xf32>
    %sub3A_442 = arith.subf %get3A_430, %get3A_422 : vector<232x128xf32>
    %mul3A_443 = arith.mulf %sub3A_434, %sub3A_434 : vector<232x128xf32>
    %mul3A_444 = arith.mulf %sub3A_437, %sub3A_437 : vector<232x128xf32>
    %add3A_445 = arith.addf %mul3A_443, %mul3A_444 : vector<232x128xf32>
    %mul3A_446 = arith.mulf %sub3A_440, %sub3A_440 : vector<232x128xf32>
    %add3A_447 = arith.addf %add3A_445, %mul3A_446 : vector<232x128xf32>
    %sqrt3A_448 = math.sqrt %add3A_447 : vector<232x128xf32>
    %mul3A_449 = arith.mulf %sub3A_435, %sub3A_435 : vector<232x128xf32>
    %mul3A_450 = arith.mulf %sub3A_438, %sub3A_438 : vector<232x128xf32>
    %add3A_451 = arith.addf %mul3A_449, %mul3A_450 : vector<232x128xf32>
    %mul3A_452 = arith.mulf %sub3A_441, %sub3A_441 : vector<232x128xf32>
    %add3A_453 = arith.addf %add3A_451, %mul3A_452 : vector<232x128xf32>
    %sqrt3A_454 = math.sqrt %add3A_453 : vector<232x128xf32>
    %mul3A_455 = arith.mulf %sub3A_436, %sub3A_436 : vector<232x128xf32>
    %mul3A_456 = arith.mulf %sub3A_439, %sub3A_439 : vector<232x128xf32>
    %add3A_457 = arith.addf %mul3A_455, %mul3A_456 : vector<232x128xf32>
    %mul3A_458 = arith.mulf %sub3A_442, %sub3A_442 : vector<232x128xf32>
    %add3A_459 = arith.addf %add3A_457, %mul3A_458 : vector<232x128xf32>
    %sqrt3A_460 = math.sqrt %add3A_459 : vector<232x128xf32>
    %broadcast_in_dim3A_461 = arith.constant 0 : i32
    %broadcast_in_dim3A_462 = vector.broadcast %broadcast_in_dim3A_461 : i32 to vector<232x128xi32>
    %mul3A_463 = arith.mulf %sub3A_434, %sub3A_434 : vector<232x128xf32>
    %mul3A_464 = arith.mulf %sub3A_437, %sub3A_437 : vector<232x128xf32>
    %add3A_465 = arith.addf %mul3A_463, %mul3A_464 : vector<232x128xf32>
    %mul3A_466 = arith.mulf %sub3A_440, %sub3A_440 : vector<232x128xf32>
    %add3A_467 = arith.addf %add3A_465, %mul3A_466 : vector<232x128xf32>
    %abs3A_468 = math.absf %add3A_467 : vector<232x128xf32>
    %mul3A_469 = arith.mulf %sqrt3A_448, %sqrt3A_448 : vector<232x128xf32>
    %add3A_470 = arith.constant 9.99999993E-9 : f32
    %add3A_471 = vector.broadcast %add3A_470 : f32 to vector<232x128xf32>
    %add3A_472 = arith.addf %mul3A_469, %add3A_471 : vector<232x128xf32>
    %mul3A_473 = arith.constant 0.866999983 : f32
    %mul3A_474 = vector.broadcast %mul3A_473 : f32 to vector<232x128xf32>
    %mul3A_475 = arith.mulf %mul3A_474, %add3A_472 : vector<232x128xf32>
    %gt3A_476 = arith.cmpf ogt, %abs3A_468, %mul3A_475 : vector<232x128xf32>
    %convert_element_type3A_477 = arith.extui %gt3A_476 : vector<232x128xi1> to vector<232x128xi32>
    %mul3A_478 = arith.constant 1 : i32
    %mul3A_479 = vector.broadcast %mul3A_478 : i32 to vector<232x128xi32>
    %mul3A_480 = arith.muli %convert_element_type3A_477, %mul3A_479 : vector<232x128xi32>
    %add3A_481 = arith.addi %broadcast_in_dim3A_462, %mul3A_480 : vector<232x128xi32>
    %mul3A_482 = arith.mulf %sub3A_434, %sub3A_435 : vector<232x128xf32>
    %mul3A_483 = arith.mulf %sub3A_437, %sub3A_438 : vector<232x128xf32>
    %add3A_484 = arith.addf %mul3A_482, %mul3A_483 : vector<232x128xf32>
    %mul3A_485 = arith.mulf %sub3A_440, %sub3A_441 : vector<232x128xf32>
    %add3A_486 = arith.addf %add3A_484, %mul3A_485 : vector<232x128xf32>
    %abs3A_487 = math.absf %add3A_486 : vector<232x128xf32>
    %mul3A_488 = arith.mulf %sqrt3A_448, %sqrt3A_454 : vector<232x128xf32>
    %add3A_489 = arith.constant 9.99999993E-9 : f32
    %add3A_490 = vector.broadcast %add3A_489 : f32 to vector<232x128xf32>
    %add3A_491 = arith.addf %mul3A_488, %add3A_490 : vector<232x128xf32>
    %mul3A_492 = arith.constant 0.866999983 : f32
    %mul3A_493 = vector.broadcast %mul3A_492 : f32 to vector<232x128xf32>
    %mul3A_494 = arith.mulf %mul3A_493, %add3A_491 : vector<232x128xf32>
    %gt3A_495 = arith.cmpf ogt, %abs3A_487, %mul3A_494 : vector<232x128xf32>
    %convert_element_type3A_496 = arith.extui %gt3A_495 : vector<232x128xi1> to vector<232x128xi32>
    %mul3A_497 = arith.constant 2 : i32
    %mul3A_498 = vector.broadcast %mul3A_497 : i32 to vector<232x128xi32>
    %mul3A_499 = arith.muli %convert_element_type3A_496, %mul3A_498 : vector<232x128xi32>
    %add3A_500 = arith.addi %add3A_481, %mul3A_499 : vector<232x128xi32>
    %mul3A_501 = arith.mulf %sub3A_434, %sub3A_436 : vector<232x128xf32>
    %mul3A_502 = arith.mulf %sub3A_437, %sub3A_439 : vector<232x128xf32>
    %add3A_503 = arith.addf %mul3A_501, %mul3A_502 : vector<232x128xf32>
    %mul3A_504 = arith.mulf %sub3A_440, %sub3A_442 : vector<232x128xf32>
    %add3A_505 = arith.addf %add3A_503, %mul3A_504 : vector<232x128xf32>
    %abs3A_506 = math.absf %add3A_505 : vector<232x128xf32>
    %mul3A_507 = arith.mulf %sqrt3A_448, %sqrt3A_460 : vector<232x128xf32>
    %add3A_508 = arith.constant 9.99999993E-9 : f32
    %add3A_509 = vector.broadcast %add3A_508 : f32 to vector<232x128xf32>
    %add3A_510 = arith.addf %mul3A_507, %add3A_509 : vector<232x128xf32>
    %mul3A_511 = arith.constant 0.866999983 : f32
    %mul3A_512 = vector.broadcast %mul3A_511 : f32 to vector<232x128xf32>
    %mul3A_513 = arith.mulf %mul3A_512, %add3A_510 : vector<232x128xf32>
    %gt3A_514 = arith.cmpf ogt, %abs3A_506, %mul3A_513 : vector<232x128xf32>
    %convert_element_type3A_515 = arith.extui %gt3A_514 : vector<232x128xi1> to vector<232x128xi32>
    %mul3A_516 = arith.constant 2 : i32
    %mul3A_517 = vector.broadcast %mul3A_516 : i32 to vector<232x128xi32>
    %mul3A_518 = arith.muli %convert_element_type3A_515, %mul3A_517 : vector<232x128xi32>
    %add3A_519 = arith.addi %add3A_500, %mul3A_518 : vector<232x128xi32>
    %mul3A_520 = arith.mulf %sub3A_435, %sub3A_435 : vector<232x128xf32>
    %mul3A_521 = arith.mulf %sub3A_438, %sub3A_438 : vector<232x128xf32>
    %add3A_522 = arith.addf %mul3A_520, %mul3A_521 : vector<232x128xf32>
    %mul3A_523 = arith.mulf %sub3A_441, %sub3A_441 : vector<232x128xf32>
    %add3A_524 = arith.addf %add3A_522, %mul3A_523 : vector<232x128xf32>
    %abs3A_525 = math.absf %add3A_524 : vector<232x128xf32>
    %mul3A_526 = arith.mulf %sqrt3A_454, %sqrt3A_454 : vector<232x128xf32>
    %add3A_527 = arith.constant 9.99999993E-9 : f32
    %add3A_528 = vector.broadcast %add3A_527 : f32 to vector<232x128xf32>
    %add3A_529 = arith.addf %mul3A_526, %add3A_528 : vector<232x128xf32>
    %mul3A_530 = arith.constant 0.866999983 : f32
    %mul3A_531 = vector.broadcast %mul3A_530 : f32 to vector<232x128xf32>
    %mul3A_532 = arith.mulf %mul3A_531, %add3A_529 : vector<232x128xf32>
    %gt3A_533 = arith.cmpf ogt, %abs3A_525, %mul3A_532 : vector<232x128xf32>
    %convert_element_type3A_534 = arith.extui %gt3A_533 : vector<232x128xi1> to vector<232x128xi32>
    %mul3A_535 = arith.constant 1 : i32
    %mul3A_536 = vector.broadcast %mul3A_535 : i32 to vector<232x128xi32>
    %mul3A_537 = arith.muli %convert_element_type3A_534, %mul3A_536 : vector<232x128xi32>
    %add3A_538 = arith.addi %add3A_519, %mul3A_537 : vector<232x128xi32>
    %mul3A_539 = arith.mulf %sub3A_435, %sub3A_436 : vector<232x128xf32>
    %mul3A_540 = arith.mulf %sub3A_438, %sub3A_439 : vector<232x128xf32>
    %add3A_541 = arith.addf %mul3A_539, %mul3A_540 : vector<232x128xf32>
    %mul3A_542 = arith.mulf %sub3A_441, %sub3A_442 : vector<232x128xf32>
    %add3A_543 = arith.addf %add3A_541, %mul3A_542 : vector<232x128xf32>
    %abs3A_544 = math.absf %add3A_543 : vector<232x128xf32>
    %mul3A_545 = arith.mulf %sqrt3A_454, %sqrt3A_460 : vector<232x128xf32>
    %add3A_546 = arith.constant 9.99999993E-9 : f32
    %add3A_547 = vector.broadcast %add3A_546 : f32 to vector<232x128xf32>
    %add3A_548 = arith.addf %mul3A_545, %add3A_547 : vector<232x128xf32>
    %mul3A_549 = arith.constant 0.866999983 : f32
    %mul3A_550 = vector.broadcast %mul3A_549 : f32 to vector<232x128xf32>
    %mul3A_551 = arith.mulf %mul3A_550, %add3A_548 : vector<232x128xf32>
    %gt3A_552 = arith.cmpf ogt, %abs3A_544, %mul3A_551 : vector<232x128xf32>
    %convert_element_type3A_553 = arith.extui %gt3A_552 : vector<232x128xi1> to vector<232x128xi32>
    %mul3A_554 = arith.constant 2 : i32
    %mul3A_555 = vector.broadcast %mul3A_554 : i32 to vector<232x128xi32>
    %mul3A_556 = arith.muli %convert_element_type3A_553, %mul3A_555 : vector<232x128xi32>
    %add3A_557 = arith.addi %add3A_538, %mul3A_556 : vector<232x128xi32>
    %mul3A_558 = arith.mulf %sub3A_436, %sub3A_436 : vector<232x128xf32>
    %mul3A_559 = arith.mulf %sub3A_439, %sub3A_439 : vector<232x128xf32>
    %add3A_560 = arith.addf %mul3A_558, %mul3A_559 : vector<232x128xf32>
    %mul3A_561 = arith.mulf %sub3A_442, %sub3A_442 : vector<232x128xf32>
    %add3A_562 = arith.addf %add3A_560, %mul3A_561 : vector<232x128xf32>
    %abs3A_563 = math.absf %add3A_562 : vector<232x128xf32>
    %mul3A_564 = arith.mulf %sqrt3A_460, %sqrt3A_460 : vector<232x128xf32>
    %add3A_565 = arith.constant 9.99999993E-9 : f32
    %add3A_566 = vector.broadcast %add3A_565 : f32 to vector<232x128xf32>
    %add3A_567 = arith.addf %mul3A_564, %add3A_566 : vector<232x128xf32>
    %mul3A_568 = arith.constant 0.866999983 : f32
    %mul3A_569 = vector.broadcast %mul3A_568 : f32 to vector<232x128xf32>
    %mul3A_570 = arith.mulf %mul3A_569, %add3A_567 : vector<232x128xf32>
    %gt3A_571 = arith.cmpf ogt, %abs3A_563, %mul3A_570 : vector<232x128xf32>
    %convert_element_type3A_572 = arith.extui %gt3A_571 : vector<232x128xi1> to vector<232x128xi32>
    %mul3A_573 = arith.constant 1 : i32
    %mul3A_574 = vector.broadcast %mul3A_573 : i32 to vector<232x128xi32>
    %mul3A_575 = arith.muli %convert_element_type3A_572, %mul3A_574 : vector<232x128xi32>
    %add3A_576 = arith.addi %add3A_557, %mul3A_575 : vector<232x128xi32>
    %gt3A_577 = arith.constant 3 : i32
    %gt3A_578 = vector.broadcast %gt3A_577 : i32 to vector<232x128xi32>
    %gt3A_579 = arith.cmpi sgt, %add3A_576, %gt3A_578 : vector<232x128xi32>
    %gt3A_580 = arith.constant 9.99999974E-5 : f32
    %gt3A_581 = vector.broadcast %gt3A_580 : f32 to vector<232x128xf32>
    %gt3A_582 = arith.cmpf ogt, %get3A_414, %gt3A_581 : vector<232x128xf32>
    %gt3A_583 = arith.constant 9.99999974E-5 : f32
    %gt3A_584 = vector.broadcast %gt3A_583 : f32 to vector<232x128xf32>
    %gt3A_585 = arith.cmpf ogt, %get3A_422, %gt3A_584 : vector<232x128xf32>
    %and3A_586 = arith.andi %gt3A_582, %gt3A_585 : vector<232x128xi1>
    %gt3A_587 = arith.constant 9.99999974E-5 : f32
    %gt3A_588 = vector.broadcast %gt3A_587 : f32 to vector<232x128xf32>
    %gt3A_589 = arith.cmpf ogt, %get3A_430, %gt3A_588 : vector<232x128xf32>
    %and3A_590 = arith.andi %and3A_586, %gt3A_589 : vector<232x128xi1>
    %abs3A_591 = math.absf %sub3A_434 : vector<232x128xf32>
    %lt3A_592 = arith.constant 5.000000e-03 : f32
    %lt3A_593 = vector.broadcast %lt3A_592 : f32 to vector<232x128xf32>
    %lt3A_594 = arith.cmpf olt, %abs3A_591, %lt3A_593 : vector<232x128xf32>
    %abs3A_595 = math.absf %sub3A_435 : vector<232x128xf32>
    %lt3A_596 = arith.constant 5.000000e-03 : f32
    %lt3A_597 = vector.broadcast %lt3A_596 : f32 to vector<232x128xf32>
    %lt3A_598 = arith.cmpf olt, %abs3A_595, %lt3A_597 : vector<232x128xf32>
    %or3A_599 = arith.ori %lt3A_594, %lt3A_598 : vector<232x128xi1>
    %abs3A_600 = math.absf %sub3A_436 : vector<232x128xf32>
    %lt3A_601 = arith.constant 5.000000e-03 : f32
    %lt3A_602 = vector.broadcast %lt3A_601 : f32 to vector<232x128xf32>
    %lt3A_603 = arith.cmpf olt, %abs3A_600, %lt3A_602 : vector<232x128xf32>
    %or3A_604 = arith.ori %or3A_599, %lt3A_603 : vector<232x128xi1>
    %abs3A_605 = math.absf %sub3A_437 : vector<232x128xf32>
    %lt3A_606 = arith.constant 5.000000e-03 : f32
    %lt3A_607 = vector.broadcast %lt3A_606 : f32 to vector<232x128xf32>
    %lt3A_608 = arith.cmpf olt, %abs3A_605, %lt3A_607 : vector<232x128xf32>
    %abs3A_609 = math.absf %sub3A_438 : vector<232x128xf32>
    %lt3A_610 = arith.constant 5.000000e-03 : f32
    %lt3A_611 = vector.broadcast %lt3A_610 : f32 to vector<232x128xf32>
    %lt3A_612 = arith.cmpf olt, %abs3A_609, %lt3A_611 : vector<232x128xf32>
    %or3A_613 = arith.ori %lt3A_608, %lt3A_612 : vector<232x128xi1>
    %abs3A_614 = math.absf %sub3A_439 : vector<232x128xf32>
    %lt3A_615 = arith.constant 5.000000e-03 : f32
    %lt3A_616 = vector.broadcast %lt3A_615 : f32 to vector<232x128xf32>
    %lt3A_617 = arith.cmpf olt, %abs3A_614, %lt3A_616 : vector<232x128xf32>
    %or3A_618 = arith.ori %or3A_613, %lt3A_617 : vector<232x128xi1>
    %abs3A_619 = math.absf %sub3A_440 : vector<232x128xf32>
    %lt3A_620 = arith.constant 5.000000e-03 : f32
    %lt3A_621 = vector.broadcast %lt3A_620 : f32 to vector<232x128xf32>
    %lt3A_622 = arith.cmpf olt, %abs3A_619, %lt3A_621 : vector<232x128xf32>
    %abs3A_623 = math.absf %sub3A_441 : vector<232x128xf32>
    %lt3A_624 = arith.constant 5.000000e-03 : f32
    %lt3A_625 = vector.broadcast %lt3A_624 : f32 to vector<232x128xf32>
    %lt3A_626 = arith.cmpf olt, %abs3A_623, %lt3A_625 : vector<232x128xf32>
    %or3A_627 = arith.ori %lt3A_622, %lt3A_626 : vector<232x128xi1>
    %abs3A_628 = math.absf %sub3A_442 : vector<232x128xf32>
    %lt3A_629 = arith.constant 5.000000e-03 : f32
    %lt3A_630 = vector.broadcast %lt3A_629 : f32 to vector<232x128xf32>
    %lt3A_631 = arith.cmpf olt, %abs3A_628, %lt3A_630 : vector<232x128xf32>
    %or3A_632 = arith.ori %or3A_627, %lt3A_631 : vector<232x128xi1>
    %and3A_633 = arith.andi %or3A_604, %or3A_618 : vector<232x128xi1>
    %and3A_634 = arith.andi %and3A_633, %or3A_632 : vector<232x128xi1>
    %or3A_635 = arith.ori %and3A_634, %gt3A_579 : vector<232x128xi1>
    %not3A_636 = arith.constant dense<true> : vector<232x128xi1>
    %not3A_637 = arith.xori %or3A_635, %not3A_636 : vector<232x128xi1>
    %and3A_638 = arith.andi %and3A_590, %not3A_637 : vector<232x128xi1>
    %and3A_639 = arith.andi %and3A_638, %lt3A_4 : vector<232x128xi1>
    %get3A_640 = arith.constant 5 : index
    %get3A_641 = arith.constant 0 : index
    %get3A_642 = arith.constant 0 : index
    %get3A_643 = vector.load %arg0[%get3A_640, %get3A_641, %get3A_642] : memref<8x704x128xf32, #tpu.memory_space<vmem>>, vector<1x232x128xf32>
    %get3A_644 = vector.shape_cast %get3A_643 : vector<1x232x128xf32> to vector<232x128xf32>
    %abs3A_645 = math.absf %get3A_644 : vector<232x128xf32>
    %mul3A_646 = arith.mulf %get3A_8, %abs3A_645 : vector<232x128xf32>
    %mul3A_647 = arith.mulf %get3A_23, %abs3A_645 : vector<232x128xf32>
    %get3A_648 = arith.constant 5 : index
    %get3A_649 = arith.constant 232 : index
    %get3A_650 = arith.constant 0 : index
    %get3A_651 = vector.load %arg0[%get3A_648, %get3A_649, %get3A_650] : memref<8x704x128xf32, #tpu.memory_space<vmem>>, vector<1x232x128xf32>
    %get3A_652 = vector.shape_cast %get3A_651 : vector<1x232x128xf32> to vector<232x128xf32>
    %abs3A_653 = math.absf %get3A_652 : vector<232x128xf32>
    %mul3A_654 = arith.mulf %get3A_13, %abs3A_653 : vector<232x128xf32>
    %mul3A_655 = arith.mulf %get3A_28, %abs3A_653 : vector<232x128xf32>
    %get3A_656 = arith.constant 5 : index
    %get3A_657 = arith.constant 464 : index
    %get3A_658 = arith.constant 0 : index
    %get3A_659 = vector.load %arg0[%get3A_656, %get3A_657, %get3A_658] : memref<8x704x128xf32, #tpu.memory_space<vmem>>, vector<1x232x128xf32>
    %get3A_660 = vector.shape_cast %get3A_659 : vector<1x232x128xf32> to vector<232x128xf32>
    %abs3A_661 = math.absf %get3A_660 : vector<232x128xf32>
    %mul3A_662 = arith.mulf %get3A_18, %abs3A_661 : vector<232x128xf32>
    %mul3A_663 = arith.mulf %get3A_33, %abs3A_661 : vector<232x128xf32>
    %eq3A_664 = arith.constant 0.000000e+00 : f32
    %eq3A_665 = vector.broadcast %eq3A_664 : f32 to vector<232x128xf32>
    %eq3A_666 = arith.cmpf oeq, %get3A_644, %eq3A_665 : vector<232x128xf32>
    %eq3A_667 = arith.constant 0.000000e+00 : f32
    %eq3A_668 = vector.broadcast %eq3A_667 : f32 to vector<232x128xf32>
    %eq3A_669 = arith.cmpf oeq, %get3A_652, %eq3A_668 : vector<232x128xf32>
    %eq3A_670 = arith.constant 0.000000e+00 : f32
    %eq3A_671 = vector.broadcast %eq3A_670 : f32 to vector<232x128xf32>
    %eq3A_672 = arith.cmpf oeq, %get3A_660, %eq3A_671 : vector<232x128xf32>
    %jit3A_673 = arith.constant 9.99999974E-5 : f32
    %broadcast_in_dim3A_674 = vector.broadcast %jit3A_673 : f32 to vector<232x128xf32>
    %select_n3A_675 = arith.select %eq3A_666, %broadcast_in_dim3A_674, %mul3A_646 : vector<232x128xi1>, vector<232x128xf32>
    %jit3A_676 = arith.constant 9.99999974E-5 : f32
    %broadcast_in_dim3A_677 = vector.broadcast %jit3A_676 : f32 to vector<232x128xf32>
    %select_n3A_678 = arith.select %eq3A_669, %broadcast_in_dim3A_677, %mul3A_647 : vector<232x128xi1>, vector<232x128xf32>
    %jit3A_679 = arith.constant 9.99999974E-5 : f32
    %broadcast_in_dim3A_680 = vector.broadcast %jit3A_679 : f32 to vector<232x128xf32>
    %select_n3A_681 = arith.select %eq3A_672, %broadcast_in_dim3A_680, %get3A_644 : vector<232x128xi1>, vector<232x128xf32>
    %jit3A_682 = arith.constant 9.99999974E-5 : f32
    %broadcast_in_dim3A_683 = vector.broadcast %jit3A_682 : f32 to vector<232x128xf32>
    %select_n3A_684 = arith.select %eq3A_666, %broadcast_in_dim3A_683, %mul3A_654 : vector<232x128xi1>, vector<232x128xf32>
    %jit3A_685 = arith.constant 9.99999974E-5 : f32
    %broadcast_in_dim3A_686 = vector.broadcast %jit3A_685 : f32 to vector<232x128xf32>
    %select_n3A_687 = arith.select %eq3A_669, %broadcast_in_dim3A_686, %mul3A_655 : vector<232x128xi1>, vector<232x128xf32>
    %jit3A_688 = arith.constant 9.99999974E-5 : f32
    %broadcast_in_dim3A_689 = vector.broadcast %jit3A_688 : f32 to vector<232x128xf32>
    %select_n3A_690 = arith.select %eq3A_672, %broadcast_in_dim3A_689, %get3A_652 : vector<232x128xi1>, vector<232x128xf32>
    %jit3A_691 = arith.constant 9.99999974E-5 : f32
    %broadcast_in_dim3A_692 = vector.broadcast %jit3A_691 : f32 to vector<232x128xf32>
    %select_n3A_693 = arith.select %eq3A_666, %broadcast_in_dim3A_692, %mul3A_662 : vector<232x128xi1>, vector<232x128xf32>
    %jit3A_694 = arith.constant 9.99999974E-5 : f32
    %broadcast_in_dim3A_695 = vector.broadcast %jit3A_694 : f32 to vector<232x128xf32>
    %select_n3A_696 = arith.select %eq3A_669, %broadcast_in_dim3A_695, %mul3A_663 : vector<232x128xi1>, vector<232x128xf32>
    %jit3A_697 = arith.constant 9.99999974E-5 : f32
    %broadcast_in_dim3A_698 = vector.broadcast %jit3A_697 : f32 to vector<232x128xf32>
    %select_n3A_699 = arith.select %eq3A_672, %broadcast_in_dim3A_698, %get3A_660 : vector<232x128xi1>, vector<232x128xf32>
    %mul3A_700 = arith.mulf %sub3A_437, %sub3A_441 : vector<232x128xf32>
    %mul3A_701 = arith.mulf %sub3A_440, %sub3A_438 : vector<232x128xf32>
    %sub3A_702 = arith.subf %mul3A_700, %mul3A_701 : vector<232x128xf32>
    %mul3A_703 = arith.mulf %sub3A_440, %sub3A_435 : vector<232x128xf32>
    %mul3A_704 = arith.mulf %sub3A_434, %sub3A_441 : vector<232x128xf32>
    %sub3A_705 = arith.subf %mul3A_703, %mul3A_704 : vector<232x128xf32>
    %mul3A_706 = arith.mulf %sub3A_434, %sub3A_438 : vector<232x128xf32>
    %mul3A_707 = arith.mulf %sub3A_437, %sub3A_435 : vector<232x128xf32>
    %sub3A_708 = arith.subf %mul3A_706, %mul3A_707 : vector<232x128xf32>
    %sub3A_709 = arith.subf %select_n3A_684, %select_n3A_675 : vector<232x128xf32>
    %sub3A_710 = arith.subf %select_n3A_687, %select_n3A_678 : vector<232x128xf32>
    %sub3A_711 = arith.subf %select_n3A_690, %select_n3A_681 : vector<232x128xf32>
    %sub3A_712 = arith.subf %select_n3A_693, %select_n3A_675 : vector<232x128xf32>
    %sub3A_713 = arith.subf %select_n3A_696, %select_n3A_678 : vector<232x128xf32>
    %sub3A_714 = arith.subf %select_n3A_699, %select_n3A_681 : vector<232x128xf32>
    %mul3A_715 = arith.mulf %sub3A_710, %sub3A_714 : vector<232x128xf32>
    %mul3A_716 = arith.mulf %sub3A_711, %sub3A_713 : vector<232x128xf32>
    %sub3A_717 = arith.subf %mul3A_715, %mul3A_716 : vector<232x128xf32>
    %mul3A_718 = arith.mulf %sub3A_711, %sub3A_712 : vector<232x128xf32>
    %mul3A_719 = arith.mulf %sub3A_709, %sub3A_714 : vector<232x128xf32>
    %sub3A_720 = arith.subf %mul3A_718, %mul3A_719 : vector<232x128xf32>
    %mul3A_721 = arith.mulf %sub3A_709, %sub3A_713 : vector<232x128xf32>
    %mul3A_722 = arith.mulf %sub3A_710, %sub3A_712 : vector<232x128xf32>
    %sub3A_723 = arith.subf %mul3A_721, %mul3A_722 : vector<232x128xf32>
    %mul3A_724 = arith.mulf %sub3A_702, %sub3A_702 : vector<232x128xf32>
    %mul3A_725 = arith.mulf %sub3A_705, %sub3A_705 : vector<232x128xf32>
    %add3A_726 = arith.addf %mul3A_724, %mul3A_725 : vector<232x128xf32>
    %mul3A_727 = arith.mulf %sub3A_708, %sub3A_708 : vector<232x128xf32>
    %add3A_728 = arith.addf %add3A_726, %mul3A_727 : vector<232x128xf32>
    %sqrt3A_729 = math.sqrt %add3A_728 : vector<232x128xf32>
    %mul3A_730 = arith.mulf %sub3A_717, %sub3A_717 : vector<232x128xf32>
    %mul3A_731 = arith.mulf %sub3A_720, %sub3A_720 : vector<232x128xf32>
    %add3A_732 = arith.addf %mul3A_730, %mul3A_731 : vector<232x128xf32>
    %mul3A_733 = arith.mulf %sub3A_723, %sub3A_723 : vector<232x128xf32>
    %add3A_734 = arith.addf %add3A_732, %mul3A_733 : vector<232x128xf32>
    %sqrt3A_735 = math.sqrt %add3A_734 : vector<232x128xf32>
    %eq3A_736 = arith.constant 0.000000e+00 : f32
    %eq3A_737 = vector.broadcast %eq3A_736 : f32 to vector<232x128xf32>
    %eq3A_738 = arith.cmpf oeq, %sqrt3A_729, %eq3A_737 : vector<232x128xf32>
    %convert_element_type3A_739 = arith.extui %eq3A_738 : vector<232x128xi1> to vector<232x128xi32>
    %convert_element_type3A_740 = arith.sitofp %convert_element_type3A_739 : vector<232x128xi32> to vector<232x128xf32>
    %mul3A_741 = arith.constant 0.00999999977 : f32
    %mul3A_742 = vector.broadcast %mul3A_741 : f32 to vector<232x128xf32>
    %mul3A_743 = arith.mulf %convert_element_type3A_740, %mul3A_742 : vector<232x128xf32>
    %add3A_744 = arith.addf %sqrt3A_729, %mul3A_743 : vector<232x128xf32>
    %eq3A_745 = arith.constant 0.000000e+00 : f32
    %eq3A_746 = vector.broadcast %eq3A_745 : f32 to vector<232x128xf32>
    %eq3A_747 = arith.cmpf oeq, %sqrt3A_735, %eq3A_746 : vector<232x128xf32>
    %convert_element_type3A_748 = arith.extui %eq3A_747 : vector<232x128xi1> to vector<232x128xi32>
    %convert_element_type3A_749 = arith.sitofp %convert_element_type3A_748 : vector<232x128xi32> to vector<232x128xf32>
    %mul3A_750 = arith.constant 0.00999999977 : f32
    %mul3A_751 = vector.broadcast %mul3A_750 : f32 to vector<232x128xf32>
    %mul3A_752 = arith.mulf %convert_element_type3A_749, %mul3A_751 : vector<232x128xf32>
    %add3A_753 = arith.addf %sqrt3A_735, %mul3A_752 : vector<232x128xf32>
    %div3A_754 = arith.constant 1.000000e+00 : f32
    %div3A_755 = vector.broadcast %div3A_754 : f32 to vector<232x128xf32>
    %div3A_756 = arith.divf %div3A_755, %add3A_744 : vector<232x128xf32>
    %div3A_757 = arith.constant 1.000000e+00 : f32
    %div3A_758 = vector.broadcast %div3A_757 : f32 to vector<232x128xf32>
    %div3A_759 = arith.divf %div3A_758, %add3A_753 : vector<232x128xf32>
    %mul3A_760 = arith.mulf %sub3A_702, %div3A_756 : vector<232x128xf32>
    %mul3A_761 = arith.mulf %sub3A_717, %div3A_759 : vector<232x128xf32>
    %sub3A_762 = arith.subf %mul3A_760, %mul3A_761 : vector<232x128xf32>
    %abs3A_763 = math.absf %sub3A_762 : vector<232x128xf32>
    %mul3A_764 = arith.mulf %sub3A_705, %div3A_756 : vector<232x128xf32>
    %mul3A_765 = arith.mulf %sub3A_720, %div3A_759 : vector<232x128xf32>
    %sub3A_766 = arith.subf %mul3A_764, %mul3A_765 : vector<232x128xf32>
    %abs3A_767 = math.absf %sub3A_766 : vector<232x128xf32>
    %add3A_768 = arith.addf %abs3A_763, %abs3A_767 : vector<232x128xf32>
    %mul3A_769 = arith.mulf %sub3A_708, %div3A_756 : vector<232x128xf32>
    %mul3A_770 = arith.mulf %sub3A_723, %div3A_759 : vector<232x128xf32>
    %sub3A_771 = arith.subf %mul3A_769, %mul3A_770 : vector<232x128xf32>
    %abs3A_772 = math.absf %sub3A_771 : vector<232x128xf32>
    %add3A_773 = arith.addf %add3A_768, %abs3A_772 : vector<232x128xf32>
    %bitcast_convert_type3A_774 = tpu.bitcast %add3A_773 : vector<232x128xf32> -> vector<232x128xi32>
    %jit3A_775 = arith.constant 2147483647 : i32
    %broadcast_in_dim3A_776 = vector.broadcast %jit3A_775 : i32 to vector<232x128xi32>
    %select_n3A_777 = arith.select %and3A_639, %bitcast_convert_type3A_774, %broadcast_in_dim3A_776 : vector<232x128xi1>, vector<232x128xi32>
    %swap3A_778 = arith.constant 1 : index
    %swap3A_779 = arith.constant 0 : index
    %swap3A_780 = arith.constant 0 : index
    %swap3A_781 = vector.load %arg4[%swap3A_778, %swap3A_779, %swap3A_780] : memref<4x232x128xi32, #tpu.memory_space<vmem>>, vector<1x232x128xi32>
    %swap3A_782 = vector.shape_cast %swap3A_781 : vector<1x232x128xi32> to vector<232x128xi32>
    %swap3A_783 = vector.shape_cast %select_n3A_777 : vector<232x128xi32> to vector<1x232x128xi32>
    tpu.vector_store %arg4[%swap3A_778, %swap3A_779, %swap3A_780], %swap3A_783 {strides = array<i32>} : memref<4x232x128xi32, #tpu.memory_space<vmem>>, vector<1x232x128xi32>,
    %convert_element_type3A_784 = arith.extui %and3A_639 : vector<232x128xi1> to vector<232x128xi32>
    %reduce_sum3A_785 = vector.shape_cast %convert_element_type3A_784 : vector<232x128xi32> to vector<1x232x128xi32>
    %reduce_sum3A_786 = arith.constant dense<0> : vector<1xi32>
    %reduce_sum3A_787 = vector.multi_reduction <add>, %reduce_sum3A_785, %reduce_sum3A_786 [1, 2] : vector<1x232x128xi32> to vector<1xi32>
    %reduce_sum3A_788 = vector.shape_cast %reduce_sum3A_787 : vector<1xi32> to vector<1x1x1xi32>
    %reduce_sum3A_789 = vector.extract %reduce_sum3A_788[0, 0, 0] : i32 from vector<1x1x1xi32>
    %add3A_790 = arith.addi %add3A_399, %reduce_sum3A_789 : i32
    %jit3A_791 = arith.constant 0.000000e+00 : f32
    %broadcast_in_dim3A_792 = vector.broadcast %jit3A_791 : f32 to vector<232x128xf32>
    %select_n3A_793 = arith.select %and3A_639, %add3A_773, %broadcast_in_dim3A_792 : vector<232x128xi1>, vector<232x128xf32>
    %reduce_sum3A_794 = vector.shape_cast %select_n3A_793 : vector<232x128xf32> to vector<1x232x128xf32>
    %reduce_sum3A_795 = arith.constant dense<0.000000e+00> : vector<1xf32>
    %reduce_sum3A_796 = vector.multi_reduction <add>, %reduce_sum3A_794, %reduce_sum3A_795 [1, 2] : vector<1x232x128xf32> to vector<1xf32>
    %reduce_sum3A_797 = vector.shape_cast %reduce_sum3A_796 : vector<1xf32> to vector<1x1x1xf32>
    %reduce_sum3A_798 = vector.extract %reduce_sum3A_797[0, 0, 0] : f32 from vector<1x1x1xf32>
    %add3A_799 = arith.addf %add3A_409, %reduce_sum3A_798 : f32
    %get3A_800 = arith.constant 2 : index
    %get3A_801 = arith.constant 0 : index
    %get3A_802 = arith.constant 0 : index
    %get3A_803 = vector.load %arg0[%get3A_800, %get3A_801, %get3A_802] : memref<8x704x128xf32, #tpu.memory_space<vmem>>, vector<1x232x128xf32>
    %get3A_804 = vector.shape_cast %get3A_803 : vector<1x232x128xf32> to vector<232x128xf32>
    %abs3A_805 = math.absf %get3A_804 : vector<232x128xf32>
    %mul3A_806 = arith.mulf %get3A_8, %abs3A_805 : vector<232x128xf32>
    %mul3A_807 = arith.mulf %get3A_23, %abs3A_805 : vector<232x128xf32>
    %get3A_808 = arith.constant 2 : index
    %get3A_809 = arith.constant 232 : index
    %get3A_810 = arith.constant 0 : index
    %get3A_811 = vector.load %arg0[%get3A_808, %get3A_809, %get3A_810] : memref<8x704x128xf32, #tpu.memory_space<vmem>>, vector<1x232x128xf32>
    %get3A_812 = vector.shape_cast %get3A_811 : vector<1x232x128xf32> to vector<232x128xf32>
    %abs3A_813 = math.absf %get3A_812 : vector<232x128xf32>
    %mul3A_814 = arith.mulf %get3A_13, %abs3A_813 : vector<232x128xf32>
    %mul3A_815 = arith.mulf %get3A_28, %abs3A_813 : vector<232x128xf32>
    %get3A_816 = arith.constant 2 : index
    %get3A_817 = arith.constant 464 : index
    %get3A_818 = arith.constant 0 : index
    %get3A_819 = vector.load %arg0[%get3A_816, %get3A_817, %get3A_818] : memref<8x704x128xf32, #tpu.memory_space<vmem>>, vector<1x232x128xf32>
    %get3A_820 = vector.shape_cast %get3A_819 : vector<1x232x128xf32> to vector<232x128xf32>
    %abs3A_821 = math.absf %get3A_820 : vector<232x128xf32>
    %mul3A_822 = arith.mulf %get3A_18, %abs3A_821 : vector<232x128xf32>
    %mul3A_823 = arith.mulf %get3A_33, %abs3A_821 : vector<232x128xf32>
    %sub3A_824 = arith.subf %mul3A_814, %mul3A_806 : vector<232x128xf32>
    %sub3A_825 = arith.subf %mul3A_822, %mul3A_806 : vector<232x128xf32>
    %sub3A_826 = arith.subf %mul3A_822, %mul3A_814 : vector<232x128xf32>
    %sub3A_827 = arith.subf %mul3A_815, %mul3A_807 : vector<232x128xf32>
    %sub3A_828 = arith.subf %mul3A_823, %mul3A_807 : vector<232x128xf32>
    %sub3A_829 = arith.subf %mul3A_823, %mul3A_815 : vector<232x128xf32>
    %sub3A_830 = arith.subf %get3A_812, %get3A_804 : vector<232x128xf32>
    %sub3A_831 = arith.subf %get3A_820, %get3A_804 : vector<232x128xf32>
    %sub3A_832 = arith.subf %get3A_820, %get3A_812 : vector<232x128xf32>
    %mul3A_833 = arith.mulf %sub3A_824, %sub3A_824 : vector<232x128xf32>
    %mul3A_834 = arith.mulf %sub3A_827, %sub3A_827 : vector<232x128xf32>
    %add3A_835 = arith.addf %mul3A_833, %mul3A_834 : vector<232x128xf32>
    %mul3A_836 = arith.mulf %sub3A_830, %sub3A_830 : vector<232x128xf32>
    %add3A_837 = arith.addf %add3A_835, %mul3A_836 : vector<232x128xf32>
    %sqrt3A_838 = math.sqrt %add3A_837 : vector<232x128xf32>
    %mul3A_839 = arith.mulf %sub3A_825, %sub3A_825 : vector<232x128xf32>
    %mul3A_840 = arith.mulf %sub3A_828, %sub3A_828 : vector<232x128xf32>
    %add3A_841 = arith.addf %mul3A_839, %mul3A_840 : vector<232x128xf32>
    %mul3A_842 = arith.mulf %sub3A_831, %sub3A_831 : vector<232x128xf32>
    %add3A_843 = arith.addf %add3A_841, %mul3A_842 : vector<232x128xf32>
    %sqrt3A_844 = math.sqrt %add3A_843 : vector<232x128xf32>
    %mul3A_845 = arith.mulf %sub3A_826, %sub3A_826 : vector<232x128xf32>
    %mul3A_846 = arith.mulf %sub3A_829, %sub3A_829 : vector<232x128xf32>
    %add3A_847 = arith.addf %mul3A_845, %mul3A_846 : vector<232x128xf32>
    %mul3A_848 = arith.mulf %sub3A_832, %sub3A_832 : vector<232x128xf32>
    %add3A_849 = arith.addf %add3A_847, %mul3A_848 : vector<232x128xf32>
    %sqrt3A_850 = math.sqrt %add3A_849 : vector<232x128xf32>
    %broadcast_in_dim3A_851 = arith.constant 0 : i32
    %broadcast_in_dim3A_852 = vector.broadcast %broadcast_in_dim3A_851 : i32 to vector<232x128xi32>
    %mul3A_853 = arith.mulf %sub3A_824, %sub3A_824 : vector<232x128xf32>
    %mul3A_854 = arith.mulf %sub3A_827, %sub3A_827 : vector<232x128xf32>
    %add3A_855 = arith.addf %mul3A_853, %mul3A_854 : vector<232x128xf32>
    %mul3A_856 = arith.mulf %sub3A_830, %sub3A_830 : vector<232x128xf32>
    %add3A_857 = arith.addf %add3A_855, %mul3A_856 : vector<232x128xf32>
    %abs3A_858 = math.absf %add3A_857 : vector<232x128xf32>
    %mul3A_859 = arith.mulf %sqrt3A_838, %sqrt3A_838 : vector<232x128xf32>
    %add3A_860 = arith.constant 9.99999993E-9 : f32
    %add3A_861 = vector.broadcast %add3A_860 : f32 to vector<232x128xf32>
    %add3A_862 = arith.addf %mul3A_859, %add3A_861 : vector<232x128xf32>
    %mul3A_863 = arith.constant 0.866999983 : f32
    %mul3A_864 = vector.broadcast %mul3A_863 : f32 to vector<232x128xf32>
    %mul3A_865 = arith.mulf %mul3A_864, %add3A_862 : vector<232x128xf32>
    %gt3A_866 = arith.cmpf ogt, %abs3A_858, %mul3A_865 : vector<232x128xf32>
    %convert_element_type3A_867 = arith.extui %gt3A_866 : vector<232x128xi1> to vector<232x128xi32>
    %mul3A_868 = arith.constant 1 : i32
    %mul3A_869 = vector.broadcast %mul3A_868 : i32 to vector<232x128xi32>
    %mul3A_870 = arith.muli %convert_element_type3A_867, %mul3A_869 : vector<232x128xi32>
    %add3A_871 = arith.addi %broadcast_in_dim3A_852, %mul3A_870 : vector<232x128xi32>
    %mul3A_872 = arith.mulf %sub3A_824, %sub3A_825 : vector<232x128xf32>
    %mul3A_873 = arith.mulf %sub3A_827, %sub3A_828 : vector<232x128xf32>
    %add3A_874 = arith.addf %mul3A_872, %mul3A_873 : vector<232x128xf32>
    %mul3A_875 = arith.mulf %sub3A_830, %sub3A_831 : vector<232x128xf32>
    %add3A_876 = arith.addf %add3A_874, %mul3A_875 : vector<232x128xf32>
    %abs3A_877 = math.absf %add3A_876 : vector<232x128xf32>
    %mul3A_878 = arith.mulf %sqrt3A_838, %sqrt3A_844 : vector<232x128xf32>
    %add3A_879 = arith.constant 9.99999993E-9 : f32
    %add3A_880 = vector.broadcast %add3A_879 : f32 to vector<232x128xf32>
    %add3A_881 = arith.addf %mul3A_878, %add3A_880 : vector<232x128xf32>
    %mul3A_882 = arith.constant 0.866999983 : f32
    %mul3A_883 = vector.broadcast %mul3A_882 : f32 to vector<232x128xf32>
    %mul3A_884 = arith.mulf %mul3A_883, %add3A_881 : vector<232x128xf32>
    %gt3A_885 = arith.cmpf ogt, %abs3A_877, %mul3A_884 : vector<232x128xf32>
    %convert_element_type3A_886 = arith.extui %gt3A_885 : vector<232x128xi1> to vector<232x128xi32>
    %mul3A_887 = arith.constant 2 : i32
    %mul3A_888 = vector.broadcast %mul3A_887 : i32 to vector<232x128xi32>
    %mul3A_889 = arith.muli %convert_element_type3A_886, %mul3A_888 : vector<232x128xi32>
    %add3A_890 = arith.addi %add3A_871, %mul3A_889 : vector<232x128xi32>
    %mul3A_891 = arith.mulf %sub3A_824, %sub3A_826 : vector<232x128xf32>
    %mul3A_892 = arith.mulf %sub3A_827, %sub3A_829 : vector<232x128xf32>
    %add3A_893 = arith.addf %mul3A_891, %mul3A_892 : vector<232x128xf32>
    %mul3A_894 = arith.mulf %sub3A_830, %sub3A_832 : vector<232x128xf32>
    %add3A_895 = arith.addf %add3A_893, %mul3A_894 : vector<232x128xf32>
    %abs3A_896 = math.absf %add3A_895 : vector<232x128xf32>
    %mul3A_897 = arith.mulf %sqrt3A_838, %sqrt3A_850 : vector<232x128xf32>
    %add3A_898 = arith.constant 9.99999993E-9 : f32
    %add3A_899 = vector.broadcast %add3A_898 : f32 to vector<232x128xf32>
    %add3A_900 = arith.addf %mul3A_897, %add3A_899 : vector<232x128xf32>
    %mul3A_901 = arith.constant 0.866999983 : f32
    %mul3A_902 = vector.broadcast %mul3A_901 : f32 to vector<232x128xf32>
    %mul3A_903 = arith.mulf %mul3A_902, %add3A_900 : vector<232x128xf32>
    %gt3A_904 = arith.cmpf ogt, %abs3A_896, %mul3A_903 : vector<232x128xf32>
    %convert_element_type3A_905 = arith.extui %gt3A_904 : vector<232x128xi1> to vector<232x128xi32>
    %mul3A_906 = arith.constant 2 : i32
    %mul3A_907 = vector.broadcast %mul3A_906 : i32 to vector<232x128xi32>
    %mul3A_908 = arith.muli %convert_element_type3A_905, %mul3A_907 : vector<232x128xi32>
    %add3A_909 = arith.addi %add3A_890, %mul3A_908 : vector<232x128xi32>
    %mul3A_910 = arith.mulf %sub3A_825, %sub3A_825 : vector<232x128xf32>
    %mul3A_911 = arith.mulf %sub3A_828, %sub3A_828 : vector<232x128xf32>
    %add3A_912 = arith.addf %mul3A_910, %mul3A_911 : vector<232x128xf32>
    %mul3A_913 = arith.mulf %sub3A_831, %sub3A_831 : vector<232x128xf32>
    %add3A_914 = arith.addf %add3A_912, %mul3A_913 : vector<232x128xf32>
    %abs3A_915 = math.absf %add3A_914 : vector<232x128xf32>
    %mul3A_916 = arith.mulf %sqrt3A_844, %sqrt3A_844 : vector<232x128xf32>
    %add3A_917 = arith.constant 9.99999993E-9 : f32
    %add3A_918 = vector.broadcast %add3A_917 : f32 to vector<232x128xf32>
    %add3A_919 = arith.addf %mul3A_916, %add3A_918 : vector<232x128xf32>
    %mul3A_920 = arith.constant 0.866999983 : f32
    %mul3A_921 = vector.broadcast %mul3A_920 : f32 to vector<232x128xf32>
    %mul3A_922 = arith.mulf %mul3A_921, %add3A_919 : vector<232x128xf32>
    %gt3A_923 = arith.cmpf ogt, %abs3A_915, %mul3A_922 : vector<232x128xf32>
    %convert_element_type3A_924 = arith.extui %gt3A_923 : vector<232x128xi1> to vector<232x128xi32>
    %mul3A_925 = arith.constant 1 : i32
    %mul3A_926 = vector.broadcast %mul3A_925 : i32 to vector<232x128xi32>
    %mul3A_927 = arith.muli %convert_element_type3A_924, %mul3A_926 : vector<232x128xi32>
    %add3A_928 = arith.addi %add3A_909, %mul3A_927 : vector<232x128xi32>
    %mul3A_929 = arith.mulf %sub3A_825, %sub3A_826 : vector<232x128xf32>
    %mul3A_930 = arith.mulf %sub3A_828, %sub3A_829 : vector<232x128xf32>
    %add3A_931 = arith.addf %mul3A_929, %mul3A_930 : vector<232x128xf32>
    %mul3A_932 = arith.mulf %sub3A_831, %sub3A_832 : vector<232x128xf32>
    %add3A_933 = arith.addf %add3A_931, %mul3A_932 : vector<232x128xf32>
    %abs3A_934 = math.absf %add3A_933 : vector<232x128xf32>
    %mul3A_935 = arith.mulf %sqrt3A_844, %sqrt3A_850 : vector<232x128xf32>
    %add3A_936 = arith.constant 9.99999993E-9 : f32
    %add3A_937 = vector.broadcast %add3A_936 : f32 to vector<232x128xf32>
    %add3A_938 = arith.addf %mul3A_935, %add3A_937 : vector<232x128xf32>
    %mul3A_939 = arith.constant 0.866999983 : f32
    %mul3A_940 = vector.broadcast %mul3A_939 : f32 to vector<232x128xf32>
    %mul3A_941 = arith.mulf %mul3A_940, %add3A_938 : vector<232x128xf32>
    %gt3A_942 = arith.cmpf ogt, %abs3A_934, %mul3A_941 : vector<232x128xf32>
    %convert_element_type3A_943 = arith.extui %gt3A_942 : vector<232x128xi1> to vector<232x128xi32>
    %mul3A_944 = arith.constant 2 : i32
    %mul3A_945 = vector.broadcast %mul3A_944 : i32 to vector<232x128xi32>
    %mul3A_946 = arith.muli %convert_element_type3A_943, %mul3A_945 : vector<232x128xi32>
    %add3A_947 = arith.addi %add3A_928, %mul3A_946 : vector<232x128xi32>
    %mul3A_948 = arith.mulf %sub3A_826, %sub3A_826 : vector<232x128xf32>
    %mul3A_949 = arith.mulf %sub3A_829, %sub3A_829 : vector<232x128xf32>
    %add3A_950 = arith.addf %mul3A_948, %mul3A_949 : vector<232x128xf32>
    %mul3A_951 = arith.mulf %sub3A_832, %sub3A_832 : vector<232x128xf32>
    %add3A_952 = arith.addf %add3A_950, %mul3A_951 : vector<232x128xf32>
    %abs3A_953 = math.absf %add3A_952 : vector<232x128xf32>
    %mul3A_954 = arith.mulf %sqrt3A_850, %sqrt3A_850 : vector<232x128xf32>
    %add3A_955 = arith.constant 9.99999993E-9 : f32
    %add3A_956 = vector.broadcast %add3A_955 : f32 to vector<232x128xf32>
    %add3A_957 = arith.addf %mul3A_954, %add3A_956 : vector<232x128xf32>
    %mul3A_958 = arith.constant 0.866999983 : f32
    %mul3A_959 = vector.broadcast %mul3A_958 : f32 to vector<232x128xf32>
    %mul3A_960 = arith.mulf %mul3A_959, %add3A_957 : vector<232x128xf32>
    %gt3A_961 = arith.cmpf ogt, %abs3A_953, %mul3A_960 : vector<232x128xf32>
    %convert_element_type3A_962 = arith.extui %gt3A_961 : vector<232x128xi1> to vector<232x128xi32>
    %mul3A_963 = arith.constant 1 : i32
    %mul3A_964 = vector.broadcast %mul3A_963 : i32 to vector<232x128xi32>
    %mul3A_965 = arith.muli %convert_element_type3A_962, %mul3A_964 : vector<232x128xi32>
    %add3A_966 = arith.addi %add3A_947, %mul3A_965 : vector<232x128xi32>
    %gt3A_967 = arith.constant 3 : i32
    %gt3A_968 = vector.broadcast %gt3A_967 : i32 to vector<232x128xi32>
    %gt3A_969 = arith.cmpi sgt, %add3A_966, %gt3A_968 : vector<232x128xi32>
    %gt3A_970 = arith.constant 9.99999974E-5 : f32
    %gt3A_971 = vector.broadcast %gt3A_970 : f32 to vector<232x128xf32>
    %gt3A_972 = arith.cmpf ogt, %get3A_804, %gt3A_971 : vector<232x128xf32>
    %gt3A_973 = arith.constant 9.99999974E-5 : f32
    %gt3A_974 = vector.broadcast %gt3A_973 : f32 to vector<232x128xf32>
    %gt3A_975 = arith.cmpf ogt, %get3A_812, %gt3A_974 : vector<232x128xf32>
    %and3A_976 = arith.andi %gt3A_972, %gt3A_975 : vector<232x128xi1>
    %gt3A_977 = arith.constant 9.99999974E-5 : f32
    %gt3A_978 = vector.broadcast %gt3A_977 : f32 to vector<232x128xf32>
    %gt3A_979 = arith.cmpf ogt, %get3A_820, %gt3A_978 : vector<232x128xf32>
    %and3A_980 = arith.andi %and3A_976, %gt3A_979 : vector<232x128xi1>
    %abs3A_981 = math.absf %sub3A_824 : vector<232x128xf32>
    %lt3A_982 = arith.constant 5.000000e-03 : f32
    %lt3A_983 = vector.broadcast %lt3A_982 : f32 to vector<232x128xf32>
    %lt3A_984 = arith.cmpf olt, %abs3A_981, %lt3A_983 : vector<232x128xf32>
    %abs3A_985 = math.absf %sub3A_825 : vector<232x128xf32>
    %lt3A_986 = arith.constant 5.000000e-03 : f32
    %lt3A_987 = vector.broadcast %lt3A_986 : f32 to vector<232x128xf32>
    %lt3A_988 = arith.cmpf olt, %abs3A_985, %lt3A_987 : vector<232x128xf32>
    %or3A_989 = arith.ori %lt3A_984, %lt3A_988 : vector<232x128xi1>
    %abs3A_990 = math.absf %sub3A_826 : vector<232x128xf32>
    %lt3A_991 = arith.constant 5.000000e-03 : f32
    %lt3A_992 = vector.broadcast %lt3A_991 : f32 to vector<232x128xf32>
    %lt3A_993 = arith.cmpf olt, %abs3A_990, %lt3A_992 : vector<232x128xf32>
    %or3A_994 = arith.ori %or3A_989, %lt3A_993 : vector<232x128xi1>
    %abs3A_995 = math.absf %sub3A_827 : vector<232x128xf32>
    %lt3A_996 = arith.constant 5.000000e-03 : f32
    %lt3A_997 = vector.broadcast %lt3A_996 : f32 to vector<232x128xf32>
    %lt3A_998 = arith.cmpf olt, %abs3A_995, %lt3A_997 : vector<232x128xf32>
    %abs3A_999 = math.absf %sub3A_828 : vector<232x128xf32>
    %lt3A_1000 = arith.constant 5.000000e-03 : f32
    %lt3A_1001 = vector.broadcast %lt3A_1000 : f32 to vector<232x128xf32>
    %lt3A_1002 = arith.cmpf olt, %abs3A_999, %lt3A_1001 : vector<232x128xf32>
    %or3A_1003 = arith.ori %lt3A_998, %lt3A_1002 : vector<232x128xi1>
    %abs3A_1004 = math.absf %sub3A_829 : vector<232x128xf32>
    %lt3A_1005 = arith.constant 5.000000e-03 : f32
    %lt3A_1006 = vector.broadcast %lt3A_1005 : f32 to vector<232x128xf32>
    %lt3A_1007 = arith.cmpf olt, %abs3A_1004, %lt3A_1006 : vector<232x128xf32>
    %or3A_1008 = arith.ori %or3A_1003, %lt3A_1007 : vector<232x128xi1>
    %abs3A_1009 = math.absf %sub3A_830 : vector<232x128xf32>
    %lt3A_1010 = arith.constant 5.000000e-03 : f32
    %lt3A_1011 = vector.broadcast %lt3A_1010 : f32 to vector<232x128xf32>
    %lt3A_1012 = arith.cmpf olt, %abs3A_1009, %lt3A_1011 : vector<232x128xf32>
    %abs3A_1013 = math.absf %sub3A_831 : vector<232x128xf32>
    %lt3A_1014 = arith.constant 5.000000e-03 : f32
    %lt3A_1015 = vector.broadcast %lt3A_1014 : f32 to vector<232x128xf32>
    %lt3A_1016 = arith.cmpf olt, %abs3A_1013, %lt3A_1015 : vector<232x128xf32>
    %or3A_1017 = arith.ori %lt3A_1012, %lt3A_1016 : vector<232x128xi1>
    %abs3A_1018 = math.absf %sub3A_832 : vector<232x128xf32>
    %lt3A_1019 = arith.constant 5.000000e-03 : f32
    %lt3A_1020 = vector.broadcast %lt3A_1019 : f32 to vector<232x128xf32>
    %lt3A_1021 = arith.cmpf olt, %abs3A_1018, %lt3A_1020 : vector<232x128xf32>
    %or3A_1022 = arith.ori %or3A_1017, %lt3A_1021 : vector<232x128xi1>
    %and3A_1023 = arith.andi %or3A_994, %or3A_1008 : vector<232x128xi1>
    %and3A_1024 = arith.andi %and3A_1023, %or3A_1022 : vector<232x128xi1>
    %or3A_1025 = arith.ori %and3A_1024, %gt3A_969 : vector<232x128xi1>
    %not3A_1026 = arith.constant dense<true> : vector<232x128xi1>
    %not3A_1027 = arith.xori %or3A_1025, %not3A_1026 : vector<232x128xi1>
    %and3A_1028 = arith.andi %and3A_980, %not3A_1027 : vector<232x128xi1>
    %and3A_1029 = arith.andi %and3A_1028, %lt3A_4 : vector<232x128xi1>
    %get3A_1030 = arith.constant 6 : index
    %get3A_1031 = arith.constant 0 : index
    %get3A_1032 = arith.constant 0 : index
    %get3A_1033 = vector.load %arg0[%get3A_1030, %get3A_1031, %get3A_1032] : memref<8x704x128xf32, #tpu.memory_space<vmem>>, vector<1x232x128xf32>
    %get3A_1034 = vector.shape_cast %get3A_1033 : vector<1x232x128xf32> to vector<232x128xf32>
    %abs3A_1035 = math.absf %get3A_1034 : vector<232x128xf32>
    %mul3A_1036 = arith.mulf %get3A_8, %abs3A_1035 : vector<232x128xf32>
    %mul3A_1037 = arith.mulf %get3A_23, %abs3A_1035 : vector<232x128xf32>
    %get3A_1038 = arith.constant 6 : index
    %get3A_1039 = arith.constant 232 : index
    %get3A_1040 = arith.constant 0 : index
    %get3A_1041 = vector.load %arg0[%get3A_1038, %get3A_1039, %get3A_1040] : memref<8x704x128xf32, #tpu.memory_space<vmem>>, vector<1x232x128xf32>
    %get3A_1042 = vector.shape_cast %get3A_1041 : vector<1x232x128xf32> to vector<232x128xf32>
    %abs3A_1043 = math.absf %get3A_1042 : vector<232x128xf32>
    %mul3A_1044 = arith.mulf %get3A_13, %abs3A_1043 : vector<232x128xf32>
    %mul3A_1045 = arith.mulf %get3A_28, %abs3A_1043 : vector<232x128xf32>
    %get3A_1046 = arith.constant 6 : index
    %get3A_1047 = arith.constant 464 : index
    %get3A_1048 = arith.constant 0 : index
    %get3A_1049 = vector.load %arg0[%get3A_1046, %get3A_1047, %get3A_1048] : memref<8x704x128xf32, #tpu.memory_space<vmem>>, vector<1x232x128xf32>
    %get3A_1050 = vector.shape_cast %get3A_1049 : vector<1x232x128xf32> to vector<232x128xf32>
    %abs3A_1051 = math.absf %get3A_1050 : vector<232x128xf32>
    %mul3A_1052 = arith.mulf %get3A_18, %abs3A_1051 : vector<232x128xf32>
    %mul3A_1053 = arith.mulf %get3A_33, %abs3A_1051 : vector<232x128xf32>
    %eq3A_1054 = arith.constant 0.000000e+00 : f32
    %eq3A_1055 = vector.broadcast %eq3A_1054 : f32 to vector<232x128xf32>
    %eq3A_1056 = arith.cmpf oeq, %get3A_1034, %eq3A_1055 : vector<232x128xf32>
    %eq3A_1057 = arith.constant 0.000000e+00 : f32
    %eq3A_1058 = vector.broadcast %eq3A_1057 : f32 to vector<232x128xf32>
    %eq3A_1059 = arith.cmpf oeq, %get3A_1042, %eq3A_1058 : vector<232x128xf32>
    %eq3A_1060 = arith.constant 0.000000e+00 : f32
    %eq3A_1061 = vector.broadcast %eq3A_1060 : f32 to vector<232x128xf32>
    %eq3A_1062 = arith.cmpf oeq, %get3A_1050, %eq3A_1061 : vector<232x128xf32>
    %jit3A_1063 = arith.constant 9.99999974E-5 : f32
    %broadcast_in_dim3A_1064 = vector.broadcast %jit3A_1063 : f32 to vector<232x128xf32>
    %select_n3A_1065 = arith.select %eq3A_1056, %broadcast_in_dim3A_1064, %mul3A_1036 : vector<232x128xi1>, vector<232x128xf32>
    %jit3A_1066 = arith.constant 9.99999974E-5 : f32
    %broadcast_in_dim3A_1067 = vector.broadcast %jit3A_1066 : f32 to vector<232x128xf32>
    %select_n3A_1068 = arith.select %eq3A_1059, %broadcast_in_dim3A_1067, %mul3A_1037 : vector<232x128xi1>, vector<232x128xf32>
    %jit3A_1069 = arith.constant 9.99999974E-5 : f32
    %broadcast_in_dim3A_1070 = vector.broadcast %jit3A_1069 : f32 to vector<232x128xf32>
    %select_n3A_1071 = arith.select %eq3A_1062, %broadcast_in_dim3A_1070, %get3A_1034 : vector<232x128xi1>, vector<232x128xf32>
    %jit3A_1072 = arith.constant 9.99999974E-5 : f32
    %broadcast_in_dim3A_1073 = vector.broadcast %jit3A_1072 : f32 to vector<232x128xf32>
    %select_n3A_1074 = arith.select %eq3A_1056, %broadcast_in_dim3A_1073, %mul3A_1044 : vector<232x128xi1>, vector<232x128xf32>
    %jit3A_1075 = arith.constant 9.99999974E-5 : f32
    %broadcast_in_dim3A_1076 = vector.broadcast %jit3A_1075 : f32 to vector<232x128xf32>
    %select_n3A_1077 = arith.select %eq3A_1059, %broadcast_in_dim3A_1076, %mul3A_1045 : vector<232x128xi1>, vector<232x128xf32>
    %jit3A_1078 = arith.constant 9.99999974E-5 : f32
    %broadcast_in_dim3A_1079 = vector.broadcast %jit3A_1078 : f32 to vector<232x128xf32>
    %select_n3A_1080 = arith.select %eq3A_1062, %broadcast_in_dim3A_1079, %get3A_1042 : vector<232x128xi1>, vector<232x128xf32>
    %jit3A_1081 = arith.constant 9.99999974E-5 : f32
    %broadcast_in_dim3A_1082 = vector.broadcast %jit3A_1081 : f32 to vector<232x128xf32>
    %select_n3A_1083 = arith.select %eq3A_1056, %broadcast_in_dim3A_1082, %mul3A_1052 : vector<232x128xi1>, vector<232x128xf32>
    %jit3A_1084 = arith.constant 9.99999974E-5 : f32
    %broadcast_in_dim3A_1085 = vector.broadcast %jit3A_1084 : f32 to vector<232x128xf32>
    %select_n3A_1086 = arith.select %eq3A_1059, %broadcast_in_dim3A_1085, %mul3A_1053 : vector<232x128xi1>, vector<232x128xf32>
    %jit3A_1087 = arith.constant 9.99999974E-5 : f32
    %broadcast_in_dim3A_1088 = vector.broadcast %jit3A_1087 : f32 to vector<232x128xf32>
    %select_n3A_1089 = arith.select %eq3A_1062, %broadcast_in_dim3A_1088, %get3A_1050 : vector<232x128xi1>, vector<232x128xf32>
    %mul3A_1090 = arith.mulf %sub3A_827, %sub3A_831 : vector<232x128xf32>
    %mul3A_1091 = arith.mulf %sub3A_830, %sub3A_828 : vector<232x128xf32>
    %sub3A_1092 = arith.subf %mul3A_1090, %mul3A_1091 : vector<232x128xf32>
    %mul3A_1093 = arith.mulf %sub3A_830, %sub3A_825 : vector<232x128xf32>
    %mul3A_1094 = arith.mulf %sub3A_824, %sub3A_831 : vector<232x128xf32>
    %sub3A_1095 = arith.subf %mul3A_1093, %mul3A_1094 : vector<232x128xf32>
    %mul3A_1096 = arith.mulf %sub3A_824, %sub3A_828 : vector<232x128xf32>
    %mul3A_1097 = arith.mulf %sub3A_827, %sub3A_825 : vector<232x128xf32>
    %sub3A_1098 = arith.subf %mul3A_1096, %mul3A_1097 : vector<232x128xf32>
    %sub3A_1099 = arith.subf %select_n3A_1074, %select_n3A_1065 : vector<232x128xf32>
    %sub3A_1100 = arith.subf %select_n3A_1077, %select_n3A_1068 : vector<232x128xf32>
    %sub3A_1101 = arith.subf %select_n3A_1080, %select_n3A_1071 : vector<232x128xf32>
    %sub3A_1102 = arith.subf %select_n3A_1083, %select_n3A_1065 : vector<232x128xf32>
    %sub3A_1103 = arith.subf %select_n3A_1086, %select_n3A_1068 : vector<232x128xf32>
    %sub3A_1104 = arith.subf %select_n3A_1089, %select_n3A_1071 : vector<232x128xf32>
    %mul3A_1105 = arith.mulf %sub3A_1100, %sub3A_1104 : vector<232x128xf32>
    %mul3A_1106 = arith.mulf %sub3A_1101, %sub3A_1103 : vector<232x128xf32>
    %sub3A_1107 = arith.subf %mul3A_1105, %mul3A_1106 : vector<232x128xf32>
    %mul3A_1108 = arith.mulf %sub3A_1101, %sub3A_1102 : vector<232x128xf32>
    %mul3A_1109 = arith.mulf %sub3A_1099, %sub3A_1104 : vector<232x128xf32>
    %sub3A_1110 = arith.subf %mul3A_1108, %mul3A_1109 : vector<232x128xf32>
    %mul3A_1111 = arith.mulf %sub3A_1099, %sub3A_1103 : vector<232x128xf32>
    %mul3A_1112 = arith.mulf %sub3A_1100, %sub3A_1102 : vector<232x128xf32>
    %sub3A_1113 = arith.subf %mul3A_1111, %mul3A_1112 : vector<232x128xf32>
    %mul3A_1114 = arith.mulf %sub3A_1092, %sub3A_1092 : vector<232x128xf32>
    %mul3A_1115 = arith.mulf %sub3A_1095, %sub3A_1095 : vector<232x128xf32>
    %add3A_1116 = arith.addf %mul3A_1114, %mul3A_1115 : vector<232x128xf32>
    %mul3A_1117 = arith.mulf %sub3A_1098, %sub3A_1098 : vector<232x128xf32>
    %add3A_1118 = arith.addf %add3A_1116, %mul3A_1117 : vector<232x128xf32>
    %sqrt3A_1119 = math.sqrt %add3A_1118 : vector<232x128xf32>
    %mul3A_1120 = arith.mulf %sub3A_1107, %sub3A_1107 : vector<232x128xf32>
    %mul3A_1121 = arith.mulf %sub3A_1110, %sub3A_1110 : vector<232x128xf32>
    %add3A_1122 = arith.addf %mul3A_1120, %mul3A_1121 : vector<232x128xf32>
    %mul3A_1123 = arith.mulf %sub3A_1113, %sub3A_1113 : vector<232x128xf32>
    %add3A_1124 = arith.addf %add3A_1122, %mul3A_1123 : vector<232x128xf32>
    %sqrt3A_1125 = math.sqrt %add3A_1124 : vector<232x128xf32>
    %eq3A_1126 = arith.constant 0.000000e+00 : f32
    %eq3A_1127 = vector.broadcast %eq3A_1126 : f32 to vector<232x128xf32>
    %eq3A_1128 = arith.cmpf oeq, %sqrt3A_1119, %eq3A_1127 : vector<232x128xf32>
    %convert_element_type3A_1129 = arith.extui %eq3A_1128 : vector<232x128xi1> to vector<232x128xi32>
    %convert_element_type3A_1130 = arith.sitofp %convert_element_type3A_1129 : vector<232x128xi32> to vector<232x128xf32>
    %mul3A_1131 = arith.constant 0.00999999977 : f32
    %mul3A_1132 = vector.broadcast %mul3A_1131 : f32 to vector<232x128xf32>
    %mul3A_1133 = arith.mulf %convert_element_type3A_1130, %mul3A_1132 : vector<232x128xf32>
    %add3A_1134 = arith.addf %sqrt3A_1119, %mul3A_1133 : vector<232x128xf32>
    %eq3A_1135 = arith.constant 0.000000e+00 : f32
    %eq3A_1136 = vector.broadcast %eq3A_1135 : f32 to vector<232x128xf32>
    %eq3A_1137 = arith.cmpf oeq, %sqrt3A_1125, %eq3A_1136 : vector<232x128xf32>
    %convert_element_type3A_1138 = arith.extui %eq3A_1137 : vector<232x128xi1> to vector<232x128xi32>
    %convert_element_type3A_1139 = arith.sitofp %convert_element_type3A_1138 : vector<232x128xi32> to vector<232x128xf32>
    %mul3A_1140 = arith.constant 0.00999999977 : f32
    %mul3A_1141 = vector.broadcast %mul3A_1140 : f32 to vector<232x128xf32>
    %mul3A_1142 = arith.mulf %convert_element_type3A_1139, %mul3A_1141 : vector<232x128xf32>
    %add3A_1143 = arith.addf %sqrt3A_1125, %mul3A_1142 : vector<232x128xf32>
    %div3A_1144 = arith.constant 1.000000e+00 : f32
    %div3A_1145 = vector.broadcast %div3A_1144 : f32 to vector<232x128xf32>
    %div3A_1146 = arith.divf %div3A_1145, %add3A_1134 : vector<232x128xf32>
    %div3A_1147 = arith.constant 1.000000e+00 : f32
    %div3A_1148 = vector.broadcast %div3A_1147 : f32 to vector<232x128xf32>
    %div3A_1149 = arith.divf %div3A_1148, %add3A_1143 : vector<232x128xf32>
    %mul3A_1150 = arith.mulf %sub3A_1092, %div3A_1146 : vector<232x128xf32>
    %mul3A_1151 = arith.mulf %sub3A_1107, %div3A_1149 : vector<232x128xf32>
    %sub3A_1152 = arith.subf %mul3A_1150, %mul3A_1151 : vector<232x128xf32>
    %abs3A_1153 = math.absf %sub3A_1152 : vector<232x128xf32>
    %mul3A_1154 = arith.mulf %sub3A_1095, %div3A_1146 : vector<232x128xf32>
    %mul3A_1155 = arith.mulf %sub3A_1110, %div3A_1149 : vector<232x128xf32>
    %sub3A_1156 = arith.subf %mul3A_1154, %mul3A_1155 : vector<232x128xf32>
    %abs3A_1157 = math.absf %sub3A_1156 : vector<232x128xf32>
    %add3A_1158 = arith.addf %abs3A_1153, %abs3A_1157 : vector<232x128xf32>
    %mul3A_1159 = arith.mulf %sub3A_1098, %div3A_1146 : vector<232x128xf32>
    %mul3A_1160 = arith.mulf %sub3A_1113, %div3A_1149 : vector<232x128xf32>
    %sub3A_1161 = arith.subf %mul3A_1159, %mul3A_1160 : vector<232x128xf32>
    %abs3A_1162 = math.absf %sub3A_1161 : vector<232x128xf32>
    %add3A_1163 = arith.addf %add3A_1158, %abs3A_1162 : vector<232x128xf32>
    %bitcast_convert_type3A_1164 = tpu.bitcast %add3A_1163 : vector<232x128xf32> -> vector<232x128xi32>
    %jit3A_1165 = arith.constant 2147483647 : i32
    %broadcast_in_dim3A_1166 = vector.broadcast %jit3A_1165 : i32 to vector<232x128xi32>
    %select_n3A_1167 = arith.select %and3A_1029, %bitcast_convert_type3A_1164, %broadcast_in_dim3A_1166 : vector<232x128xi1>, vector<232x128xi32>
    %swap3A_1168 = arith.constant 2 : index
    %swap3A_1169 = arith.constant 0 : index
    %swap3A_1170 = arith.constant 0 : index
    %swap3A_1171 = vector.load %arg4[%swap3A_1168, %swap3A_1169, %swap3A_1170] : memref<4x232x128xi32, #tpu.memory_space<vmem>>, vector<1x232x128xi32>
    %swap3A_1172 = vector.shape_cast %swap3A_1171 : vector<1x232x128xi32> to vector<232x128xi32>
    %swap3A_1173 = vector.shape_cast %select_n3A_1167 : vector<232x128xi32> to vector<1x232x128xi32>
    tpu.vector_store %arg4[%swap3A_1168, %swap3A_1169, %swap3A_1170], %swap3A_1173 {strides = array<i32>} : memref<4x232x128xi32, #tpu.memory_space<vmem>>, vector<1x232x128xi32>,
    %convert_element_type3A_1174 = arith.extui %and3A_1029 : vector<232x128xi1> to vector<232x128xi32>
    %reduce_sum3A_1175 = vector.shape_cast %convert_element_type3A_1174 : vector<232x128xi32> to vector<1x232x128xi32>
    %reduce_sum3A_1176 = arith.constant dense<0> : vector<1xi32>
    %reduce_sum3A_1177 = vector.multi_reduction <add>, %reduce_sum3A_1175, %reduce_sum3A_1176 [1, 2] : vector<1x232x128xi32> to vector<1xi32>
    %reduce_sum3A_1178 = vector.shape_cast %reduce_sum3A_1177 : vector<1xi32> to vector<1x1x1xi32>
    %reduce_sum3A_1179 = vector.extract %reduce_sum3A_1178[0, 0, 0] : i32 from vector<1x1x1xi32>
    %add3A_1180 = arith.addi %add3A_790, %reduce_sum3A_1179 : i32
    %jit3A_1181 = arith.constant 0.000000e+00 : f32
    %broadcast_in_dim3A_1182 = vector.broadcast %jit3A_1181 : f32 to vector<232x128xf32>
    %select_n3A_1183 = arith.select %and3A_1029, %add3A_1163, %broadcast_in_dim3A_1182 : vector<232x128xi1>, vector<232x128xf32>
    %reduce_sum3A_1184 = vector.shape_cast %select_n3A_1183 : vector<232x128xf32> to vector<1x232x128xf32>
    %reduce_sum3A_1185 = arith.constant dense<0.000000e+00> : vector<1xf32>
    %reduce_sum3A_1186 = vector.multi_reduction <add>, %reduce_sum3A_1184, %reduce_sum3A_1185 [1, 2] : vector<1x232x128xf32> to vector<1xf32>
    %reduce_sum3A_1187 = vector.shape_cast %reduce_sum3A_1186 : vector<1xf32> to vector<1x1x1xf32>
    %reduce_sum3A_1188 = vector.extract %reduce_sum3A_1187[0, 0, 0] : f32 from vector<1x1x1xf32>
    %add3A_1189 = arith.addf %add3A_799, %reduce_sum3A_1188 : f32
    %get3A_1190 = arith.constant 3 : index
    %get3A_1191 = arith.constant 0 : index
    %get3A_1192 = arith.constant 0 : index
    %get3A_1193 = vector.load %arg0[%get3A_1190, %get3A_1191, %get3A_1192] : memref<8x704x128xf32, #tpu.memory_space<vmem>>, vector<1x232x128xf32>
    %get3A_1194 = vector.shape_cast %get3A_1193 : vector<1x232x128xf32> to vector<232x128xf32>
    %abs3A_1195 = math.absf %get3A_1194 : vector<232x128xf32>
    %mul3A_1196 = arith.mulf %get3A_8, %abs3A_1195 : vector<232x128xf32>
    %mul3A_1197 = arith.mulf %get3A_23, %abs3A_1195 : vector<232x128xf32>
    %get3A_1198 = arith.constant 3 : index
    %get3A_1199 = arith.constant 232 : index
    %get3A_1200 = arith.constant 0 : index
    %get3A_1201 = vector.load %arg0[%get3A_1198, %get3A_1199, %get3A_1200] : memref<8x704x128xf32, #tpu.memory_space<vmem>>, vector<1x232x128xf32>
    %get3A_1202 = vector.shape_cast %get3A_1201 : vector<1x232x128xf32> to vector<232x128xf32>
    %abs3A_1203 = math.absf %get3A_1202 : vector<232x128xf32>
    %mul3A_1204 = arith.mulf %get3A_13, %abs3A_1203 : vector<232x128xf32>
    %mul3A_1205 = arith.mulf %get3A_28, %abs3A_1203 : vector<232x128xf32>
    %get3A_1206 = arith.constant 3 : index
    %get3A_1207 = arith.constant 464 : index
    %get3A_1208 = arith.constant 0 : index
    %get3A_1209 = vector.load %arg0[%get3A_1206, %get3A_1207, %get3A_1208] : memref<8x704x128xf32, #tpu.memory_space<vmem>>, vector<1x232x128xf32>
    %get3A_1210 = vector.shape_cast %get3A_1209 : vector<1x232x128xf32> to vector<232x128xf32>
    %abs3A_1211 = math.absf %get3A_1210 : vector<232x128xf32>
    %mul3A_1212 = arith.mulf %get3A_18, %abs3A_1211 : vector<232x128xf32>
    %mul3A_1213 = arith.mulf %get3A_33, %abs3A_1211 : vector<232x128xf32>
    %sub3A_1214 = arith.subf %mul3A_1204, %mul3A_1196 : vector<232x128xf32>
    %sub3A_1215 = arith.subf %mul3A_1212, %mul3A_1196 : vector<232x128xf32>
    %sub3A_1216 = arith.subf %mul3A_1212, %mul3A_1204 : vector<232x128xf32>
    %sub3A_1217 = arith.subf %mul3A_1205, %mul3A_1197 : vector<232x128xf32>
    %sub3A_1218 = arith.subf %mul3A_1213, %mul3A_1197 : vector<232x128xf32>
    %sub3A_1219 = arith.subf %mul3A_1213, %mul3A_1205 : vector<232x128xf32>
    %sub3A_1220 = arith.subf %get3A_1202, %get3A_1194 : vector<232x128xf32>
    %sub3A_1221 = arith.subf %get3A_1210, %get3A_1194 : vector<232x128xf32>
    %sub3A_1222 = arith.subf %get3A_1210, %get3A_1202 : vector<232x128xf32>
    %mul3A_1223 = arith.mulf %sub3A_1214, %sub3A_1214 : vector<232x128xf32>
    %mul3A_1224 = arith.mulf %sub3A_1217, %sub3A_1217 : vector<232x128xf32>
    %add3A_1225 = arith.addf %mul3A_1223, %mul3A_1224 : vector<232x128xf32>
    %mul3A_1226 = arith.mulf %sub3A_1220, %sub3A_1220 : vector<232x128xf32>
    %add3A_1227 = arith.addf %add3A_1225, %mul3A_1226 : vector<232x128xf32>
    %sqrt3A_1228 = math.sqrt %add3A_1227 : vector<232x128xf32>
    %mul3A_1229 = arith.mulf %sub3A_1215, %sub3A_1215 : vector<232x128xf32>
    %mul3A_1230 = arith.mulf %sub3A_1218, %sub3A_1218 : vector<232x128xf32>
    %add3A_1231 = arith.addf %mul3A_1229, %mul3A_1230 : vector<232x128xf32>
    %mul3A_1232 = arith.mulf %sub3A_1221, %sub3A_1221 : vector<232x128xf32>
    %add3A_1233 = arith.addf %add3A_1231, %mul3A_1232 : vector<232x128xf32>
    %sqrt3A_1234 = math.sqrt %add3A_1233 : vector<232x128xf32>
    %mul3A_1235 = arith.mulf %sub3A_1216, %sub3A_1216 : vector<232x128xf32>
    %mul3A_1236 = arith.mulf %sub3A_1219, %sub3A_1219 : vector<232x128xf32>
    %add3A_1237 = arith.addf %mul3A_1235, %mul3A_1236 : vector<232x128xf32>
    %mul3A_1238 = arith.mulf %sub3A_1222, %sub3A_1222 : vector<232x128xf32>
    %add3A_1239 = arith.addf %add3A_1237, %mul3A_1238 : vector<232x128xf32>
    %sqrt3A_1240 = math.sqrt %add3A_1239 : vector<232x128xf32>
    %broadcast_in_dim3A_1241 = arith.constant 0 : i32
    %broadcast_in_dim3A_1242 = vector.broadcast %broadcast_in_dim3A_1241 : i32 to vector<232x128xi32>
    %mul3A_1243 = arith.mulf %sub3A_1214, %sub3A_1214 : vector<232x128xf32>
    %mul3A_1244 = arith.mulf %sub3A_1217, %sub3A_1217 : vector<232x128xf32>
    %add3A_1245 = arith.addf %mul3A_1243, %mul3A_1244 : vector<232x128xf32>
    %mul3A_1246 = arith.mulf %sub3A_1220, %sub3A_1220 : vector<232x128xf32>
    %add3A_1247 = arith.addf %add3A_1245, %mul3A_1246 : vector<232x128xf32>
    %abs3A_1248 = math.absf %add3A_1247 : vector<232x128xf32>
    %mul3A_1249 = arith.mulf %sqrt3A_1228, %sqrt3A_1228 : vector<232x128xf32>
    %add3A_1250 = arith.constant 9.99999993E-9 : f32
    %add3A_1251 = vector.broadcast %add3A_1250 : f32 to vector<232x128xf32>
    %add3A_1252 = arith.addf %mul3A_1249, %add3A_1251 : vector<232x128xf32>
    %mul3A_1253 = arith.constant 0.866999983 : f32
    %mul3A_1254 = vector.broadcast %mul3A_1253 : f32 to vector<232x128xf32>
    %mul3A_1255 = arith.mulf %mul3A_1254, %add3A_1252 : vector<232x128xf32>
    %gt3A_1256 = arith.cmpf ogt, %abs3A_1248, %mul3A_1255 : vector<232x128xf32>
    %convert_element_type3A_1257 = arith.extui %gt3A_1256 : vector<232x128xi1> to vector<232x128xi32>
    %mul3A_1258 = arith.constant 1 : i32
    %mul3A_1259 = vector.broadcast %mul3A_1258 : i32 to vector<232x128xi32>
    %mul3A_1260 = arith.muli %convert_element_type3A_1257, %mul3A_1259 : vector<232x128xi32>
    %add3A_1261 = arith.addi %broadcast_in_dim3A_1242, %mul3A_1260 : vector<232x128xi32>
    %mul3A_1262 = arith.mulf %sub3A_1214, %sub3A_1215 : vector<232x128xf32>
    %mul3A_1263 = arith.mulf %sub3A_1217, %sub3A_1218 : vector<232x128xf32>
    %add3A_1264 = arith.addf %mul3A_1262, %mul3A_1263 : vector<232x128xf32>
    %mul3A_1265 = arith.mulf %sub3A_1220, %sub3A_1221 : vector<232x128xf32>
    %add3A_1266 = arith.addf %add3A_1264, %mul3A_1265 : vector<232x128xf32>
    %abs3A_1267 = math.absf %add3A_1266 : vector<232x128xf32>
    %mul3A_1268 = arith.mulf %sqrt3A_1228, %sqrt3A_1234 : vector<232x128xf32>
    %add3A_1269 = arith.constant 9.99999993E-9 : f32
    %add3A_1270 = vector.broadcast %add3A_1269 : f32 to vector<232x128xf32>
    %add3A_1271 = arith.addf %mul3A_1268, %add3A_1270 : vector<232x128xf32>
    %mul3A_1272 = arith.constant 0.866999983 : f32
    %mul3A_1273 = vector.broadcast %mul3A_1272 : f32 to vector<232x128xf32>
    %mul3A_1274 = arith.mulf %mul3A_1273, %add3A_1271 : vector<232x128xf32>
    %gt3A_1275 = arith.cmpf ogt, %abs3A_1267, %mul3A_1274 : vector<232x128xf32>
    %convert_element_type3A_1276 = arith.extui %gt3A_1275 : vector<232x128xi1> to vector<232x128xi32>
    %mul3A_1277 = arith.constant 2 : i32
    %mul3A_1278 = vector.broadcast %mul3A_1277 : i32 to vector<232x128xi32>
    %mul3A_1279 = arith.muli %convert_element_type3A_1276, %mul3A_1278 : vector<232x128xi32>
    %add3A_1280 = arith.addi %add3A_1261, %mul3A_1279 : vector<232x128xi32>
    %mul3A_1281 = arith.mulf %sub3A_1214, %sub3A_1216 : vector<232x128xf32>
    %mul3A_1282 = arith.mulf %sub3A_1217, %sub3A_1219 : vector<232x128xf32>
    %add3A_1283 = arith.addf %mul3A_1281, %mul3A_1282 : vector<232x128xf32>
    %mul3A_1284 = arith.mulf %sub3A_1220, %sub3A_1222 : vector<232x128xf32>
    %add3A_1285 = arith.addf %add3A_1283, %mul3A_1284 : vector<232x128xf32>
    %abs3A_1286 = math.absf %add3A_1285 : vector<232x128xf32>
    %mul3A_1287 = arith.mulf %sqrt3A_1228, %sqrt3A_1240 : vector<232x128xf32>
    %add3A_1288 = arith.constant 9.99999993E-9 : f32
    %add3A_1289 = vector.broadcast %add3A_1288 : f32 to vector<232x128xf32>
    %add3A_1290 = arith.addf %mul3A_1287, %add3A_1289 : vector<232x128xf32>
    %mul3A_1291 = arith.constant 0.866999983 : f32
    %mul3A_1292 = vector.broadcast %mul3A_1291 : f32 to vector<232x128xf32>
    %mul3A_1293 = arith.mulf %mul3A_1292, %add3A_1290 : vector<232x128xf32>
    %gt3A_1294 = arith.cmpf ogt, %abs3A_1286, %mul3A_1293 : vector<232x128xf32>
    %convert_element_type3A_1295 = arith.extui %gt3A_1294 : vector<232x128xi1> to vector<232x128xi32>
    %mul3A_1296 = arith.constant 2 : i32
    %mul3A_1297 = vector.broadcast %mul3A_1296 : i32 to vector<232x128xi32>
    %mul3A_1298 = arith.muli %convert_element_type3A_1295, %mul3A_1297 : vector<232x128xi32>
    %add3A_1299 = arith.addi %add3A_1280, %mul3A_1298 : vector<232x128xi32>
    %mul3A_1300 = arith.mulf %sub3A_1215, %sub3A_1215 : vector<232x128xf32>
    %mul3A_1301 = arith.mulf %sub3A_1218, %sub3A_1218 : vector<232x128xf32>
    %add3A_1302 = arith.addf %mul3A_1300, %mul3A_1301 : vector<232x128xf32>
    %mul3A_1303 = arith.mulf %sub3A_1221, %sub3A_1221 : vector<232x128xf32>
    %add3A_1304 = arith.addf %add3A_1302, %mul3A_1303 : vector<232x128xf32>
    %abs3A_1305 = math.absf %add3A_1304 : vector<232x128xf32>
    %mul3A_1306 = arith.mulf %sqrt3A_1234, %sqrt3A_1234 : vector<232x128xf32>
    %add3A_1307 = arith.constant 9.99999993E-9 : f32
    %add3A_1308 = vector.broadcast %add3A_1307 : f32 to vector<232x128xf32>
    %add3A_1309 = arith.addf %mul3A_1306, %add3A_1308 : vector<232x128xf32>
    %mul3A_1310 = arith.constant 0.866999983 : f32
    %mul3A_1311 = vector.broadcast %mul3A_1310 : f32 to vector<232x128xf32>
    %mul3A_1312 = arith.mulf %mul3A_1311, %add3A_1309 : vector<232x128xf32>
    %gt3A_1313 = arith.cmpf ogt, %abs3A_1305, %mul3A_1312 : vector<232x128xf32>
    %convert_element_type3A_1314 = arith.extui %gt3A_1313 : vector<232x128xi1> to vector<232x128xi32>
    %mul3A_1315 = arith.constant 1 : i32
    %mul3A_1316 = vector.broadcast %mul3A_1315 : i32 to vector<232x128xi32>
    %mul3A_1317 = arith.muli %convert_element_type3A_1314, %mul3A_1316 : vector<232x128xi32>
    %add3A_1318 = arith.addi %add3A_1299, %mul3A_1317 : vector<232x128xi32>
    %mul3A_1319 = arith.mulf %sub3A_1215, %sub3A_1216 : vector<232x128xf32>
    %mul3A_1320 = arith.mulf %sub3A_1218, %sub3A_1219 : vector<232x128xf32>
    %add3A_1321 = arith.addf %mul3A_1319, %mul3A_1320 : vector<232x128xf32>
    %mul3A_1322 = arith.mulf %sub3A_1221, %sub3A_1222 : vector<232x128xf32>
    %add3A_1323 = arith.addf %add3A_1321, %mul3A_1322 : vector<232x128xf32>
    %abs3A_1324 = math.absf %add3A_1323 : vector<232x128xf32>
    %mul3A_1325 = arith.mulf %sqrt3A_1234, %sqrt3A_1240 : vector<232x128xf32>
    %add3A_1326 = arith.constant 9.99999993E-9 : f32
    %add3A_1327 = vector.broadcast %add3A_1326 : f32 to vector<232x128xf32>
    %add3A_1328 = arith.addf %mul3A_1325, %add3A_1327 : vector<232x128xf32>
    %mul3A_1329 = arith.constant 0.866999983 : f32
    %mul3A_1330 = vector.broadcast %mul3A_1329 : f32 to vector<232x128xf32>
    %mul3A_1331 = arith.mulf %mul3A_1330, %add3A_1328 : vector<232x128xf32>
    %gt3A_1332 = arith.cmpf ogt, %abs3A_1324, %mul3A_1331 : vector<232x128xf32>
    %convert_element_type3A_1333 = arith.extui %gt3A_1332 : vector<232x128xi1> to vector<232x128xi32>
    %mul3A_1334 = arith.constant 2 : i32
    %mul3A_1335 = vector.broadcast %mul3A_1334 : i32 to vector<232x128xi32>
    %mul3A_1336 = arith.muli %convert_element_type3A_1333, %mul3A_1335 : vector<232x128xi32>
    %add3A_1337 = arith.addi %add3A_1318, %mul3A_1336 : vector<232x128xi32>
    %mul3A_1338 = arith.mulf %sub3A_1216, %sub3A_1216 : vector<232x128xf32>
    %mul3A_1339 = arith.mulf %sub3A_1219, %sub3A_1219 : vector<232x128xf32>
    %add3A_1340 = arith.addf %mul3A_1338, %mul3A_1339 : vector<232x128xf32>
    %mul3A_1341 = arith.mulf %sub3A_1222, %sub3A_1222 : vector<232x128xf32>
    %add3A_1342 = arith.addf %add3A_1340, %mul3A_1341 : vector<232x128xf32>
    %abs3A_1343 = math.absf %add3A_1342 : vector<232x128xf32>
    %mul3A_1344 = arith.mulf %sqrt3A_1240, %sqrt3A_1240 : vector<232x128xf32>
    %add3A_1345 = arith.constant 9.99999993E-9 : f32
    %add3A_1346 = vector.broadcast %add3A_1345 : f32 to vector<232x128xf32>
    %add3A_1347 = arith.addf %mul3A_1344, %add3A_1346 : vector<232x128xf32>
    %mul3A_1348 = arith.constant 0.866999983 : f32
    %mul3A_1349 = vector.broadcast %mul3A_1348 : f32 to vector<232x128xf32>
    %mul3A_1350 = arith.mulf %mul3A_1349, %add3A_1347 : vector<232x128xf32>
    %gt3A_1351 = arith.cmpf ogt, %abs3A_1343, %mul3A_1350 : vector<232x128xf32>
    %convert_element_type3A_1352 = arith.extui %gt3A_1351 : vector<232x128xi1> to vector<232x128xi32>
    %mul3A_1353 = arith.constant 1 : i32
    %mul3A_1354 = vector.broadcast %mul3A_1353 : i32 to vector<232x128xi32>
    %mul3A_1355 = arith.muli %convert_element_type3A_1352, %mul3A_1354 : vector<232x128xi32>
    %add3A_1356 = arith.addi %add3A_1337, %mul3A_1355 : vector<232x128xi32>
    %gt3A_1357 = arith.constant 3 : i32
    %gt3A_1358 = vector.broadcast %gt3A_1357 : i32 to vector<232x128xi32>
    %gt3A_1359 = arith.cmpi sgt, %add3A_1356, %gt3A_1358 : vector<232x128xi32>
    %gt3A_1360 = arith.constant 9.99999974E-5 : f32
    %gt3A_1361 = vector.broadcast %gt3A_1360 : f32 to vector<232x128xf32>
    %gt3A_1362 = arith.cmpf ogt, %get3A_1194, %gt3A_1361 : vector<232x128xf32>
    %gt3A_1363 = arith.constant 9.99999974E-5 : f32
    %gt3A_1364 = vector.broadcast %gt3A_1363 : f32 to vector<232x128xf32>
    %gt3A_1365 = arith.cmpf ogt, %get3A_1202, %gt3A_1364 : vector<232x128xf32>
    %and3A_1366 = arith.andi %gt3A_1362, %gt3A_1365 : vector<232x128xi1>
    %gt3A_1367 = arith.constant 9.99999974E-5 : f32
    %gt3A_1368 = vector.broadcast %gt3A_1367 : f32 to vector<232x128xf32>
    %gt3A_1369 = arith.cmpf ogt, %get3A_1210, %gt3A_1368 : vector<232x128xf32>
    %and3A_1370 = arith.andi %and3A_1366, %gt3A_1369 : vector<232x128xi1>
    %abs3A_1371 = math.absf %sub3A_1214 : vector<232x128xf32>
    %lt3A_1372 = arith.constant 5.000000e-03 : f32
    %lt3A_1373 = vector.broadcast %lt3A_1372 : f32 to vector<232x128xf32>
    %lt3A_1374 = arith.cmpf olt, %abs3A_1371, %lt3A_1373 : vector<232x128xf32>
    %abs3A_1375 = math.absf %sub3A_1215 : vector<232x128xf32>
    %lt3A_1376 = arith.constant 5.000000e-03 : f32
    %lt3A_1377 = vector.broadcast %lt3A_1376 : f32 to vector<232x128xf32>
    %lt3A_1378 = arith.cmpf olt, %abs3A_1375, %lt3A_1377 : vector<232x128xf32>
    %or3A_1379 = arith.ori %lt3A_1374, %lt3A_1378 : vector<232x128xi1>
    %abs3A_1380 = math.absf %sub3A_1216 : vector<232x128xf32>
    %lt3A_1381 = arith.constant 5.000000e-03 : f32
    %lt3A_1382 = vector.broadcast %lt3A_1381 : f32 to vector<232x128xf32>
    %lt3A_1383 = arith.cmpf olt, %abs3A_1380, %lt3A_1382 : vector<232x128xf32>
    %or3A_1384 = arith.ori %or3A_1379, %lt3A_1383 : vector<232x128xi1>
    %abs3A_1385 = math.absf %sub3A_1217 : vector<232x128xf32>
    %lt3A_1386 = arith.constant 5.000000e-03 : f32
    %lt3A_1387 = vector.broadcast %lt3A_1386 : f32 to vector<232x128xf32>
    %lt3A_1388 = arith.cmpf olt, %abs3A_1385, %lt3A_1387 : vector<232x128xf32>
    %abs3A_1389 = math.absf %sub3A_1218 : vector<232x128xf32>
    %lt3A_1390 = arith.constant 5.000000e-03 : f32
    %lt3A_1391 = vector.broadcast %lt3A_1390 : f32 to vector<232x128xf32>
    %lt3A_1392 = arith.cmpf olt, %abs3A_1389, %lt3A_1391 : vector<232x128xf32>
    %or3A_1393 = arith.ori %lt3A_1388, %lt3A_1392 : vector<232x128xi1>
    %abs3A_1394 = math.absf %sub3A_1219 : vector<232x128xf32>
    %lt3A_1395 = arith.constant 5.000000e-03 : f32
    %lt3A_1396 = vector.broadcast %lt3A_1395 : f32 to vector<232x128xf32>
    %lt3A_1397 = arith.cmpf olt, %abs3A_1394, %lt3A_1396 : vector<232x128xf32>
    %or3A_1398 = arith.ori %or3A_1393, %lt3A_1397 : vector<232x128xi1>
    %abs3A_1399 = math.absf %sub3A_1220 : vector<232x128xf32>
    %lt3A_1400 = arith.constant 5.000000e-03 : f32
    %lt3A_1401 = vector.broadcast %lt3A_1400 : f32 to vector<232x128xf32>
    %lt3A_1402 = arith.cmpf olt, %abs3A_1399, %lt3A_1401 : vector<232x128xf32>
    %abs3A_1403 = math.absf %sub3A_1221 : vector<232x128xf32>
    %lt3A_1404 = arith.constant 5.000000e-03 : f32
    %lt3A_1405 = vector.broadcast %lt3A_1404 : f32 to vector<232x128xf32>
    %lt3A_1406 = arith.cmpf olt, %abs3A_1403, %lt3A_1405 : vector<232x128xf32>
    %or3A_1407 = arith.ori %lt3A_1402, %lt3A_1406 : vector<232x128xi1>
    %abs3A_1408 = math.absf %sub3A_1222 : vector<232x128xf32>
    %lt3A_1409 = arith.constant 5.000000e-03 : f32
    %lt3A_1410 = vector.broadcast %lt3A_1409 : f32 to vector<232x128xf32>
    %lt3A_1411 = arith.cmpf olt, %abs3A_1408, %lt3A_1410 : vector<232x128xf32>
    %or3A_1412 = arith.ori %or3A_1407, %lt3A_1411 : vector<232x128xi1>
    %and3A_1413 = arith.andi %or3A_1384, %or3A_1398 : vector<232x128xi1>
    %and3A_1414 = arith.andi %and3A_1413, %or3A_1412 : vector<232x128xi1>
    %or3A_1415 = arith.ori %and3A_1414, %gt3A_1359 : vector<232x128xi1>
    %not3A_1416 = arith.constant dense<true> : vector<232x128xi1>
    %not3A_1417 = arith.xori %or3A_1415, %not3A_1416 : vector<232x128xi1>
    %and3A_1418 = arith.andi %and3A_1370, %not3A_1417 : vector<232x128xi1>
    %and3A_1419 = arith.andi %and3A_1418, %lt3A_4 : vector<232x128xi1>
    %get3A_1420 = arith.constant 7 : index
    %get3A_1421 = arith.constant 0 : index
    %get3A_1422 = arith.constant 0 : index
    %get3A_1423 = vector.load %arg0[%get3A_1420, %get3A_1421, %get3A_1422] : memref<8x704x128xf32, #tpu.memory_space<vmem>>, vector<1x232x128xf32>
    %get3A_1424 = vector.shape_cast %get3A_1423 : vector<1x232x128xf32> to vector<232x128xf32>
    %abs3A_1425 = math.absf %get3A_1424 : vector<232x128xf32>
    %mul3A_1426 = arith.mulf %get3A_8, %abs3A_1425 : vector<232x128xf32>
    %mul3A_1427 = arith.mulf %get3A_23, %abs3A_1425 : vector<232x128xf32>
    %get3A_1428 = arith.constant 7 : index
    %get3A_1429 = arith.constant 232 : index
    %get3A_1430 = arith.constant 0 : index
    %get3A_1431 = vector.load %arg0[%get3A_1428, %get3A_1429, %get3A_1430] : memref<8x704x128xf32, #tpu.memory_space<vmem>>, vector<1x232x128xf32>
    %get3A_1432 = vector.shape_cast %get3A_1431 : vector<1x232x128xf32> to vector<232x128xf32>
    %abs3A_1433 = math.absf %get3A_1432 : vector<232x128xf32>
    %mul3A_1434 = arith.mulf %get3A_13, %abs3A_1433 : vector<232x128xf32>
    %mul3A_1435 = arith.mulf %get3A_28, %abs3A_1433 : vector<232x128xf32>
    %get3A_1436 = arith.constant 7 : index
    %get3A_1437 = arith.constant 464 : index
    %get3A_1438 = arith.constant 0 : index
    %get3A_1439 = vector.load %arg0[%get3A_1436, %get3A_1437, %get3A_1438] : memref<8x704x128xf32, #tpu.memory_space<vmem>>, vector<1x232x128xf32>
    %get3A_1440 = vector.shape_cast %get3A_1439 : vector<1x232x128xf32> to vector<232x128xf32>
    %abs3A_1441 = math.absf %get3A_1440 : vector<232x128xf32>
    %mul3A_1442 = arith.mulf %get3A_18, %abs3A_1441 : vector<232x128xf32>
    %mul3A_1443 = arith.mulf %get3A_33, %abs3A_1441 : vector<232x128xf32>
    %eq3A_1444 = arith.constant 0.000000e+00 : f32
    %eq3A_1445 = vector.broadcast %eq3A_1444 : f32 to vector<232x128xf32>
    %eq3A_1446 = arith.cmpf oeq, %get3A_1424, %eq3A_1445 : vector<232x128xf32>
    %eq3A_1447 = arith.constant 0.000000e+00 : f32
    %eq3A_1448 = vector.broadcast %eq3A_1447 : f32 to vector<232x128xf32>
    %eq3A_1449 = arith.cmpf oeq, %get3A_1432, %eq3A_1448 : vector<232x128xf32>
    %eq3A_1450 = arith.constant 0.000000e+00 : f32
    %eq3A_1451 = vector.broadcast %eq3A_1450 : f32 to vector<232x128xf32>
    %eq3A_1452 = arith.cmpf oeq, %get3A_1440, %eq3A_1451 : vector<232x128xf32>
    %jit3A_1453 = arith.constant 9.99999974E-5 : f32
    %broadcast_in_dim3A_1454 = vector.broadcast %jit3A_1453 : f32 to vector<232x128xf32>
    %select_n3A_1455 = arith.select %eq3A_1446, %broadcast_in_dim3A_1454, %mul3A_1426 : vector<232x128xi1>, vector<232x128xf32>
    %jit3A_1456 = arith.constant 9.99999974E-5 : f32
    %broadcast_in_dim3A_1457 = vector.broadcast %jit3A_1456 : f32 to vector<232x128xf32>
    %select_n3A_1458 = arith.select %eq3A_1449, %broadcast_in_dim3A_1457, %mul3A_1427 : vector<232x128xi1>, vector<232x128xf32>
    %jit3A_1459 = arith.constant 9.99999974E-5 : f32
    %broadcast_in_dim3A_1460 = vector.broadcast %jit3A_1459 : f32 to vector<232x128xf32>
    %select_n3A_1461 = arith.select %eq3A_1452, %broadcast_in_dim3A_1460, %get3A_1424 : vector<232x128xi1>, vector<232x128xf32>
    %jit3A_1462 = arith.constant 9.99999974E-5 : f32
    %broadcast_in_dim3A_1463 = vector.broadcast %jit3A_1462 : f32 to vector<232x128xf32>
    %select_n3A_1464 = arith.select %eq3A_1446, %broadcast_in_dim3A_1463, %mul3A_1434 : vector<232x128xi1>, vector<232x128xf32>
    %jit3A_1465 = arith.constant 9.99999974E-5 : f32
    %broadcast_in_dim3A_1466 = vector.broadcast %jit3A_1465 : f32 to vector<232x128xf32>
    %select_n3A_1467 = arith.select %eq3A_1449, %broadcast_in_dim3A_1466, %mul3A_1435 : vector<232x128xi1>, vector<232x128xf32>
    %jit3A_1468 = arith.constant 9.99999974E-5 : f32
    %broadcast_in_dim3A_1469 = vector.broadcast %jit3A_1468 : f32 to vector<232x128xf32>
    %select_n3A_1470 = arith.select %eq3A_1452, %broadcast_in_dim3A_1469, %get3A_1432 : vector<232x128xi1>, vector<232x128xf32>
    %jit3A_1471 = arith.constant 9.99999974E-5 : f32
    %broadcast_in_dim3A_1472 = vector.broadcast %jit3A_1471 : f32 to vector<232x128xf32>
    %select_n3A_1473 = arith.select %eq3A_1446, %broadcast_in_dim3A_1472, %mul3A_1442 : vector<232x128xi1>, vector<232x128xf32>
    %jit3A_1474 = arith.constant 9.99999974E-5 : f32
    %broadcast_in_dim3A_1475 = vector.broadcast %jit3A_1474 : f32 to vector<232x128xf32>
    %select_n3A_1476 = arith.select %eq3A_1449, %broadcast_in_dim3A_1475, %mul3A_1443 : vector<232x128xi1>, vector<232x128xf32>
    %jit3A_1477 = arith.constant 9.99999974E-5 : f32
    %broadcast_in_dim3A_1478 = vector.broadcast %jit3A_1477 : f32 to vector<232x128xf32>
    %select_n3A_1479 = arith.select %eq3A_1452, %broadcast_in_dim3A_1478, %get3A_1440 : vector<232x128xi1>, vector<232x128xf32>
    %mul3A_1480 = arith.mulf %sub3A_1217, %sub3A_1221 : vector<232x128xf32>
    %mul3A_1481 = arith.mulf %sub3A_1220, %sub3A_1218 : vector<232x128xf32>
    %sub3A_1482 = arith.subf %mul3A_1480, %mul3A_1481 : vector<232x128xf32>
    %mul3A_1483 = arith.mulf %sub3A_1220, %sub3A_1215 : vector<232x128xf32>
    %mul3A_1484 = arith.mulf %sub3A_1214, %sub3A_1221 : vector<232x128xf32>
    %sub3A_1485 = arith.subf %mul3A_1483, %mul3A_1484 : vector<232x128xf32>
    %mul3A_1486 = arith.mulf %sub3A_1214, %sub3A_1218 : vector<232x128xf32>
    %mul3A_1487 = arith.mulf %sub3A_1217, %sub3A_1215 : vector<232x128xf32>
    %sub3A_1488 = arith.subf %mul3A_1486, %mul3A_1487 : vector<232x128xf32>
    %sub3A_1489 = arith.subf %select_n3A_1464, %select_n3A_1455 : vector<232x128xf32>
    %sub3A_1490 = arith.subf %select_n3A_1467, %select_n3A_1458 : vector<232x128xf32>
    %sub3A_1491 = arith.subf %select_n3A_1470, %select_n3A_1461 : vector<232x128xf32>
    %sub3A_1492 = arith.subf %select_n3A_1473, %select_n3A_1455 : vector<232x128xf32>
    %sub3A_1493 = arith.subf %select_n3A_1476, %select_n3A_1458 : vector<232x128xf32>
    %sub3A_1494 = arith.subf %select_n3A_1479, %select_n3A_1461 : vector<232x128xf32>
    %mul3A_1495 = arith.mulf %sub3A_1490, %sub3A_1494 : vector<232x128xf32>
    %mul3A_1496 = arith.mulf %sub3A_1491, %sub3A_1493 : vector<232x128xf32>
    %sub3A_1497 = arith.subf %mul3A_1495, %mul3A_1496 : vector<232x128xf32>
    %mul3A_1498 = arith.mulf %sub3A_1491, %sub3A_1492 : vector<232x128xf32>
    %mul3A_1499 = arith.mulf %sub3A_1489, %sub3A_1494 : vector<232x128xf32>
    %sub3A_1500 = arith.subf %mul3A_1498, %mul3A_1499 : vector<232x128xf32>
    %mul3A_1501 = arith.mulf %sub3A_1489, %sub3A_1493 : vector<232x128xf32>
    %mul3A_1502 = arith.mulf %sub3A_1490, %sub3A_1492 : vector<232x128xf32>
    %sub3A_1503 = arith.subf %mul3A_1501, %mul3A_1502 : vector<232x128xf32>
    %mul3A_1504 = arith.mulf %sub3A_1482, %sub3A_1482 : vector<232x128xf32>
    %mul3A_1505 = arith.mulf %sub3A_1485, %sub3A_1485 : vector<232x128xf32>
    %add3A_1506 = arith.addf %mul3A_1504, %mul3A_1505 : vector<232x128xf32>
    %mul3A_1507 = arith.mulf %sub3A_1488, %sub3A_1488 : vector<232x128xf32>
    %add3A_1508 = arith.addf %add3A_1506, %mul3A_1507 : vector<232x128xf32>
    %sqrt3A_1509 = math.sqrt %add3A_1508 : vector<232x128xf32>
    %mul3A_1510 = arith.mulf %sub3A_1497, %sub3A_1497 : vector<232x128xf32>
    %mul3A_1511 = arith.mulf %sub3A_1500, %sub3A_1500 : vector<232x128xf32>
    %add3A_1512 = arith.addf %mul3A_1510, %mul3A_1511 : vector<232x128xf32>
    %mul3A_1513 = arith.mulf %sub3A_1503, %sub3A_1503 : vector<232x128xf32>
    %add3A_1514 = arith.addf %add3A_1512, %mul3A_1513 : vector<232x128xf32>
    %sqrt3A_1515 = math.sqrt %add3A_1514 : vector<232x128xf32>
    %eq3A_1516 = arith.constant 0.000000e+00 : f32
    %eq3A_1517 = vector.broadcast %eq3A_1516 : f32 to vector<232x128xf32>
    %eq3A_1518 = arith.cmpf oeq, %sqrt3A_1509, %eq3A_1517 : vector<232x128xf32>
    %convert_element_type3A_1519 = arith.extui %eq3A_1518 : vector<232x128xi1> to vector<232x128xi32>
    %convert_element_type3A_1520 = arith.sitofp %convert_element_type3A_1519 : vector<232x128xi32> to vector<232x128xf32>
    %mul3A_1521 = arith.constant 0.00999999977 : f32
    %mul3A_1522 = vector.broadcast %mul3A_1521 : f32 to vector<232x128xf32>
    %mul3A_1523 = arith.mulf %convert_element_type3A_1520, %mul3A_1522 : vector<232x128xf32>
    %add3A_1524 = arith.addf %sqrt3A_1509, %mul3A_1523 : vector<232x128xf32>
    %eq3A_1525 = arith.constant 0.000000e+00 : f32
    %eq3A_1526 = vector.broadcast %eq3A_1525 : f32 to vector<232x128xf32>
    %eq3A_1527 = arith.cmpf oeq, %sqrt3A_1515, %eq3A_1526 : vector<232x128xf32>
    %convert_element_type3A_1528 = arith.extui %eq3A_1527 : vector<232x128xi1> to vector<232x128xi32>
    %convert_element_type3A_1529 = arith.sitofp %convert_element_type3A_1528 : vector<232x128xi32> to vector<232x128xf32>
    %mul3A_1530 = arith.constant 0.00999999977 : f32
    %mul3A_1531 = vector.broadcast %mul3A_1530 : f32 to vector<232x128xf32>
    %mul3A_1532 = arith.mulf %convert_element_type3A_1529, %mul3A_1531 : vector<232x128xf32>
    %add3A_1533 = arith.addf %sqrt3A_1515, %mul3A_1532 : vector<232x128xf32>
    %div3A_1534 = arith.constant 1.000000e+00 : f32
    %div3A_1535 = vector.broadcast %div3A_1534 : f32 to vector<232x128xf32>
    %div3A_1536 = arith.divf %div3A_1535, %add3A_1524 : vector<232x128xf32>
    %div3A_1537 = arith.constant 1.000000e+00 : f32
    %div3A_1538 = vector.broadcast %div3A_1537 : f32 to vector<232x128xf32>
    %div3A_1539 = arith.divf %div3A_1538, %add3A_1533 : vector<232x128xf32>
    %mul3A_1540 = arith.mulf %sub3A_1482, %div3A_1536 : vector<232x128xf32>
    %mul3A_1541 = arith.mulf %sub3A_1497, %div3A_1539 : vector<232x128xf32>
    %sub3A_1542 = arith.subf %mul3A_1540, %mul3A_1541 : vector<232x128xf32>
    %abs3A_1543 = math.absf %sub3A_1542 : vector<232x128xf32>
    %mul3A_1544 = arith.mulf %sub3A_1485, %div3A_1536 : vector<232x128xf32>
    %mul3A_1545 = arith.mulf %sub3A_1500, %div3A_1539 : vector<232x128xf32>
    %sub3A_1546 = arith.subf %mul3A_1544, %mul3A_1545 : vector<232x128xf32>
    %abs3A_1547 = math.absf %sub3A_1546 : vector<232x128xf32>
    %add3A_1548 = arith.addf %abs3A_1543, %abs3A_1547 : vector<232x128xf32>
    %mul3A_1549 = arith.mulf %sub3A_1488, %div3A_1536 : vector<232x128xf32>
    %mul3A_1550 = arith.mulf %sub3A_1503, %div3A_1539 : vector<232x128xf32>
    %sub3A_1551 = arith.subf %mul3A_1549, %mul3A_1550 : vector<232x128xf32>
    %abs3A_1552 = math.absf %sub3A_1551 : vector<232x128xf32>
    %add3A_1553 = arith.addf %add3A_1548, %abs3A_1552 : vector<232x128xf32>
    %bitcast_convert_type3A_1554 = tpu.bitcast %add3A_1553 : vector<232x128xf32> -> vector<232x128xi32>
    %jit3A_1555 = arith.constant 2147483647 : i32
    %broadcast_in_dim3A_1556 = vector.broadcast %jit3A_1555 : i32 to vector<232x128xi32>
    %select_n3A_1557 = arith.select %and3A_1419, %bitcast_convert_type3A_1554, %broadcast_in_dim3A_1556 : vector<232x128xi1>, vector<232x128xi32>
    %swap3A_1558 = arith.constant 3 : index
    %swap3A_1559 = arith.constant 0 : index
    %swap3A_1560 = arith.constant 0 : index
    %swap3A_1561 = vector.load %arg4[%swap3A_1558, %swap3A_1559, %swap3A_1560] : memref<4x232x128xi32, #tpu.memory_space<vmem>>, vector<1x232x128xi32>
    %swap3A_1562 = vector.shape_cast %swap3A_1561 : vector<1x232x128xi32> to vector<232x128xi32>
    %swap3A_1563 = vector.shape_cast %select_n3A_1557 : vector<232x128xi32> to vector<1x232x128xi32>
    tpu.vector_store %arg4[%swap3A_1558, %swap3A_1559, %swap3A_1560], %swap3A_1563 {strides = array<i32>} : memref<4x232x128xi32, #tpu.memory_space<vmem>>, vector<1x232x128xi32>,
    %convert_element_type3A_1564 = arith.extui %and3A_1419 : vector<232x128xi1> to vector<232x128xi32>
    %reduce_sum3A_1565 = vector.shape_cast %convert_element_type3A_1564 : vector<232x128xi32> to vector<1x232x128xi32>
    %reduce_sum3A_1566 = arith.constant dense<0> : vector<1xi32>
    %reduce_sum3A_1567 = vector.multi_reduction <add>, %reduce_sum3A_1565, %reduce_sum3A_1566 [1, 2] : vector<1x232x128xi32> to vector<1xi32>
    %reduce_sum3A_1568 = vector.shape_cast %reduce_sum3A_1567 : vector<1xi32> to vector<1x1x1xi32>
    %reduce_sum3A_1569 = vector.extract %reduce_sum3A_1568[0, 0, 0] : i32 from vector<1x1x1xi32>
    %add3A_1570 = arith.addi %add3A_1180, %reduce_sum3A_1569 : i32
    %jit3A_1571 = arith.constant 0.000000e+00 : f32
    %broadcast_in_dim3A_1572 = vector.broadcast %jit3A_1571 : f32 to vector<232x128xf32>
    %select_n3A_1573 = arith.select %and3A_1419, %add3A_1553, %broadcast_in_dim3A_1572 : vector<232x128xi1>, vector<232x128xf32>
    %reduce_sum3A_1574 = vector.shape_cast %select_n3A_1573 : vector<232x128xf32> to vector<1x232x128xf32>
    %reduce_sum3A_1575 = arith.constant dense<0.000000e+00> : vector<1xf32>
    %reduce_sum3A_1576 = vector.multi_reduction <add>, %reduce_sum3A_1574, %reduce_sum3A_1575 [1, 2] : vector<1x232x128xf32> to vector<1xf32>
    %reduce_sum3A_1577 = vector.shape_cast %reduce_sum3A_1576 : vector<1xf32> to vector<1x1x1xf32>
    %reduce_sum3A_1578 = vector.extract %reduce_sum3A_1577[0, 0, 0] : f32 from vector<1x1x1xf32>
    %add3A_1579 = arith.addf %add3A_1189, %reduce_sum3A_1578 : f32
    %jit3A_1580 = arith.constant 4 : i32
    %div3A_1581 = arith.divsi %add3A_1570, %jit3A_1580 : i32
    %sign3A = arith.constant 0 : i32
    %sign3A_1582 = arith.cmpi sgt, %add3A_1570, %sign3A : i32
    %sign3A_1583 = arith.extui %sign3A_1582 : i1 to i32
    %sign3A_1584 = arith.constant 0 : i32
    %sign3A_1585 = arith.cmpi slt, %add3A_1570, %sign3A_1584 : i32
    %sign3A_1586 = arith.extui %sign3A_1585 : i1 to i32
    %sign3A_1587 = arith.subi %sign3A_1583, %sign3A_1586 : i32
    %sign3A_1588 = arith.constant 0 : i32
    %sign3A_1589 = arith.cmpi sgt, %jit3A_1580, %sign3A_1588 : i32
    %sign3A_1590 = arith.extui %sign3A_1589 : i1 to i32
    %sign3A_1591 = arith.constant 0 : i32
    %sign3A_1592 = arith.cmpi slt, %jit3A_1580, %sign3A_1591 : i32
    %sign3A_1593 = arith.extui %sign3A_1592 : i1 to i32
    %sign3A_1594 = arith.subi %sign3A_1590, %sign3A_1593 : i32
    %ne3A = arith.cmpi ne, %sign3A_1587, %sign3A_1594 : i32
    %rem3A = arith.remsi %add3A_1570, %jit3A_1580 : i32
    %ne3A_1595 = arith.constant 0 : i32
    %ne3A_1596 = arith.cmpi ne, %rem3A, %ne3A_1595 : i32
    %and3A_1597 = arith.andi %ne3A, %ne3A_1596 : i1
    %sub3A_1598 = arith.constant 1 : i32
    %sub3A_1599 = arith.subi %div3A_1581, %sub3A_1598 : i32
    %select_n3A_1600 = arith.select %and3A_1597, %sub3A_1599, %div3A_1581 : i32
    %scan3A = arith.constant 0 : i32
    %scan3A_1601 = arith.constant 2139095040 : i32
    %scan3A_1602 = arith.constant 0 : i32
    %scan3A_1603 = arith.constant 31 : i32
    %scan3A_1604 = arith.addi %scan3A_1602, %scan3A_1603 : i32
    %scan3A_1605 = arith.constant 1 : i32
    %scan3A_1606:2 = scf.for %scan3A_1641 = %scan3A_1602 to %scan3A_1604 step %scan3A_1605 iter_args(%scan3A_1642 = %scan3A, %scan3A_1643 = %scan3A_1601) -> (i32, i32)  : i32 {
      %sub3A_1644 = arith.subi %scan3A_1643, %scan3A_1642 : i32
      %jit3A_1645 = arith.constant 2 : i32
      %div3A_1646 = arith.divsi %sub3A_1644, %jit3A_1645 : i32
      %sign3A_1647 = arith.constant 0 : i32
      %sign3A_1648 = arith.cmpi sgt, %sub3A_1644, %sign3A_1647 : i32
      %sign3A_1649 = arith.extui %sign3A_1648 : i1 to i32
      %sign3A_1650 = arith.constant 0 : i32
      %sign3A_1651 = arith.cmpi slt, %sub3A_1644, %sign3A_1650 : i32
      %sign3A_1652 = arith.extui %sign3A_1651 : i1 to i32
      %sign3A_1653 = arith.subi %sign3A_1649, %sign3A_1652 : i32
      %sign3A_1654 = arith.constant 0 : i32
      %sign3A_1655 = arith.cmpi sgt, %jit3A_1645, %sign3A_1654 : i32
      %sign3A_1656 = arith.extui %sign3A_1655 : i1 to i32
      %sign3A_1657 = arith.constant 0 : i32
      %sign3A_1658 = arith.cmpi slt, %jit3A_1645, %sign3A_1657 : i32
      %sign3A_1659 = arith.extui %sign3A_1658 : i1 to i32
      %sign3A_1660 = arith.subi %sign3A_1656, %sign3A_1659 : i32
      %ne3A_1661 = arith.cmpi ne, %sign3A_1653, %sign3A_1660 : i32
      %rem3A_1662 = arith.remsi %sub3A_1644, %jit3A_1645 : i32
      %ne3A_1663 = arith.constant 0 : i32
      %ne3A_1664 = arith.cmpi ne, %rem3A_1662, %ne3A_1663 : i32
      %and3A_1665 = arith.andi %ne3A_1661, %ne3A_1664 : i1
      %sub3A_1666 = arith.constant 1 : i32
      %sub3A_1667 = arith.subi %div3A_1646, %sub3A_1666 : i32
      %select_n3A_1668 = arith.select %and3A_1665, %sub3A_1667, %div3A_1646 : i32
      %add3A_1669 = arith.addi %scan3A_1642, %select_n3A_1668 : i32
      %get3A_1670 = arith.constant 0 : index
      %get3A_1671 = arith.constant 0 : index
      %get3A_1672 = arith.constant 0 : index
      %get3A_1673 = vector.load %arg4[%get3A_1670, %get3A_1671, %get3A_1672] : memref<4x232x128xi32, #tpu.memory_space<vmem>>, vector<4x232x128xi32>
      %le3A = vector.broadcast %add3A_1669 : i32 to vector<4x232x128xi32>
      %le3A_1674 = arith.cmpi sle, %get3A_1673, %le3A : vector<4x232x128xi32>
      %convert_element_type3A_1675 = arith.extui %le3A_1674 : vector<4x232x128xi1> to vector<4x232x128xi32>
      %reduce_sum3A_1676 = vector.shape_cast %convert_element_type3A_1675 : vector<4x232x128xi32> to vector<1x4x232x128xi32>
      %reduce_sum3A_1677 = arith.constant dense<0> : vector<1xi32>
      %reduce_sum3A_1678 = vector.multi_reduction <add>, %reduce_sum3A_1676, %reduce_sum3A_1677 [1, 2, 3] : vector<1x4x232x128xi32> to vector<1xi32>
      %reduce_sum3A_1679 = vector.shape_cast %reduce_sum3A_1678 : vector<1xi32> to vector<1x1x1x1xi32>
      %reduce_sum3A_1680 = vector.extract %reduce_sum3A_1679[0, 0, 0, 0] : i32 from vector<1x1x1x1xi32>
      %ge3A = arith.cmpi sge, %reduce_sum3A_1680, %select_n3A_1600 : i32
      %add3A_1681 = arith.constant 1 : i32
      %add3A_1682 = arith.addi %add3A_1669, %add3A_1681 : i32
      %select_n3A_1683 = arith.select %ge3A, %scan3A_1642, %add3A_1682 : i32
      %select_n3A_1684 = arith.select %ge3A, %add3A_1669, %scan3A_1643 : i32
      scf.yield %select_n3A_1683, %select_n3A_1684 : i32, i32
    }
    %bitcast_convert_type3A_1607 = arith.bitcast %scan3A_1606#1 : i32 to f32
    %get3A_1608 = arith.constant 0 : index
    %get3A_1609 = arith.constant 0 : index
    %get3A_1610 = arith.constant 0 : index
    %get3A_1611 = vector.load %arg4[%get3A_1608, %get3A_1609, %get3A_1610] : memref<4x232x128xi32, #tpu.memory_space<vmem>>, vector<4x232x128xi32>
    %lt3A_1612 = vector.broadcast %scan3A_1606#1 : i32 to vector<4x232x128xi32>
    %lt3A_1613 = arith.cmpi slt, %get3A_1611, %lt3A_1612 : vector<4x232x128xi32>
    %convert_element_type3A_1614 = arith.extui %lt3A_1613 : vector<4x232x128xi1> to vector<4x232x128xi32>
    %reduce_sum3A_1615 = vector.shape_cast %convert_element_type3A_1614 : vector<4x232x128xi32> to vector<1x4x232x128xi32>
    %reduce_sum3A_1616 = arith.constant dense<0> : vector<1xi32>
    %reduce_sum3A_1617 = vector.multi_reduction <add>, %reduce_sum3A_1615, %reduce_sum3A_1616 [1, 2, 3] : vector<1x4x232x128xi32> to vector<1xi32>
    %reduce_sum3A_1618 = vector.shape_cast %reduce_sum3A_1617 : vector<1xi32> to vector<1x1x1x1xi32>
    %reduce_sum3A_1619 = vector.extract %reduce_sum3A_1618[0, 0, 0, 0] : i32 from vector<1x1x1x1xi32>
    %bitcast_convert_type3A_1620 = tpu.bitcast %get3A_1611 : vector<4x232x128xi32> -> vector<4x232x128xf32>
    %jit3A_1621 = arith.constant 0.000000e+00 : f32
    %broadcast_in_dim3A_1622 = vector.broadcast %jit3A_1621 : f32 to vector<4x232x128xf32>
    %select_n3A_1623 = arith.select %lt3A_1613, %bitcast_convert_type3A_1620, %broadcast_in_dim3A_1622 : vector<4x232x128xi1>, vector<4x232x128xf32>
    %reduce_sum3A_1624 = vector.shape_cast %select_n3A_1623 : vector<4x232x128xf32> to vector<1x4x232x128xf32>
    %reduce_sum3A_1625 = arith.constant dense<0.000000e+00> : vector<1xf32>
    %reduce_sum3A_1626 = vector.multi_reduction <add>, %reduce_sum3A_1624, %reduce_sum3A_1625 [1, 2, 3] : vector<1x4x232x128xf32> to vector<1xf32>
    %reduce_sum3A_1627 = vector.shape_cast %reduce_sum3A_1626 : vector<1xf32> to vector<1x1x1x1xf32>
    %reduce_sum3A_1628 = vector.extract %reduce_sum3A_1627[0, 0, 0, 0] : f32 from vector<1x1x1x1xf32>
    %sub3A_1629 = arith.subi %select_n3A_1600, %reduce_sum3A_1619 : i32
    %convert_element_type3A_1630 = arith.sitofp %sub3A_1629 : i32 to f32
    %mul3A_1631 = arith.mulf %convert_element_type3A_1630, %bitcast_convert_type3A_1607 : f32
    %add3A_1632 = arith.addf %reduce_sum3A_1628, %mul3A_1631 : f32
    %sub3A_1633 = arith.subf %add3A_1579, %add3A_1632 : f32
    %sub3A_1634 = arith.subi %add3A_1570, %select_n3A_1600 : i32
    %convert_element_type3A_1635 = arith.sitofp %sub3A_1634 : i32 to f32
    %div3A_1636 = arith.divf %sub3A_1633, %convert_element_type3A_1635 : f32
    %broadcast_in_dim3A_1637 = vector.broadcast %div3A_1636 : f32 to vector<1x1xf32>
    %swap3A_1638 = arith.constant 0 : index
    %swap3A_1639 = arith.constant 0 : index
    %swap3A_1640 = vector.load %arg3[%swap3A_1638, %swap3A_1639] : memref<1x1xf32, #tpu.memory_space<vmem>>, vector<1x1xf32>
    tpu.vector_store %arg3[%swap3A_1638, %swap3A_1639], %broadcast_in_dim3A_1637 {strides = array<i32>} : memref<1x1xf32, #tpu.memory_space<vmem>>, vector<1x1xf32>,
    return
  }
}

</mosaic_0001>

<sc_bundles>
// kernel: kernel.4.cloned.1.call-start
scs
__scs_entry_jumppad:
0x0: {  	(pc) =	sbr.rel $0x88, $3  }
0x1: {  	(tag) =	ssettag $0x0;
	lr =	simm.s32 $0x1  }
0x2: {  	[smem:$0x3F9F] =	sst lr;
	_ =	strace $0xD0000000  }
0x3: {  	_ = 	snop  }
0x4: {  	_ = 	snop  }
0x5: {  	_ = 	snop  }
0x6: {  	_ = 	snop  }
0x7: {  	_ = 	snop  }
__scs_overlays_trampoline_lowered:
0x8: {  	[smem:$0x3FAE] =	sst s0  }
0x9: {  	[smem:$0x3FAF] =	sst s1  }
0xa: {  	[smem:$0x3FB0] =	sst s2  }
0xb: {  	[smem:$0x3FB1] =	sst s3  }
0xc: {  	[smem:$0x3FB2] =	sst s4  }
0xd: {  	[smem:$0x3FB3] =	sst s5  }
0xe: {  	[smem:$0x3FB4] =	sst s6  }
0xf: {  	[smem:$0x3FB5] =	sst s7  }
0x10: {  	[smem:$0x3FB6] =	sst s8  }
0x11: {  	[smem:$0x3FB7] =	sst s9;
	s0 =	simm.s32 @!p0 $0x0  }
0x12: {  	s1 =	sld [smem:$0x3F9D];
	s0 =	simm.s32 @p0 $0x1  }
0x13: {  	[smem:$0x3FB8] =	sst s0;
	s0 =	simm.s32 @!p1 $0x0  }
0x14: {  	s2 =	sld [smem:$0x3F9C];
	s0 =	simm.s32 @p1 $0x1  }
0x15: {  	[smem:$0x3FB9] =	sst s0;
	s0 =	simm.s32 @!p2 $0x0  }
0x16: {  	s3 =	sld [smem:$0x3FDB];
	s0 =	simm.s32 @p2 $0x1  }
0x17: {  	s4 =	simm.s32 $0x1BF5;
	[smem:$0x3FBB] =	sst s0  }
0x18: {  	s0 =	sld [smem:$0x3F9E];
	_ =	swait.ge [sflag:s4], $0x0  }
0x19: {  	s7 =	sld [smem:$0x3F9F]  }
0x1a: {  	s8 =	sadd.s32 $0xFFFFE003, lr  }
0x1b: {  	s9 =	sadd.s32 $0xFFFFFEF7, lr;
	s5 =	simm.s32 $0xFFFFFFFF;
	p2 =	slt.u32 s8, $0xFFFFF086  }
0x1c: {  	p1 =	slt.u32 s9, $0xF7A;
	s5 =	simm.s32 @!p2 $0x0  }
0x1d: {  	s5 =	simm.s32 @p1 $0x1;
	p0 =	seq.s32 s7, s2  }
0x1e: {  	s7 =	smul.u32 @!p0 $0xF7A, s2;
	p2 =	seq.s32 @!p0 s5, $0x0  }
0x1f: {  	s9 =	smul.u32 $0xF7A, s1;
	s8 =	simm.s32 @!p0 $0x1BF5;
	p2 =	por !p2, p0  }
0x20: {  	[sflag:s8] =	ssyncset.s32 @!p0 $0xFFFFF086;
	s6 =	sadd.s32 @!p0 s3, s7;
	s7 =	simm.s32 @!p0 $0x108  }
0x21: {  	s3 =	sadd.s32 s3, s9;
	s6 =	sadd.s32 @!p0 $0x88, s6;
	s7 =	simm.s32 @p2 $0x1082  }
0x22: {  	[simem:s7], [sflag:s8] =	dma.local @!p0 [hbm:s6], $0xF7A  }
0x23: {  	s9 =	sor.u32 $0xD0000000, s2;
	s6 =	simm.s32 $0x108;
	_ =	swait.ge @!p0 [sflag:s8], $0x0  }
0x24: {  	s3 =	sadd.s32 $0x88, s3;
	s6 =	simm.s32 @!p1 $0x1082;
	[sflag:s4] =	ssyncset.s32 $0xFFFFF086  }
0x25: {  	[simem:s6], [sflag:s4] =	dma.local [hbm:s3], $0xF7A  }
0x26: {  	[smem:$0x3F9F] =	sst s1;
	(tag) =	ssettag s2;
	_ =	strace s9  }
0x27: {  	s1 =	sld [smem:$0x3FAF]  }
0x28: {  	s2 =	sld [smem:$0x3FB0]  }
0x29: {  	s4 =	sld [smem:$0x3FB2]  }
0x2a: {  	p0 =	seq.s32 s5, $0x0;
	s5 =	sld [smem:$0x3FB3]  }
0x2b: {  	s6 =	sld [smem:$0x3FB4]  }
0x2c: {  	s7 =	sld [smem:$0x3FB5]  }
0x2d: {  	s3 =	simm.s32 $0x108;
	s8 =	sld [smem:$0x3FB6]  }
0x2e: {  	s3 =	simm.s32 @!p0 $0x1082;
	s9 =	sld [smem:$0x3FB7]  }
0x2f: {  	lr =	sadd.s32 s0, s3;
	s0 =	sld [smem:$0x3FAE]  }
0x30: {  	s3 =	sld [smem:$0x3FB1]  }
0x31: {  	[smem:$0x3FBA] =	sst s10  }
0x32: {  	s10 =	sld [smem:$0x3FB8];
	_ =	sdelay $0x3  }
0x33: {  	p0 =	seq.s32 s10, $0x1;
	s10 =	sld [smem:$0x3FBA];
	_ =	sdelay $0x3  }
0x34: {  	[smem:$0x3FBA] =	sst s10  }
0x35: {  	s10 =	sld [smem:$0x3FB9];
	_ =	sdelay $0x3  }
0x36: {  	p1 =	seq.s32 s10, $0x1;
	s10 =	sld [smem:$0x3FBA];
	_ =	sdelay $0x3  }
0x37: {  	[smem:$0x3FBA] =	sst s10  }
0x38: {  	s10 =	sld [smem:$0x3FBB]  }
0x39: {  	_ = 	snop;
	(pc) =	sbr.ind lr, $3  }
0x3a: {  	_ = 	snop  }
0x3b: {  	_ = 	snop  }
0x3c: {  	p2 =	seq.s32 s10, $0x1;
	s10 =	sld [smem:$0x3FBA]  }
0x3d: {  	_ =	shalt  }
0x3e: {  	_ =	shalt  }
0x3f: {  	_ =	shalt  }
0x40: {  	_ =	shalt  }
0x41: {  	_ =	shalt  }
0x42: {  	_ =	shalt  }
0x43: {  	_ =	shalt  }
0x44: {  	_ =	shalt  }
0x45: {  	_ =	shalt  }
0x46: {  	_ =	shalt  }
0x47: {  	_ =	shalt  }
0x48: {  	_ =	shalt  }
0x49: {  	_ =	shalt  }
0x4a: {  	_ =	shalt  }
0x4b: {  	_ =	shalt  }
0x4c: {  	_ =	shalt  }
0x4d: {  	_ =	shalt  }
0x4e: {  	_ =	shalt  }
0x4f: {  	_ =	shalt  }
0x50: {  	_ =	shalt  }
0x51: {  	_ =	shalt  }
0x52: {  	_ =	shalt  }
0x53: {  	_ =	shalt  }
0x54: {  	_ =	shalt  }
0x55: {  	_ =	shalt  }
0x56: {  	_ =	shalt  }
0x57: {  	_ =	shalt  }
0x58: {  	_ =	shalt  }
0x59: {  	_ =	shalt  }
0x5a: {  	_ =	shalt  }
0x5b: {  	_ =	shalt  }
0x5c: {  	_ =	shalt  }
0x5d: {  	_ =	shalt  }
0x5e: {  	_ =	shalt  }
0x5f: {  	_ =	shalt  }
0x60: {  	_ =	shalt  }
0x61: {  	_ =	shalt  }
0x62: {  	_ =	shalt  }
0x63: {  	_ =	shalt  }
0x64: {  	_ =	shalt  }
0x65: {  	_ =	shalt  }
0x66: {  	_ =	shalt  }
0x67: {  	_ =	shalt  }
0x68: {  	_ =	shalt  }
0x69: {  	_ =	shalt  }
0x6a: {  	_ =	shalt  }
0x6b: {  	_ =	shalt  }
0x6c: {  	_ =	shalt  }
0x6d: {  	_ =	shalt  }
0x6e: {  	_ =	shalt  }
0x6f: {  	_ =	shalt  }
0x70: {  	_ =	shalt  }
0x71: {  	_ =	shalt  }
0x72: {  	_ =	shalt  }
0x73: {  	_ =	shalt  }
0x74: {  	_ =	shalt  }
0x75: {  	_ =	shalt  }
0x76: {  	_ =	shalt  }
0x77: {  	_ =	shalt  }
0x78: {  	_ =	shalt  }
0x79: {  	_ =	shalt  }
0x7a: {  	_ =	shalt  }
0x7b: {  	_ =	shalt  }
0x7c: {  	_ =	shalt  }
0x7d: {  	_ =	shalt  }
0x7e: {  	_ =	shalt  }
0x7f: {  	_ =	shalt  }
0x80: {  	_ =	shalt  }
0x81: {  	_ =	shalt  }
0x82: {  	_ =	shalt  }
0x83: {  	_ =	shalt  }
0x84: {  	_ =	shalt  }
0x85: {  	_ =	shalt  }
0x86: {  	_ =	shalt  }
0x87: {  	_ =	shalt  }
.Lfunc_end0:
.L_simem_size_0:
called_computation_lowered:
.L_overlay_start_0:
0x88: {  	s2 =	sld [smem:$0x3FD9]  }
0x89: {  	s3 =	sld [smem:$0x3FFE];
	_ =	sdelay $0x1  }
0x8a: {  	s1 =	srdreg.scid  }
0x8b: {  	s0 =	sand.u32 $0x1, s1  }
0x8c: {  	s17 =	sshll.u32 s0, $0xA;
	s2 =	sadd.s32 s3, s2  }
0x8d: {  	s2 =	sadd.s32 s2, s17  }
0x8e: {  	[smem:$0x3FC6] =	sst s2  }
0x8f: {  	_ = 	snop  }
0x90: {  	s2 =	sld [smem:$0x3FC9]  }
0x91: {  	s18 =	sld [smem:$0x3FC8];
	(tm) =	ssettm $0x1  }
0x92: {  	s4 =	sld [smem:$0x3FFB];
	_ =	sdelay $0x3  }
0x93: {  	_ =	strace s4  }
0x94: {  	s4 =	sld [smem:$0x3FFC];
	_ =	sdelay $0x3  }
0x95: {  	_ =	strace s4  }
0x96: {  	s4 =	sld [smem:$0x3FFD];
	_ =	sdelay $0x3  }
0x97: {  	_ =	strace s4  }
0x98: {  	_ =	strace $0x8FFFFFFF  }
0x99: {  	s19 =	sld [smem:$0x3FDB];
	_ =	sdelay $0x1  }
0x9a: {  	s5 =	simm.s32 $_scs_section_size  }
0x9b: {  	s6 =	simm.s32 $_size__tile_overlayer_lowered;
	s7 =	simm.s32 $_tile_overlayer_lowered  }
0x9c: {  	s22 =	simm.s32 $0x1BFF;
	s21 =	sshll.u32 s7, $0x1;
	s4 =	sadd.s32 s5, s19  }
0x9d: {  	s8 =	simm.s32 $0x0;
	s20 =	sshll.u32 s6, $0x1;
	s6 =	sadd.s32 s21, s4  }
0x9e: {  	[timem:s8], [sflag:s22] =	dma.local [hbm:s6], s20  }
0x9f: {  	_ =	swait.ge [sflag:s22], s20  }
0xa0: {  	s5 =	ssub.s32 $0x0, s20;
	[sflag:s22] =	ssyncset.done $0x0  }
0xa1: {  	[sflag:s22] =	ssyncadd.s32 s5;
	_ =	sdelay $0x1  }
0xa2: {  	s23 =	simm.s32 $0x1B8B  }
0xa3: {  	_ =	swait.ge [sflag:s23], $0x1  }
0xa4: {  	[sflag:s23] =	ssyncset.done $0x0  }
0xa5: {  	s25 =	simm.s32 $0x1B8E;
	s24 =	sld [smem:$0x3FFE];
	[sflag:s23] =	ssyncadd.s32 $0xFFFFFFFF  }
0xa6: {  	s26 =	simm.s32 $execute0_lowered;
	[smem:$0x3FD2] =	sst s25  }
0xa7: {  	s6 =	sshll.u32 s26, $0x1;
	_ =	strace $0x80000046;
	[dreg:$0x1] =	wrdreg $0xFFFFFFFF  }
0xa8: {  	s28 =	simm.s32 $_size_execute0_lowered;
	s4 =	sadd.s32 s4, s6;
	[dreg:$0x0] =	wrdreg $0x0  }
0xa9: {  	s6 =	sshll.u32 s28, $0x1;
	[dreg:$0x2] =	wrdreg s4  }
0xaa: {  	[dreg:$0x3] =	wrdreg s6  }
0xab: {  	[dreg:$0x4] =	wrdreg $0xC0  }
0xac: {  	_ =	task [dreg:s8], $0x5FFFF  }
0xad: {  	[dreg:$0x1] =	wrdreg $0xFFFFFFFF  }
0xae: {  	[dreg:$0x0] =	wrdreg $0x60  }
0xaf: {  	[dreg:$0x2] =	wrdreg s2  }
0xb0: {  	[dreg:$0x3] =	wrdreg s18  }
0xb1: {  	[dreg:$0x4] =	wrdreg s24  }
0xb2: {  	[dreg:$0x5] =	wrdreg $0x9  }
0xb3: {  	_ =	task.clear_ibuf [dreg:s8], $0x6FFFF;
	_ =	strace $0x90000046  }
0xb4: {  	s29 =	simm.s32 $0x9;
	_ =	strace $0x80000048  }
0xb5: {  	_ =	swait.ge [sflag:s29], $0x1  }
0xb6: {  	[sflag:s29] =	ssyncadd.s32 $0xFFFFFFFF  }
0xb7: {  	_ =	strace $0x90000048  }
0xb8: {  	_ =	sfence  }
0xb9: {  	s30 =	sld [smem:$0x0];
	_ =	sdelay $0x2  }
0xba: {  	s31 =	sshll.u32 s1, $0xD;
	s1 =	sshrl.u32 s1, $0x2  }
0xbb: {  	s3 =	sand.u32 $0x4000, s31;
	s1 =	sadd.s32 s1, s30  }
0xbc: {  	s0 =	sor.u32 s3, s0;
	s1 =	sshll.u32 s1, $0x11  }
0xbd: {  	s0 =	sor.u32 s1, s0  }
0xbe: {  	s0 =	sadd.s32 $0x8F2B, s0  }
0xbf: {  	[sflag:s0] =	ssyncadd.remote.s32 $0x1  }
0xc0: {  	_ =	sfence.sel $0xFFFF  }
0xc1: {  	[dreg:$0x0] =	wrdreg $0xFFFFFFFF;
	(pc) =	sbr.abs _section_cstart, $3  }
0xc2: {  	[dreg:$0x1] =	wrdreg $0xFFFFFFFF  }
0xc3: {  	_ =	task.clear_ibuf [dreg:s8], $0x2FFFF;
	_ =	strace $0x9FFFFFFF  }
0xc4: {  	(tm) =	ssettm $0x7FFFFFFF  }
0xc5: {  	_ =	shalt  }
tec
execute0_lowered:
.L_overlay_start_1:
0x0: {  	(tag) =	ssettag $0x1  }
0x1: {  	s1 =	rddreg [dreg:$0x0]  }
0x2: {  	s2 =	rddreg [dreg:$0x1]  }
0x3: {  	s7 =	rddreg [dreg:$0x2]  }
0x4: {  	s3 =	srdreg.scid;
	s0 =	stileid.u32;
	s17 =	simm.s32 $0x80  }
0x5: {  	s18 =	simm.s32 $0x200;
	s19 =	simm.s32 $0xC000;
	s20 =	simm.s32 $0x6000  }
0x6: {  	s21 =	simm.s32 $0xCC80;
	s22 =	simm.s32 $0x1;
	s23 =	simm.s32 $0xD900  }
0x7: {  	s24 =	simm.s32 $0x2;
	s8 =	sand.u32 $0x1, s3;
	s4 =	sshll.u32 s0, $0x1  }
0x8: {  	s6 =	sshrl.u32 s0, $0x1;
	p0 =	sgt.u32 s0, $0x7;
	s9 =	sor.u32 s8, s4  }
0x9: {  	s5 =	sshll.u32 s6, $0x2;
	s4 =	simm.s32 $0x0;
	s11 =	smul.u32 $0x16000, s6  }
0xa: {  	s6 =	smul.u32 $0x30000, s6;
	s25 =	ssub.s32 $0x2, s8;
	s10 =	ssub.s32 s9, s5  }
0xb: {  	[smem:$0x7FF] =	sst s4;
	s5 =	sadd.s32 $0xA00, s7;
	s9 =	sshll.u32 s9, $0x7  }
0xc: {  	s28 =	sshrl.u32 s25, $0x1;
	s12 =	smul.u32 $0x5800, s10;
	_ =	strace $0x80000047  }
0xd: {  	s10 =	sshrl.u32 s10, $0x2;
	s26 =	sand.u32 $0x180, s9;
	s16 =	ssub.s32 s25, s28  }
0xe: {  	s30 =	sadd.s32 $0xFFF46000, s6;
	s13 =	sshrl.u32 s6, $0x3;
	s10 =	smul.u32 $0x19000, s10  }
0xf: {  	s25 =	simm.s32 $0x3;
	s16 =	smax.u32 s16, $0x1;
	s11 =	sadd.s32 s11, s12  }
0x10: {  	s12 =	sadd.s32 s1, s13;
	s11 =	sshrl.u32 s11, $0x3;
	s8 =	sor.u32 s26, s10  }
.Ltmp0:
0x11: {  	s26 =	simm.s32 $0x0;
	s15 =	sadd.s32 s11, s7;
	(pc) =	sbr.rel .LBB2_1-.Ltmp0, $4  }
0x12: {  	s7 =	sadd.s32 $0xFFF40000, s6;
	s10 =	sshrl.u32 s8, $0x3;
	s11 =	sshrl.u32 s30, $0x3  }
0x13: {  	s31 =	sadd.s32 $0x3200, s8;
	s29 =	sshrl.u32 s7, $0x3;
	s10 =	sadd.s32 s5, s10  }
0x14: {  	s11 =	sadd.s32 s2, s11;
	s14 =	sshrl.u32 s31, $0x3;
	s15 =	sadd.s32 $0x3C00, s15  }
0x15: {  	s9 =	sadd.s32 s2, s29;
	s13 =	sadd.s32 s5, s14;
	s14 =	sadd.s32 $0xC00, s12  }
.LBB2_16:
0x16: {  	s26 =	sadd.s32 $0x1, s26  }
0x17: {  	p1 =	sne.s32 s26, s16  }
.Ltmp1:
0x18: {  	_ = 	snop;
	(pc) =	sbr.rel @!p1 .LBB2_17-.Ltmp1, $4  }
0x19: {  	[hbm4b:s15+s4] =	stream.linear.scatter [tilespmem:s23], [sflag:$0x3], $0x5800, $0x38;
	[tilespmem:$0x13500] =	vst v63  }
0x1a: {  	_ =	swait.ge [sflag:s25], $0x5800  }
0x1b: {  	[sflag:s25] =	ssyncset.done $0x0  }
0x1c: {  	[sflag:s25] =	ssyncadd.s32 $0xFFFFA800  }
.LBB2_1:
.Ltmp2:
0x1d: {  	(pc) =	sbr.rel @p0 .LBB2_9-.Ltmp2, $2  }
0x1e: {  	_ =	sdelay $0x2  }
0x1f: {  	s28 =	simm.s32 $0x0  }
0x20: {  	[tilespmem:s28], [sflag:$0x1] =	stream.linear.gather [hbm4b:s12+s28], $0x6000, $0x38;
	[tilespmem:$0x13500] =	vst v63  }
0x21: {  	_ = 	snop  }
0x22: {  	[tilespmem:s19], [sflag:$0x1] =	stream.strided.gather [hbm4b:s10+s17], $0xC80, s18, s17, $0x38;
	[tilespmem:$0x13500] =	vst v63  }
0x23: {  	_ = 	snop  }
0x24: {  	[tilespmem:s20], [sflag:$0x2] =	stream.linear.gather [hbm4b:s14+s28], $0x6000, $0x38;
	[tilespmem:$0x13500] =	vst v63  }
0x25: {  	_ = 	snop  }
0x26: {  	[tilespmem:s21], [sflag:$0x2] =	stream.strided.gather [hbm4b:s13+s17], $0xC80, s18, s17, $0x38;
	[tilespmem:$0x13500] =	vst v63  }
.LBB2_3:
0x27: {  	_ =	swait.ge [sflag:s22], $0x6000  }
0x28: {  	[sflag:s22] =	ssyncset.done $0x0  }
0x29: {  	[sflag:s22] =	ssyncadd.s32 $0xFFFFA000  }
0x2a: {  	_ =	swait.ge [sflag:s22], $0xC80  }
0x2b: {  	[sflag:s22] =	ssyncset.done $0x0  }
0x2c: {  	s29 =	simm.s32 $0x0;
	[sflag:s22] =	ssyncadd.s32 $0xFFFFF380  }
.LBB2_4:
0x2d: {  	s30 =	sshra.s32 s29, $0x2  }
0x2e: {  	v0 =	vld [tilespmem:s30+$0xC000];
	_ =	sdelay $0x4  }
0x2f: {  	v1 =	vshll.u32 v0, $0x3  }
0x30: {  	v2 =	vshrl.u32 v0, $0x2;
	v3 =	vand.u32 $0x707F, v0;
	v1 =	vand.u32 $0xC00, v1  }
0x31: {  	v2 =	vand.u32 $0x380, v2;
	v1 =	vor.u32 v1, v3  }
0x32: {  	v1 =	vor.u32 v2, v1;
	_ =	sdelay $0x4  }
0x33: {  	v0 =	vshrl.u32 v0, $0xF;
	v1 =	vld.idx.msk [tilespmem:v1+s4+$0x0], $0xffff;
	_ =	sdelay $0x4  }
0x34: {  	[tilespmem:v0+s23+$0x0] =	vst.idx.msk $0xffff, v1  }
0x35: {  	v0 =	vld [tilespmem:s30+$0xC010];
	_ =	sdelay $0x4  }
0x36: {  	v43 =	vshll.u32 v0, $0x3  }
0x37: {  	v44 =	vshrl.u32 v0, $0x2;
	v45 =	vand.u32 $0x707F, v0;
	v1 =	vand.u32 $0xC00, v43  }
0x38: {  	v2 =	vand.u32 $0x380, v44;
	v1 =	vor.u32 v1, v45  }
0x39: {  	v1 =	vor.u32 v2, v1;
	_ =	sdelay $0x4  }
0x3a: {  	v0 =	vshrl.u32 v0, $0xF;
	v1 =	vld.idx.msk [tilespmem:v1+s4+$0x0], $0xffff;
	_ =	sdelay $0x4  }
0x3b: {  	[tilespmem:v0+s23+$0x0] =	vst.idx.msk $0xffff, v1  }
0x3c: {  	v0 =	vld [tilespmem:s30+$0xC020];
	_ =	sdelay $0x4  }
0x3d: {  	v46 =	vshll.u32 v0, $0x3  }
0x3e: {  	v47 =	vshrl.u32 v0, $0x2;
	v48 =	vand.u32 $0x707F, v0;
	v1 =	vand.u32 $0xC00, v46  }
0x3f: {  	v2 =	vand.u32 $0x380, v47;
	v1 =	vor.u32 v1, v48  }
0x40: {  	v1 =	vor.u32 v2, v1;
	_ =	sdelay $0x4  }
0x41: {  	v0 =	vshrl.u32 v0, $0xF;
	v1 =	vld.idx.msk [tilespmem:v1+s4+$0x0], $0xffff;
	_ =	sdelay $0x4  }
0x42: {  	[tilespmem:v0+s23+$0x0] =	vst.idx.msk $0xffff, v1  }
0x43: {  	v0 =	vld [tilespmem:s30+$0xC030];
	_ =	sdelay $0x4  }
0x44: {  	v49 =	vshll.u32 v0, $0x3  }
0x45: {  	v50 =	vshrl.u32 v0, $0x2;
	v51 =	vand.u32 $0x707F, v0;
	v1 =	vand.u32 $0xC00, v49  }
0x46: {  	v2 =	vand.u32 $0x380, v50;
	v1 =	vor.u32 v1, v51  }
0x47: {  	v1 =	vor.u32 v2, v1;
	_ =	sdelay $0x4  }
0x48: {  	v0 =	vshrl.u32 v0, $0xF;
	v1 =	vld.idx.msk [tilespmem:v1+s4+$0x0], $0xffff;
	_ =	sdelay $0x4  }
0x49: {  	[tilespmem:v0+s23+$0x0] =	vst.idx.msk $0xffff, v1  }
0x4a: {  	v0 =	vld [tilespmem:s30+$0xC040];
	_ =	sdelay $0x4  }
0x4b: {  	v52 =	vshll.u32 v0, $0x3  }
0x4c: {  	v53 =	vshrl.u32 v0, $0x2;
	v54 =	vand.u32 $0x707F, v0;
	v1 =	vand.u32 $0xC00, v52  }
0x4d: {  	v2 =	vand.u32 $0x380, v53;
	v1 =	vor.u32 v1, v54  }
0x4e: {  	v1 =	vor.u32 v2, v1;
	_ =	sdelay $0x4  }
0x4f: {  	v0 =	vshrl.u32 v0, $0xF;
	v1 =	vld.idx.msk [tilespmem:v1+s4+$0x0], $0xffff;
	_ =	sdelay $0x4  }
0x50: {  	[tilespmem:v0+s23+$0x0] =	vst.idx.msk $0xffff, v1  }
0x51: {  	v0 =	vld [tilespmem:s30+$0xC050];
	_ =	sdelay $0x4  }
0x52: {  	v55 =	vshll.u32 v0, $0x3  }
0x53: {  	v56 =	vshrl.u32 v0, $0x2;
	v57 =	vand.u32 $0x707F, v0;
	v1 =	vand.u32 $0xC00, v55  }
0x54: {  	v2 =	vand.u32 $0x380, v56;
	v1 =	vor.u32 v1, v57  }
0x55: {  	v1 =	vor.u32 v2, v1;
	_ =	sdelay $0x4  }
0x56: {  	v0 =	vshrl.u32 v0, $0xF;
	v1 =	vld.idx.msk [tilespmem:v1+s4+$0x0], $0xffff;
	_ =	sdelay $0x4  }
0x57: {  	[tilespmem:v0+s23+$0x0] =	vst.idx.msk $0xffff, v1  }
0x58: {  	v0 =	vld [tilespmem:s30+$0xC060];
	_ =	sdelay $0x4  }
0x59: {  	v58 =	vshll.u32 v0, $0x3  }
0x5a: {  	v59 =	vshrl.u32 v0, $0x2;
	v60 =	vand.u32 $0x707F, v0;
	v1 =	vand.u32 $0xC00, v58  }
0x5b: {  	v2 =	vand.u32 $0x380, v59;
	v1 =	vor.u32 v1, v60  }
0x5c: {  	v1 =	vor.u32 v2, v1;
	_ =	sdelay $0x4  }
0x5d: {  	v0 =	vshrl.u32 v0, $0xF;
	v1 =	vld.idx.msk [tilespmem:v1+s4+$0x0], $0xffff;
	_ =	sdelay $0x4  }
0x5e: {  	[tilespmem:v0+s23+$0x0] =	vst.idx.msk $0xffff, v1  }
0x5f: {  	v0 =	vld [tilespmem:s30+$0xC070];
	_ =	sdelay $0x4  }
0x60: {  	v61 =	vshll.u32 v0, $0x3  }
0x61: {  	v62 =	vshrl.u32 v0, $0x2;
	v63 =	vand.u32 $0x707F, v0;
	v1 =	vand.u32 $0xC00, v61  }
0x62: {  	v2 =	vand.u32 $0x380, v62;
	v1 =	vor.u32 v1, v63  }
0x63: {  	v1 =	vor.u32 v2, v1;
	_ =	sdelay $0x4  }
0x64: {  	p1 =	sne.s32 s29, $0x3000;
	v0 =	vshrl.u32 v0, $0xF;
	v1 =	vld.idx.msk [tilespmem:v1+s4+$0x0], $0xffff  }
.Ltmp3:
0x65: {  	_ = 	snop;
	(pc) =	sbr.rel @p1 .LBB2_4-.Ltmp3, $2  }
0x66: {  	_ =	sdelay $0x2  }
0x67: {  	s29 =	sadd.s32 $0x200, s29;
	[tilespmem:v0+s23+$0x0] =	vst.idx.msk $0xffff, v1  }
0x68: {  	s29 =	sshll.u32 s28, $0x1;
	p1 =	seq.s32 s28, $0x3  }
0x69: {  	s30 =	sadd.s32 @!p1 $0x2, s29  }
0x6a: {  	s31 =	smul.u32 @!p1 $0x6000, s30;
	_ =	sdelay $0x1  }
0x6b: {  	s31 =	sadd.s32 @!p1 s6, s31  }
0x6c: {  	s31 =	sshrl.u32 @!p1 s31, $0x3  }
0x6d: {  	s3 =	simm.s32 @!p1 $0x0;
	s30 =	smul.u32 @!p1 $0x3200, s30;
	s31 =	sadd.s32 @!p1 s1, s31  }
0x6e: {  	[tilespmem:s3], [sflag:$0x1] =	stream.linear.gather @!p1 [hbm4b:s31+s3], $0x6000, $0x38;
	[tilespmem:$0x13500] =	vst v63  }
0x6f: {  	s3 =	sadd.s32 @!p1 s8, s30  }
0x70: {  	s0 =	simm.s32 @!p1 $0xC000;
	s3 =	sshrl.u32 @!p1 s3, $0x3  }
0x71: {  	s30 =	simm.s32 @!p1 $0x80;
	s31 =	simm.s32 @!p1 $0x200;
	s3 =	sadd.s32 @!p1 s5, s3  }
0x72: {  	[tilespmem:s0], [sflag:$0x1] =	stream.strided.gather @!p1 [hbm4b:s3+s30], $0xC80, s31, s30, $0x38;
	[tilespmem:$0x13500] =	vst v63  }
0x73: {  	_ =	swait.ge [sflag:s24], $0x6000  }
0x74: {  	[sflag:s24] =	ssyncset.done $0x0  }
0x75: {  	[sflag:s24] =	ssyncadd.s32 $0xFFFFA000  }
0x76: {  	_ =	swait.ge [sflag:s24], $0xC80  }
0x77: {  	[sflag:s24] =	ssyncset.done $0x0  }
0x78: {  	s30 =	simm.s32 $0x0;
	[sflag:s24] =	ssyncadd.s32 $0xFFFFF380  }
.LBB2_6:
0x79: {  	s31 =	sshra.s32 s30, $0x2  }
0x7a: {  	v0 =	vld [tilespmem:s31+$0xCC80];
	_ =	sdelay $0x4  }
0x7b: {  	v1 =	vshll.u32 v0, $0x3  }
0x7c: {  	v2 =	vshrl.u32 v0, $0x2;
	v3 =	vand.u32 $0x707F, v0;
	v1 =	vand.u32 $0xC00, v1  }
0x7d: {  	v2 =	vand.u32 $0x380, v2;
	v1 =	vor.u32 v1, v3  }
0x7e: {  	v1 =	vor.u32 v2, v1;
	_ =	sdelay $0x4  }
0x7f: {  	v0 =	vshrl.u32 v0, $0xF;
	v1 =	vld.idx.msk [tilespmem:v1+s20+$0x0], $0xffff;
	_ =	sdelay $0x4  }
0x80: {  	[tilespmem:v0+s23+$0x0] =	vst.idx.msk $0xffff, v1  }
0x81: {  	v0 =	vld [tilespmem:s31+$0xCC90];
	_ =	sdelay $0x4  }
0x82: {  	v43 =	vshll.u32 v0, $0x3  }
0x83: {  	v44 =	vshrl.u32 v0, $0x2;
	v45 =	vand.u32 $0x707F, v0;
	v1 =	vand.u32 $0xC00, v43  }
0x84: {  	v2 =	vand.u32 $0x380, v44;
	v1 =	vor.u32 v1, v45  }
0x85: {  	v1 =	vor.u32 v2, v1;
	_ =	sdelay $0x4  }
0x86: {  	v0 =	vshrl.u32 v0, $0xF;
	v1 =	vld.idx.msk [tilespmem:v1+s20+$0x0], $0xffff;
	_ =	sdelay $0x4  }
0x87: {  	[tilespmem:v0+s23+$0x0] =	vst.idx.msk $0xffff, v1  }
0x88: {  	v0 =	vld [tilespmem:s31+$0xCCA0];
	_ =	sdelay $0x4  }
0x89: {  	v46 =	vshll.u32 v0, $0x3  }
0x8a: {  	v47 =	vshrl.u32 v0, $0x2;
	v48 =	vand.u32 $0x707F, v0;
	v1 =	vand.u32 $0xC00, v46  }
0x8b: {  	v2 =	vand.u32 $0x380, v47;
	v1 =	vor.u32 v1, v48  }
0x8c: {  	v1 =	vor.u32 v2, v1;
	_ =	sdelay $0x4  }
0x8d: {  	v0 =	vshrl.u32 v0, $0xF;
	v1 =	vld.idx.msk [tilespmem:v1+s20+$0x0], $0xffff;
	_ =	sdelay $0x4  }
0x8e: {  	[tilespmem:v0+s23+$0x0] =	vst.idx.msk $0xffff, v1  }
0x8f: {  	v0 =	vld [tilespmem:s31+$0xCCB0];
	_ =	sdelay $0x4  }
0x90: {  	v49 =	vshll.u32 v0, $0x3  }
0x91: {  	v50 =	vshrl.u32 v0, $0x2;
	v51 =	vand.u32 $0x707F, v0;
	v1 =	vand.u32 $0xC00, v49  }
0x92: {  	v2 =	vand.u32 $0x380, v50;
	v1 =	vor.u32 v1, v51  }
0x93: {  	v1 =	vor.u32 v2, v1;
	_ =	sdelay $0x4  }
0x94: {  	v0 =	vshrl.u32 v0, $0xF;
	v1 =	vld.idx.msk [tilespmem:v1+s20+$0x0], $0xffff;
	_ =	sdelay $0x4  }
0x95: {  	[tilespmem:v0+s23+$0x0] =	vst.idx.msk $0xffff, v1  }
0x96: {  	v0 =	vld [tilespmem:s31+$0xCCC0];
	_ =	sdelay $0x4  }
0x97: {  	v52 =	vshll.u32 v0, $0x3  }
0x98: {  	v53 =	vshrl.u32 v0, $0x2;
	v54 =	vand.u32 $0x707F, v0;
	v1 =	vand.u32 $0xC00, v52  }
0x99: {  	v2 =	vand.u32 $0x380, v53;
	v1 =	vor.u32 v1, v54  }
0x9a: {  	v1 =	vor.u32 v2, v1;
	_ =	sdelay $0x4  }
0x9b: {  	v0 =	vshrl.u32 v0, $0xF;
	v1 =	vld.idx.msk [tilespmem:v1+s20+$0x0], $0xffff;
	_ =	sdelay $0x4  }
0x9c: {  	[tilespmem:v0+s23+$0x0] =	vst.idx.msk $0xffff, v1  }
0x9d: {  	v0 =	vld [tilespmem:s31+$0xCCD0];
	_ =	sdelay $0x4  }
0x9e: {  	v55 =	vshll.u32 v0, $0x3  }
0x9f: {  	v56 =	vshrl.u32 v0, $0x2;
	v57 =	vand.u32 $0x707F, v0;
	v1 =	vand.u32 $0xC00, v55  }
0xa0: {  	v2 =	vand.u32 $0x380, v56;
	v1 =	vor.u32 v1, v57  }
0xa1: {  	v1 =	vor.u32 v2, v1;
	_ =	sdelay $0x4  }
0xa2: {  	v0 =	vshrl.u32 v0, $0xF;
	v1 =	vld.idx.msk [tilespmem:v1+s20+$0x0], $0xffff;
	_ =	sdelay $0x4  }
0xa3: {  	[tilespmem:v0+s23+$0x0] =	vst.idx.msk $0xffff, v1  }
0xa4: {  	v0 =	vld [tilespmem:s31+$0xCCE0];
	_ =	sdelay $0x4  }
0xa5: {  	v58 =	vshll.u32 v0, $0x3  }
0xa6: {  	v59 =	vshrl.u32 v0, $0x2;
	v60 =	vand.u32 $0x707F, v0;
	v1 =	vand.u32 $0xC00, v58  }
0xa7: {  	v2 =	vand.u32 $0x380, v59;
	v1 =	vor.u32 v1, v60  }
0xa8: {  	v1 =	vor.u32 v2, v1;
	_ =	sdelay $0x4  }
0xa9: {  	v0 =	vshrl.u32 v0, $0xF;
	v1 =	vld.idx.msk [tilespmem:v1+s20+$0x0], $0xffff;
	_ =	sdelay $0x4  }
0xaa: {  	[tilespmem:v0+s23+$0x0] =	vst.idx.msk $0xffff, v1  }
0xab: {  	v0 =	vld [tilespmem:s31+$0xCCF0];
	_ =	sdelay $0x4  }
0xac: {  	v61 =	vshll.u32 v0, $0x3  }
0xad: {  	v62 =	vshrl.u32 v0, $0x2;
	v63 =	vand.u32 $0x707F, v0;
	v1 =	vand.u32 $0xC00, v61  }
0xae: {  	v2 =	vand.u32 $0x380, v62;
	v1 =	vor.u32 v1, v63  }
0xaf: {  	v1 =	vor.u32 v2, v1;
	_ =	sdelay $0x4  }
0xb0: {  	p2 =	sne.s32 s30, $0x3000;
	v0 =	vshrl.u32 v0, $0xF;
	v1 =	vld.idx.msk [tilespmem:v1+s20+$0x0], $0xffff  }
.Ltmp4:
0xb1: {  	_ = 	snop;
	(pc) =	sbr.rel @p2 .LBB2_6-.Ltmp4, $2  }
0xb2: {  	_ =	sdelay $0x2  }
0xb3: {  	s30 =	sadd.s32 $0x200, s30;
	[tilespmem:v0+s23+$0x0] =	vst.idx.msk $0xffff, v1  }
.Ltmp5:
0xb4: {  	(pc) =	sbr.rel @p1 .LBB2_16-.Ltmp5, $1  }
0xb5: {  	_ =	sdelay $0x3  }
0xb6: {  	s0 =	sadd.s32 $0x3, s29  }
0xb7: {  	s3 =	smul.u32 $0x6000, s0  }
0xb8: {  	s0 =	smul.u32 $0x3200, s0  }
0xb9: {  	s3 =	sadd.s32 s6, s3  }
.Ltmp6:
0xba: {  	s0 =	sadd.s32 s8, s0;
	s3 =	sshrl.u32 s3, $0x3;
	(pc) =	sbr.rel .LBB2_3-.Ltmp6, $4  }
0xbb: {  	s0 =	sshrl.u32 s0, $0x3;
	s3 =	sadd.s32 s1, s3  }
0xbc: {  	[tilespmem:s20], [sflag:$0x2] =	stream.linear.gather [hbm4b:s3+s4], $0x6000, $0x38;
	[tilespmem:$0x13500] =	vst v63  }
0xbd: {  	s28 =	sadd.s32 $0x1, s28;
	s0 =	sadd.s32 s5, s0  }
0xbe: {  	[tilespmem:s21], [sflag:$0x2] =	stream.strided.gather [hbm4b:s0+s17], $0xC80, s18, s17, $0x38;
	[tilespmem:$0x13500] =	vst v63  }
.LBB2_9:
0xbf: {  	[tilespmem:s28], [sflag:$0x1] =	stream.linear.gather [hbm4b:s9+s28], $0x6000, $0x38;
	[tilespmem:$0x13500] =	vst v63  }
0xc0: {  	_ = 	snop  }
0xc1: {  	[tilespmem:s19], [sflag:$0x1] =	stream.strided.gather [hbm4b:s10+s17], $0xC80, s18, s17, $0x38;
	[tilespmem:$0x13500] =	vst v63  }
0xc2: {  	_ = 	snop  }
0xc3: {  	[tilespmem:s20], [sflag:$0x2] =	stream.linear.gather [hbm4b:s11+s28], $0x6000, $0x38;
	[tilespmem:$0x13500] =	vst v63  }
0xc4: {  	_ = 	snop  }
0xc5: {  	[tilespmem:s21], [sflag:$0x2] =	stream.strided.gather [hbm4b:s13+s17], $0xC80, s18, s17, $0x38;
	[tilespmem:$0x13500] =	vst v63  }
.LBB2_10:
0xc6: {  	_ =	swait.ge [sflag:s22], $0x6000  }
0xc7: {  	[sflag:s22] =	ssyncset.done $0x0  }
0xc8: {  	[sflag:s22] =	ssyncadd.s32 $0xFFFFA000  }
0xc9: {  	_ =	swait.ge [sflag:s22], $0xC80  }
0xca: {  	[sflag:s22] =	ssyncset.done $0x0  }
0xcb: {  	s29 =	simm.s32 $0x0;
	[sflag:s22] =	ssyncadd.s32 $0xFFFFF380  }
.LBB2_11:
0xcc: {  	s30 =	sshra.s32 s29, $0x2  }
0xcd: {  	v0 =	vld [tilespmem:s30+$0xC000];
	_ =	sdelay $0x4  }
0xce: {  	v1 =	vshll.u32 v0, $0x3  }
0xcf: {  	v2 =	vshrl.u32 v0, $0x2;
	v3 =	vand.u32 $0x707F, v0;
	v1 =	vand.u32 $0xC00, v1  }
0xd0: {  	v2 =	vand.u32 $0x380, v2;
	v1 =	vor.u32 v1, v3  }
0xd1: {  	v1 =	vor.u32 v2, v1;
	_ =	sdelay $0x4  }
0xd2: {  	v0 =	vshrl.u32 v0, $0xF;
	v1 =	vld.idx.msk [tilespmem:v1+s4+$0x0], $0xffff;
	_ =	sdelay $0x4  }
0xd3: {  	[tilespmem:v0+s23+$0x0] =	vst.idx.msk $0xffff, v1  }
0xd4: {  	v0 =	vld [tilespmem:s30+$0xC010];
	_ =	sdelay $0x4  }
0xd5: {  	v43 =	vshll.u32 v0, $0x3  }
0xd6: {  	v44 =	vshrl.u32 v0, $0x2;
	v45 =	vand.u32 $0x707F, v0;
	v1 =	vand.u32 $0xC00, v43  }
0xd7: {  	v2 =	vand.u32 $0x380, v44;
	v1 =	vor.u32 v1, v45  }
0xd8: {  	v1 =	vor.u32 v2, v1;
	_ =	sdelay $0x4  }
0xd9: {  	v0 =	vshrl.u32 v0, $0xF;
	v1 =	vld.idx.msk [tilespmem:v1+s4+$0x0], $0xffff;
	_ =	sdelay $0x4  }
0xda: {  	[tilespmem:v0+s23+$0x0] =	vst.idx.msk $0xffff, v1  }
0xdb: {  	v0 =	vld [tilespmem:s30+$0xC020];
	_ =	sdelay $0x4  }
0xdc: {  	v46 =	vshll.u32 v0, $0x3  }
0xdd: {  	v47 =	vshrl.u32 v0, $0x2;
	v48 =	vand.u32 $0x707F, v0;
	v1 =	vand.u32 $0xC00, v46  }
0xde: {  	v2 =	vand.u32 $0x380, v47;
	v1 =	vor.u32 v1, v48  }
0xdf: {  	v1 =	vor.u32 v2, v1;
	_ =	sdelay $0x4  }
0xe0: {  	v0 =	vshrl.u32 v0, $0xF;
	v1 =	vld.idx.msk [tilespmem:v1+s4+$0x0], $0xffff;
	_ =	sdelay $0x4  }
0xe1: {  	[tilespmem:v0+s23+$0x0] =	vst.idx.msk $0xffff, v1  }
0xe2: {  	v0 =	vld [tilespmem:s30+$0xC030];
	_ =	sdelay $0x4  }
0xe3: {  	v49 =	vshll.u32 v0, $0x3  }
0xe4: {  	v50 =	vshrl.u32 v0, $0x2;
	v51 =	vand.u32 $0x707F, v0;
	v1 =	vand.u32 $0xC00, v49  }
0xe5: {  	v2 =	vand.u32 $0x380, v50;
	v1 =	vor.u32 v1, v51  }
0xe6: {  	v1 =	vor.u32 v2, v1;
	_ =	sdelay $0x4  }
0xe7: {  	v0 =	vshrl.u32 v0, $0xF;
	v1 =	vld.idx.msk [tilespmem:v1+s4+$0x0], $0xffff;
	_ =	sdelay $0x4  }
0xe8: {  	[tilespmem:v0+s23+$0x0] =	vst.idx.msk $0xffff, v1  }
0xe9: {  	v0 =	vld [tilespmem:s30+$0xC040];
	_ =	sdelay $0x4  }
0xea: {  	v52 =	vshll.u32 v0, $0x3  }
0xeb: {  	v53 =	vshrl.u32 v0, $0x2;
	v54 =	vand.u32 $0x707F, v0;
	v1 =	vand.u32 $0xC00, v52  }
0xec: {  	v2 =	vand.u32 $0x380, v53;
	v1 =	vor.u32 v1, v54  }
0xed: {  	v1 =	vor.u32 v2, v1;
	_ =	sdelay $0x4  }
0xee: {  	v0 =	vshrl.u32 v0, $0xF;
	v1 =	vld.idx.msk [tilespmem:v1+s4+$0x0], $0xffff;
	_ =	sdelay $0x4  }
0xef: {  	[tilespmem:v0+s23+$0x0] =	vst.idx.msk $0xffff, v1  }
0xf0: {  	v0 =	vld [tilespmem:s30+$0xC050];
	_ =	sdelay $0x4  }
0xf1: {  	v55 =	vshll.u32 v0, $0x3  }
0xf2: {  	v56 =	vshrl.u32 v0, $0x2;
	v57 =	vand.u32 $0x707F, v0;
	v1 =	vand.u32 $0xC00, v55  }
0xf3: {  	v2 =	vand.u32 $0x380, v56;
	v1 =	vor.u32 v1, v57  }
0xf4: {  	v1 =	vor.u32 v2, v1;
	_ =	sdelay $0x4  }
0xf5: {  	v0 =	vshrl.u32 v0, $0xF;
	v1 =	vld.idx.msk [tilespmem:v1+s4+$0x0], $0xffff;
	_ =	sdelay $0x4  }
0xf6: {  	[tilespmem:v0+s23+$0x0] =	vst.idx.msk $0xffff, v1  }
0xf7: {  	v0 =	vld [tilespmem:s30+$0xC060];
	_ =	sdelay $0x4  }
0xf8: {  	v58 =	vshll.u32 v0, $0x3  }
0xf9: {  	v59 =	vshrl.u32 v0, $0x2;
	v60 =	vand.u32 $0x707F, v0;
	v1 =	vand.u32 $0xC00, v58  }
0xfa: {  	v2 =	vand.u32 $0x380, v59;
	v1 =	vor.u32 v1, v60  }
0xfb: {  	v1 =	vor.u32 v2, v1;
	_ =	sdelay $0x4  }
0xfc: {  	v0 =	vshrl.u32 v0, $0xF;
	v1 =	vld.idx.msk [tilespmem:v1+s4+$0x0], $0xffff;
	_ =	sdelay $0x4  }
0xfd: {  	[tilespmem:v0+s23+$0x0] =	vst.idx.msk $0xffff, v1  }
0xfe: {  	v0 =	vld [tilespmem:s30+$0xC070];
	_ =	sdelay $0x4  }
0xff: {  	v61 =	vshll.u32 v0, $0x3  }
0x100: {  	v62 =	vshrl.u32 v0, $0x2;
	v63 =	vand.u32 $0x707F, v0;
	v1 =	vand.u32 $0xC00, v61  }
0x101: {  	v2 =	vand.u32 $0x380, v62;
	v1 =	vor.u32 v1, v63  }
0x102: {  	v1 =	vor.u32 v2, v1;
	_ =	sdelay $0x4  }
0x103: {  	p1 =	sne.s32 s29, $0x3000;
	v0 =	vshrl.u32 v0, $0xF;
	v1 =	vld.idx.msk [tilespmem:v1+s4+$0x0], $0xffff  }
.Ltmp7:
0x104: {  	_ = 	snop;
	(pc) =	sbr.rel @p1 .LBB2_11-.Ltmp7, $2  }
0x105: {  	_ =	sdelay $0x2  }
0x106: {  	s29 =	sadd.s32 $0x200, s29;
	[tilespmem:v0+s23+$0x0] =	vst.idx.msk $0xffff, v1  }
0x107: {  	s29 =	sshll.u32 s28, $0x1;
	p1 =	seq.s32 s28, $0x3  }
0x108: {  	s0 =	sadd.s32 @!p1 $0x2, s29  }
0x109: {  	s3 =	smul.u32 @!p1 $0x6000, s0  }
0x10a: {  	s0 =	smul.u32 @!p1 $0x3200, s0  }
0x10b: {  	s3 =	sadd.s32 @!p1 s7, s3  }
0x10c: {  	s30 =	simm.s32 @!p1 $0x0;
	s0 =	sadd.s32 @!p1 s8, s0;
	s3 =	sshrl.u32 @!p1 s3, $0x3  }
0x10d: {  	s31 =	simm.s32 @!p1 $0xC000;
	s0 =	sshrl.u32 @!p1 s0, $0x3;
	s3 =	sadd.s32 @!p1 s2, s3  }
0x10e: {  	[tilespmem:s30], [sflag:$0x1] =	stream.linear.gather @!p1 [hbm4b:s3+s30], $0x6000, $0x38;
	[tilespmem:$0x13500] =	vst v63  }
0x10f: {  	s0 =	sadd.s32 @!p1 s5, s0;
	s3 =	simm.s32 @!p1 $0x80;
	s30 =	simm.s32 @!p1 $0x200  }
0x110: {  	[tilespmem:s31], [sflag:$0x1] =	stream.strided.gather @!p1 [hbm4b:s0+s3], $0xC80, s30, s3, $0x38;
	[tilespmem:$0x13500] =	vst v63  }
0x111: {  	_ =	swait.ge [sflag:s24], $0x6000  }
0x112: {  	[sflag:s24] =	ssyncset.done $0x0  }
0x113: {  	[sflag:s24] =	ssyncadd.s32 $0xFFFFA000  }
0x114: {  	_ =	swait.ge [sflag:s24], $0xC80  }
0x115: {  	[sflag:s24] =	ssyncset.done $0x0  }
0x116: {  	s30 =	simm.s32 $0x0;
	[sflag:s24] =	ssyncadd.s32 $0xFFFFF380  }
.LBB2_13:
0x117: {  	s31 =	sshra.s32 s30, $0x2  }
0x118: {  	v0 =	vld [tilespmem:s31+$0xCC80];
	_ =	sdelay $0x4  }
0x119: {  	v1 =	vshll.u32 v0, $0x3  }
0x11a: {  	v2 =	vshrl.u32 v0, $0x2;
	v3 =	vand.u32 $0x707F, v0;
	v1 =	vand.u32 $0xC00, v1  }
0x11b: {  	v2 =	vand.u32 $0x380, v2;
	v1 =	vor.u32 v1, v3  }
0x11c: {  	v1 =	vor.u32 v2, v1;
	_ =	sdelay $0x4  }
0x11d: {  	v0 =	vshrl.u32 v0, $0xF;
	v1 =	vld.idx.msk [tilespmem:v1+s20+$0x0], $0xffff;
	_ =	sdelay $0x4  }
0x11e: {  	[tilespmem:v0+s23+$0x0] =	vst.idx.msk $0xffff, v1  }
0x11f: {  	v0 =	vld [tilespmem:s31+$0xCC90];
	_ =	sdelay $0x4  }
0x120: {  	v43 =	vshll.u32 v0, $0x3  }
0x121: {  	v44 =	vshrl.u32 v0, $0x2;
	v45 =	vand.u32 $0x707F, v0;
	v1 =	vand.u32 $0xC00, v43  }
0x122: {  	v2 =	vand.u32 $0x380, v44;
	v1 =	vor.u32 v1, v45  }
0x123: {  	v1 =	vor.u32 v2, v1;
	_ =	sdelay $0x4  }
0x124: {  	v0 =	vshrl.u32 v0, $0xF;
	v1 =	vld.idx.msk [tilespmem:v1+s20+$0x0], $0xffff;
	_ =	sdelay $0x4  }
0x125: {  	[tilespmem:v0+s23+$0x0] =	vst.idx.msk $0xffff, v1  }
0x126: {  	v0 =	vld [tilespmem:s31+$0xCCA0];
	_ =	sdelay $0x4  }
0x127: {  	v46 =	vshll.u32 v0, $0x3  }
0x128: {  	v47 =	vshrl.u32 v0, $0x2;
	v48 =	vand.u32 $0x707F, v0;
	v1 =	vand.u32 $0xC00, v46  }
0x129: {  	v2 =	vand.u32 $0x380, v47;
	v1 =	vor.u32 v1, v48  }
0x12a: {  	v1 =	vor.u32 v2, v1;
	_ =	sdelay $0x4  }
0x12b: {  	v0 =	vshrl.u32 v0, $0xF;
	v1 =	vld.idx.msk [tilespmem:v1+s20+$0x0], $0xffff;
	_ =	sdelay $0x4  }
0x12c: {  	[tilespmem:v0+s23+$0x0] =	vst.idx.msk $0xffff, v1  }
0x12d: {  	v0 =	vld [tilespmem:s31+$0xCCB0];
	_ =	sdelay $0x4  }
0x12e: {  	v49 =	vshll.u32 v0, $0x3  }
0x12f: {  	v50 =	vshrl.u32 v0, $0x2;
	v51 =	vand.u32 $0x707F, v0;
	v1 =	vand.u32 $0xC00, v49  }
0x130: {  	v2 =	vand.u32 $0x380, v50;
	v1 =	vor.u32 v1, v51  }
0x131: {  	v1 =	vor.u32 v2, v1;
	_ =	sdelay $0x4  }
0x132: {  	v0 =	vshrl.u32 v0, $0xF;
	v1 =	vld.idx.msk [tilespmem:v1+s20+$0x0], $0xffff;
	_ =	sdelay $0x4  }
0x133: {  	[tilespmem:v0+s23+$0x0] =	vst.idx.msk $0xffff, v1  }
0x134: {  	v0 =	vld [tilespmem:s31+$0xCCC0];
	_ =	sdelay $0x4  }
0x135: {  	v52 =	vshll.u32 v0, $0x3  }
0x136: {  	v53 =	vshrl.u32 v0, $0x2;
	v54 =	vand.u32 $0x707F, v0;
	v1 =	vand.u32 $0xC00, v52  }
0x137: {  	v2 =	vand.u32 $0x380, v53;
	v1 =	vor.u32 v1, v54  }
0x138: {  	v1 =	vor.u32 v2, v1;
	_ =	sdelay $0x4  }
0x139: {  	v0 =	vshrl.u32 v0, $0xF;
	v1 =	vld.idx.msk [tilespmem:v1+s20+$0x0], $0xffff;
	_ =	sdelay $0x4  }
0x13a: {  	[tilespmem:v0+s23+$0x0] =	vst.idx.msk $0xffff, v1  }
0x13b: {  	v0 =	vld [tilespmem:s31+$0xCCD0];
	_ =	sdelay $0x4  }
0x13c: {  	v55 =	vshll.u32 v0, $0x3  }
0x13d: {  	v56 =	vshrl.u32 v0, $0x2;
	v57 =	vand.u32 $0x707F, v0;
	v1 =	vand.u32 $0xC00, v55  }
0x13e: {  	v2 =	vand.u32 $0x380, v56;
	v1 =	vor.u32 v1, v57  }
0x13f: {  	v1 =	vor.u32 v2, v1;
	_ =	sdelay $0x4  }
0x140: {  	v0 =	vshrl.u32 v0, $0xF;
	v1 =	vld.idx.msk [tilespmem:v1+s20+$0x0], $0xffff;
	_ =	sdelay $0x4  }
0x141: {  	[tilespmem:v0+s23+$0x0] =	vst.idx.msk $0xffff, v1  }
0x142: {  	v0 =	vld [tilespmem:s31+$0xCCE0];
	_ =	sdelay $0x4  }
0x143: {  	v58 =	vshll.u32 v0, $0x3  }
0x144: {  	v59 =	vshrl.u32 v0, $0x2;
	v60 =	vand.u32 $0x707F, v0;
	v1 =	vand.u32 $0xC00, v58  }
0x145: {  	v2 =	vand.u32 $0x380, v59;
	v1 =	vor.u32 v1, v60  }
0x146: {  	v1 =	vor.u32 v2, v1;
	_ =	sdelay $0x4  }
0x147: {  	v0 =	vshrl.u32 v0, $0xF;
	v1 =	vld.idx.msk [tilespmem:v1+s20+$0x0], $0xffff;
	_ =	sdelay $0x4  }
0x148: {  	[tilespmem:v0+s23+$0x0] =	vst.idx.msk $0xffff, v1  }
0x149: {  	v0 =	vld [tilespmem:s31+$0xCCF0];
	_ =	sdelay $0x4  }
0x14a: {  	v61 =	vshll.u32 v0, $0x3  }
0x14b: {  	v62 =	vshrl.u32 v0, $0x2;
	v63 =	vand.u32 $0x707F, v0;
	v1 =	vand.u32 $0xC00, v61  }
0x14c: {  	v2 =	vand.u32 $0x380, v62;
	v1 =	vor.u32 v1, v63  }
0x14d: {  	v1 =	vor.u32 v2, v1;
	_ =	sdelay $0x4  }
0x14e: {  	p2 =	sne.s32 s30, $0x3000;
	v0 =	vshrl.u32 v0, $0xF;
	v1 =	vld.idx.msk [tilespmem:v1+s20+$0x0], $0xffff  }
.Ltmp8:
0x14f: {  	_ = 	snop;
	(pc) =	sbr.rel @p2 .LBB2_13-.Ltmp8, $2  }
0x150: {  	_ =	sdelay $0x2  }
0x151: {  	s30 =	sadd.s32 $0x200, s30;
	[tilespmem:v0+s23+$0x0] =	vst.idx.msk $0xffff, v1  }
.Ltmp9:
0x152: {  	(pc) =	sbr.rel @p1 .LBB2_16-.Ltmp9, $1  }
0x153: {  	_ =	sdelay $0x3  }
0x154: {  	s0 =	sadd.s32 $0x3, s29  }
0x155: {  	s3 =	smul.u32 $0x6000, s0  }
0x156: {  	s0 =	smul.u32 $0x3200, s0  }
0x157: {  	s3 =	sadd.s32 s7, s3  }
.Ltmp10:
0x158: {  	s0 =	sadd.s32 s8, s0;
	s3 =	sshrl.u32 s3, $0x3;
	(pc) =	sbr.rel .LBB2_10-.Ltmp10, $4  }
0x159: {  	s0 =	sshrl.u32 s0, $0x3;
	s3 =	sadd.s32 s2, s3  }
0x15a: {  	[tilespmem:s20], [sflag:$0x2] =	stream.linear.gather [hbm4b:s3+s4], $0x6000, $0x38;
	[tilespmem:$0x13500] =	vst v63  }
0x15b: {  	s28 =	sadd.s32 $0x1, s28;
	s0 =	sadd.s32 s5, s0  }
0x15c: {  	[tilespmem:s21], [sflag:$0x2] =	stream.strided.gather [hbm4b:s0+s17], $0xC80, s18, s17, $0x38;
	[tilespmem:$0x13500] =	vst v63  }
.LBB2_17:
0x15d: {  	_ =	sfence.sel $0x180000  }
0x15e: {  	[bflag:$0x0] =	sbarrier.arrive $0xFFFF  }
0x15f: {  	_ =	strace $0x90000047  }
0x160: {  	s0 =	stileid.u32;
	[bflag:$0x2] =	sbarrier.arrive $0xFFFF  }
0x161: {  	p0 =	sne.s32 s0, $0x0;
	s0 =	rddreg [dreg:$0x3]  }
0x162: {  	s0 =	sadd.s32 @!p0 $0x100000, s0  }
0x163: {  	[sflag:s0] =	ssyncadd.tile.s32 @!p0 $0x1;
	_ =	shalt  }
.Lfunc_end2:
_tile_overlayer_lowered:
.L_overlay_start_2:
0x164: {  	(tag) =	ssettag $0x2  }
0x165: {  	s0 =	rddreg [dreg:$0x0];
	s2 =	stileid.u32  }
0x166: {  	s1 =	rddreg [dreg:$0x1];
	p0 =	sne.s32 s2, $0x0  }
0x167: {  	s3 =	rddreg [dreg:$0x2];
	[bflag:$0x3] =	sbarrier.arrive $0xFFFF;
	s2 =	simm.s32 @!p0 $0x1C03  }
0x168: {  	[timem:s3], [sflag:s2] =	dma.local @!p0 [hbm:s0], s1  }
0x169: {  	s0 =	simm.s32 @!p0 $0x3  }
0x16a: {  	_ =	swait.ge @!p0 [sflag:s0], s1  }
0x16b: {  	s1 =	ssub.s32 @!p0 $0x0, s1;
	[sflag:s0] =	ssyncset.done @!p0 $0x0  }
0x16c: {  	[sflag:s0] =	ssyncadd.s32 @!p0 s1  }
0x16d: {  	[bflag:$0x3] =	sbarrier.arrive $0xFFFF  }
0x16e: {  	_ =	shalt  }

</sc_bundles>
